<compile_context>
chip_gen: v7x
topology: tpu7x:2x2x1
jax: 0.10.2.dev20260603
libtpu: 0.0.44.dev20260713+nightly
codegen_flags: <defaults>
</compile_context>

<pallas_src>
import functools

import jax
import jax.numpy as jnp
from jax import lax
from jax.experimental import pallas as pl
from jax.experimental.pallas import tpu as pltpu
from jax.experimental.pallas import tpu_sc as plsc

_C = 128
_NW = 32
_L = 16
_HI = -65536

_DNUMS = lax.GatherDimensionNumbers(
    offset_dims=(), collapsed_slice_dims=(0,), start_index_map=(0,))


def _lane_shuffle(v, perm):
    return lax.gather(v, perm[:, None], _DNUMS, slice_sizes=(1,),
                      mode=lax.GatherScatterMode.PROMISE_IN_BOUNDS)


def _f32(x):
    return lax.bitcast_convert_type(x, jnp.float32)


def _dot_chunk(urows, vrows, obuf, DW):
    lane = lax.iota(jnp.int32, _L)

    def g_body(g, carry):
        row0 = g * _L

        m1 = (lane & 1) != 0
        lane2 = lane >> 1

        def e_body(e, tot):
            row = row0 + 2 * e
            accs = []
            for k in range(2):
                r = row + k
                uw = urows[r, pl.ds(0, _L)]
                vw = vrows[r, pl.ds(0, _L)]
                acc0 = _f32(uw << 16) * _f32(vw << 16)
                acc1 = _f32(uw) * _f32(vw)
                for j in range(1, DW // _L):
                    uw = urows[r, pl.ds(j * _L, _L)]
                    vw = vrows[r, pl.ds(j * _L, _L)]
                    acc0 = acc0 + _f32(uw << 16) * _f32(vw << 16)
                    acc1 = acc1 + _f32(uw) * _f32(vw)
                accs.append(acc0 + acc1)
            a = jnp.where(m1, accs[1], accs[0])
            b = _lane_shuffle(jnp.where(m1, accs[0], accs[1]), lane ^ 1)
            c = a + b
            for s in (2, 4, 8):
                c = c + _lane_shuffle(c, lane ^ s)
            tot = jnp.where(lane2 == e, c, tot)
            return tot

        tot = lax.fori_loop(0, _L // 2, e_body, jnp.zeros((_L,), jnp.float32))
        obuf[pl.ds(row0, _L)] = tot
        return carry

    lax.fori_loop(0, _C // _L, g_body, 0)


def kernel(new_ft, raw_ft, edge_index):
    N, D = new_ft.shape
    E = edge_index.shape[1]
    DW = D // 2
    assert E % _C == 0
    num_chunks = E // _C
    nfull = num_chunks // _NW
    rem = num_chunks % _NW
    assert nfull >= 2

    def _pack(x):
        xi = lax.bitcast_convert_type(x, jnp.int32)
        t = xi + 0x7FFF + ((xi >> 16) & 1)
        lo = (t[:, :DW] >> 16) & 0xFFFF
        hi = t[:, DW:] & _HI
        return hi | lo

    new_w = _pack(new_ft)
    raw_w = _pack(raw_ft)

    eidx = (edge_index.astype(jnp.int32)
            .reshape(2, num_chunks, _C).transpose(1, 0, 2))

    mesh = plsc.VectorSubcoreMesh(core_axis_name="c", subcore_axis_name="s")

    @functools.partial(
        pl.kernel,
        mesh=mesh,
        out_type=jax.ShapeDtypeStruct((E,), jnp.float32),
        scratch_types=[
            pltpu.VMEM((2, _C), jnp.int32),
            pltpu.VMEM((2, _C), jnp.int32),
            pltpu.VMEM((_C, 128), jnp.int32),
            pltpu.VMEM((_C, 128), jnp.int32),
            pltpu.VMEM((_C, 128), jnp.int32),
            pltpu.VMEM((_C, 128), jnp.int32),
            pltpu.VMEM((_C,), jnp.float32),
            pltpu.VMEM((_C,), jnp.float32),
            pltpu.SemaphoreType.DMA,
            pltpu.SemaphoreType.DMA,
            pltpu.SemaphoreType.DMA,
            pltpu.SemaphoreType.DMA,
            pltpu.SemaphoreType.DMA,
            pltpu.SemaphoreType.DMA,
            pltpu.SemaphoreType.DMA,
            pltpu.SemaphoreType.DMA,
        ],
    )
    def sc_kernel(new_hbm, raw_hbm, idx_hbm, out_hbm,
                  idx0, idx1,
                  urows0, vrows0, urows1, vrows1, obuf0, obuf1,
                  su0, sv0, su1, sv1, so0, so1, si0, si1):
        wid = lax.axis_index("s") * 2 + lax.axis_index("c")
        n_me = jnp.where(wid < rem, nfull + 1, nfull) if rem else nfull

        bufs = ((idx0, urows0, vrows0, su0, sv0, obuf0, so0, si0),
                (idx1, urows1, vrows1, su1, sv1, obuf1, so1, si1))

        def fetch_idx(i):
            t = wid + i * _NW
            for b in range(2):
                @pl.when(i % 2 == b)
                def _(b=b):
                    idx, _, _, _, _, _, _, si = bufs[b]
                    pltpu.make_async_copy(idx_hbm.at[t], idx, si).start()

        def start_gathers(i):
            for b in range(2):
                @pl.when(i % 2 == b)
                def _(b=b):
                    idx, ub, vb, su, sv, _, _, si = bufs[b]
                    pltpu.make_async_copy(idx_hbm.at[0], idx, si).wait()
                    pltpu.make_async_copy(new_hbm.at[idx.at[0]], ub, su).start()
                    pltpu.make_async_copy(raw_hbm.at[idx.at[1]], vb, sv).start()

        def body(i, carry):
            base = (wid + i * _NW) * _C
            for b in range(2):
                @pl.when(i % 2 == b)
                def _(b=b):
                    idx, ub, vb, su, sv, ob, so, si = bufs[b]
                    pltpu.make_async_copy(new_hbm.at[idx.at[0]], ub, su).wait()
                    pltpu.make_async_copy(raw_hbm.at[idx.at[1]], vb, sv).wait()

            @pl.when(i + 1 < n_me)
            def _():
                start_gathers(i + 1)

            @pl.when(i + 2 < n_me)
            def _():
                fetch_idx(i + 2)

            for b in range(2):
                @pl.when(i % 2 == b)
                def _(b=b):
                    idx, ub, vb, su, sv, ob, so, si = bufs[b]

                    @pl.when(i >= 2)
                    def _():
                        pltpu.make_async_copy(
                            ob, out_hbm.at[pl.ds(base, _C)], so).wait()

                    _dot_chunk(ub, vb, ob, DW)
                    pltpu.make_async_copy(
                        ob, out_hbm.at[pl.ds(base, _C)], so).start()
            return carry

        fetch_idx(0)
        fetch_idx(1)
        start_gathers(0)
        lax.fori_loop(0, n_me, body, 0)
        pltpu.make_async_copy(obuf0, out_hbm.at[pl.ds(0, _C)], so0).wait()
        pltpu.make_async_copy(obuf1, out_hbm.at[pl.ds(0, _C)], so1).wait()

    out = sc_kernel(new_w, raw_w, eidx)
    return out.reshape(E, 1)

# --- scband reference (transcript-rebuilt; emitter-appended) ---
"""Pipeline reference for scband-dot-product-predictor-9216999817731 (READ-ONLY COPY).

The authoritative reference and input builder live on the scoring server;
editing this copy changes nothing except your own understanding.
"""

import jax, jax.numpy as jnp
import numpy as np

N_NODES = 10000
N_EDGES = 160000
D_FEAT = 256

def setup_inputs(seed: int = 0) -> dict:
    key = jax.random.key(seed)
    k1, k2, k3 = jax.random.split(key, 3)
    new_ft = jax.random.normal(k1, (N_NODES, D_FEAT), dtype=jnp.float32)
    raw_ft = jax.random.normal(k2, (N_NODES, D_FEAT), dtype=jnp.float32)
    edge_index = jax.random.randint(k3, (2, N_EDGES), 0, N_NODES, dtype=jnp.int64)
    return {"new_ft": new_ft, "raw_ft": raw_ft, "edge_index": edge_index}

def reference(new_ft, raw_ft, edge_index):
    # DGL apply_edges(fn.u_dot_v('nft', 'rft', 'score')):
    # for each edge (u, v): score = sum(new_ft[u] * raw_ft[v]), shape [E, 1]
    src = edge_index[0]
    dst = edge_index[1]
    u_feat = jnp.take(new_ft, src, axis=0)   # gather [E, d]
    v_feat = jnp.take(raw_ft, dst, axis=0)   # gather [E, d]
    score = jnp.sum(u_feat * v_feat, axis=-1, keepdims=True)  # [E, 1]
    return score

if __name__ == "__main__":
    import jax
    _d = setup_inputs()
    print(jax.jit(kernel)(*tuple(_d.values())))

</pallas_src>

<mosaic_0001>
#map = affine_map<(d0, d1) -> (0, 0)>
#map1 = affine_map<(d0, d1) -> (0, 0, 0)>
#map2 = affine_map<(d0, d1) -> (0)>
module attributes {stable_mosaic.version = 14 : i64} {
  func.func @sc_kernel(%arg0: i32, %arg1: i32, %arg2: memref<10000x128xi32, #tpu.memory_space<hbm>>, %arg3: memref<10000x128xi32, #tpu.memory_space<hbm>>, %arg4: memref<1250x2x128xi32, #tpu.memory_space<hbm>>, %arg5: memref<160000xf32, #tpu.memory_space<hbm>>, %arg6: memref<2x128xi32, #tpu.memory_space<vmem>>, %arg7: memref<2x128xi32, #tpu.memory_space<vmem>>, %arg8: memref<128x128xi32, #tpu.memory_space<vmem>>, %arg9: memref<128x128xi32, #tpu.memory_space<vmem>>, %arg10: memref<128x128xi32, #tpu.memory_space<vmem>>, %arg11: memref<128x128xi32, #tpu.memory_space<vmem>>, %arg12: memref<128xf32, #tpu.memory_space<vmem>>, %arg13: memref<128xf32, #tpu.memory_space<vmem>>, %arg14: memref<!tpu.dma_semaphore, #tpu.memory_space<semaphore_mem>>, %arg15: memref<!tpu.dma_semaphore, #tpu.memory_space<semaphore_mem>>, %arg16: memref<!tpu.dma_semaphore, #tpu.memory_space<semaphore_mem>>, %arg17: memref<!tpu.dma_semaphore, #tpu.memory_space<semaphore_mem>>, %arg18: memref<!tpu.dma_semaphore, #tpu.memory_space<semaphore_mem>>, %arg19: memref<!tpu.dma_semaphore, #tpu.memory_space<semaphore_mem>>, %arg20: memref<!tpu.dma_semaphore, #tpu.memory_space<semaphore_mem>>, %arg21: memref<!tpu.dma_semaphore, #tpu.memory_space<semaphore_mem>>) attributes {dimension_semantics = [#tpu.dimension_semantics<core_parallel>, #tpu.dimension_semantics<subcore_parallel>], iteration_bounds = array<i64: 2, 16>, scalar_prefetch = 0 : i64, scratch_operands = 16 : i64, tpu.core_type = #tpu.core_type<sc_vector_subcore>, window_params = [{transform_indices = #map}, {transform_indices = #map}, {transform_indices = #map1}, {transform_indices = #map2}]} {
    %mul3A = arith.constant 2 : i32
    %mul3A_0 = arith.muli %arg1, %mul3A : i32
    %add3A = arith.addi %mul3A_0, %arg0 : i32
    %lt3A = arith.constant 2 : i32
    %lt3A_1 = arith.cmpi slt, %add3A, %lt3A : i32
    %jit3A = arith.constant 40 : i32
    %jit3A_2 = arith.constant 39 : i32
    %select_n3A = arith.select %lt3A_1, %jit3A, %jit3A_2 : i32
    %add3A_3 = arith.constant 0 : i32
    %add3A_4 = arith.addi %add3A, %add3A_3 : i32
    %dma_start3A = arith.constant 0 : i32
    %dma_start3A_5 = arith.constant 0 : i32
    %dma_start3A_6 = tpu.memref_slice %arg4[%add3A_4, %dma_start3A, %dma_start3A_5] : memref<1250x2x128xi32, #tpu.memory_space<hbm>> -> memref<1x2x128xi32, #tpu.memory_space<hbm>>
    %dma_start3A_7 = tpu.memref_squeeze %dma_start3A_6 : memref<1x2x128xi32, #tpu.memory_space<hbm>> -> memref<2x128xi32, #tpu.memory_space<hbm>>
    %dma_start3A_8 = arith.constant 0 : i32
    %dma_start3A_9 = arith.constant 0 : i32
    %dma_start3A_10 = tpu.memref_slice %arg4[%add3A_4, %dma_start3A_8, %dma_start3A_9] : memref<1250x2x128xi32, #tpu.memory_space<hbm>> -> memref<1x2x128xi32, #tpu.memory_space<hbm>>
    %dma_start3A_11 = tpu.memref_squeeze %dma_start3A_10 : memref<1x2x128xi32, #tpu.memory_space<hbm>> -> memref<2x128xi32, #tpu.memory_space<hbm>>
    tpu.enqueue_dma source(%dma_start3A_11 : memref<2x128xi32, #tpu.memory_space<hbm>>) target(%arg6 : memref<2x128xi32, #tpu.memory_space<vmem>>) target_semaphore(%arg20 : memref<!tpu.dma_semaphore, #tpu.memory_space<semaphore_mem>>)
    %add3A_12 = arith.constant 32 : i32
    %add3A_13 = arith.addi %add3A, %add3A_12 : i32
    %dma_start3A_14 = arith.constant 0 : i32
    %dma_start3A_15 = arith.constant 0 : i32
    %dma_start3A_16 = tpu.memref_slice %arg4[%add3A_13, %dma_start3A_14, %dma_start3A_15] : memref<1250x2x128xi32, #tpu.memory_space<hbm>> -> memref<1x2x128xi32, #tpu.memory_space<hbm>>
    %dma_start3A_17 = tpu.memref_squeeze %dma_start3A_16 : memref<1x2x128xi32, #tpu.memory_space<hbm>> -> memref<2x128xi32, #tpu.memory_space<hbm>>
    %dma_start3A_18 = arith.constant 0 : i32
    %dma_start3A_19 = arith.constant 0 : i32
    %dma_start3A_20 = tpu.memref_slice %arg4[%add3A_13, %dma_start3A_18, %dma_start3A_19] : memref<1250x2x128xi32, #tpu.memory_space<hbm>> -> memref<1x2x128xi32, #tpu.memory_space<hbm>>
    %dma_start3A_21 = tpu.memref_squeeze %dma_start3A_20 : memref<1x2x128xi32, #tpu.memory_space<hbm>> -> memref<2x128xi32, #tpu.memory_space<hbm>>
    tpu.enqueue_dma source(%dma_start3A_21 : memref<2x128xi32, #tpu.memory_space<hbm>>) target(%arg7 : memref<2x128xi32, #tpu.memory_space<vmem>>) target_semaphore(%arg21 : memref<!tpu.dma_semaphore, #tpu.memory_space<semaphore_mem>>)
    %dma_wait3A = arith.constant 0 : i32
    %dma_wait3A_22 = arith.constant 0 : i32
    %dma_wait3A_23 = arith.constant 0 : i32
    %dma_wait3A_24 = tpu.memref_slice %arg4[%dma_wait3A, %dma_wait3A_22, %dma_wait3A_23] : memref<1250x2x128xi32, #tpu.memory_space<hbm>> -> memref<1x2x128xi32, #tpu.memory_space<hbm>>
    %dma_wait3A_25 = tpu.memref_squeeze %dma_wait3A_24 : memref<1x2x128xi32, #tpu.memory_space<hbm>> -> memref<2x128xi32, #tpu.memory_space<hbm>>
    %dma_wait3A_26 = arith.constant 0 : i32
    %dma_wait3A_27 = arith.constant 0 : i32
    %dma_wait3A_28 = tpu.memref_slice %arg4[%dma_wait3A, %dma_wait3A_26, %dma_wait3A_27] : memref<1250x2x128xi32, #tpu.memory_space<hbm>> -> memref<1x2x128xi32, #tpu.memory_space<hbm>>
    %dma_wait3A_29 = tpu.memref_squeeze %dma_wait3A_28 : memref<1x2x128xi32, #tpu.memory_space<hbm>> -> memref<2x128xi32, #tpu.memory_space<hbm>>
    tpu.wait_dma2 semaphore(%arg20 : memref<!tpu.dma_semaphore, #tpu.memory_space<semaphore_mem>>) src(%dma_wait3A_29 : memref<2x128xi32, #tpu.memory_space<hbm>>) dst(%arg6 : memref<2x128xi32, #tpu.memory_space<vmem>>)
    %dma_start3A_30 = arith.constant 0 : i32
    %dma_start3A_31 = arith.constant 0 : i32
    %dma_start3A_32 = tpu.memref_slice %arg6[%dma_start3A_30, %dma_start3A_31] : memref<2x128xi32, #tpu.memory_space<vmem>> -> memref<1x128xi32, #tpu.memory_space<vmem>>
    %dma_start3A_33 = tpu.memref_squeeze %dma_start3A_32 : memref<1x128xi32, #tpu.memory_space<vmem>> -> memref<128xi32, #tpu.memory_space<vmem>>
    %dma_start3A_34 = arith.constant 0 : i32
    %dma_start3A_35 = arith.constant 0 : i32
    %dma_start3A_36 = tpu.memref_slice %arg2[%dma_start3A_34, %dma_start3A_35] : memref<10000x128xi32, #tpu.memory_space<hbm>> -> memref<10000x128xi32, #tpu.memory_space<hbm>>
    tpu.enqueue_indirect_dma source(%dma_start3A_36 : memref<10000x128xi32, #tpu.memory_space<hbm>>) target(%arg8 : memref<128x128xi32, #tpu.memory_space<vmem>>) offsets(%dma_start3A_33 : memref<128xi32, #tpu.memory_space<vmem>>) semaphore(%arg14 : memref<!tpu.dma_semaphore, #tpu.memory_space<semaphore_mem>>)
    %dma_start3A_37 = arith.constant 1 : i32
    %dma_start3A_38 = arith.constant 0 : i32
    %dma_start3A_39 = tpu.memref_slice %arg6[%dma_start3A_37, %dma_start3A_38] : memref<2x128xi32, #tpu.memory_space<vmem>> -> memref<1x128xi32, #tpu.memory_space<vmem>>
    %dma_start3A_40 = tpu.memref_squeeze %dma_start3A_39 : memref<1x128xi32, #tpu.memory_space<vmem>> -> memref<128xi32, #tpu.memory_space<vmem>>
    %dma_start3A_41 = arith.constant 0 : i32
    %dma_start3A_42 = arith.constant 0 : i32
    %dma_start3A_43 = tpu.memref_slice %arg3[%dma_start3A_41, %dma_start3A_42] : memref<10000x128xi32, #tpu.memory_space<hbm>> -> memref<10000x128xi32, #tpu.memory_space<hbm>>
    tpu.enqueue_indirect_dma source(%dma_start3A_43 : memref<10000x128xi32, #tpu.memory_space<hbm>>) target(%arg9 : memref<128x128xi32, #tpu.memory_space<vmem>>) offsets(%dma_start3A_40 : memref<128xi32, #tpu.memory_space<vmem>>) semaphore(%arg15 : memref<!tpu.dma_semaphore, #tpu.memory_space<semaphore_mem>>)
    %while3A = arith.constant 0 : i32
    %while3A_44 = arith.constant 0 : i32
    %while3A_45 = arith.subi %select_n3A, %while3A_44 : i32
    %while3A_46 = arith.addi %while3A_44, %while3A_45 : i32
    %while3A_47 = arith.constant 1 : i32
    %while3A_48 = arith.divsi %while3A_45, %while3A_47 : i32
    %while3A_49 = arith.muli %while3A_48, %while3A_47 : i32
    %while3A_50 = arith.addi %while3A_44, %while3A_49 : i32
    %while3A_51 = arith.constant 1 : i32
    scf.for %while3A_61 = %while3A_44 to %while3A_50 step %while3A_51  : i32 {
      %mul3A_62 = arith.constant 32 : i32
      %mul3A_63 = arith.muli %while3A_61, %mul3A_62 : i32
      %add3A_64 = arith.addi %add3A, %mul3A_63 : i32
      %mul3A_65 = arith.constant 128 : i32
      %mul3A_66 = arith.muli %add3A_64, %mul3A_65 : i32
      %jit3A_67 = arith.constant 2 : i32
      %eq3A = arith.constant 0 : i32
      %eq3A_68 = arith.cmpi eq, %jit3A_67, %eq3A : i32
      %jit3A_69 = arith.constant 1 : i32
      %select_n3A_70 = arith.select %eq3A_68, %jit3A_69, %jit3A_67 : i32
      %rem3A = arith.remsi %while3A_61, %select_n3A_70 : i32
      %ne3A = arith.constant 0 : i32
      %ne3A_71 = arith.cmpi ne, %rem3A, %ne3A : i32
      %lt3A_72 = arith.constant 0 : i32
      %lt3A_73 = arith.cmpi slt, %rem3A, %lt3A_72 : i32
      %lt3A_74 = arith.constant 0 : i32
      %lt3A_75 = arith.cmpi slt, %select_n3A_70, %lt3A_74 : i32
      %ne3A_76 = arith.xori %lt3A_73, %lt3A_75 : i1
      %and3A = arith.andi %ne3A_76, %ne3A_71 : i1
      %add3A_77 = arith.addi %rem3A, %select_n3A_70 : i32
      %select_n3A_78 = arith.select %and3A, %add3A_77, %rem3A : i32
      %eq3A_79 = arith.constant 0 : i32
      %eq3A_80 = arith.cmpi eq, %select_n3A_78, %eq3A_79 : i32
      %convert_element_type3A = arith.extui %eq3A_80 : i1 to i32
      %cond3A = arith.constant 0 : i32
      %cond3A_81 = arith.cmpi ne, %convert_element_type3A, %cond3A : i32
      scf.if %cond3A_81 {
        %dma_wait3A_157 = arith.constant 0 : i32
        %dma_wait3A_158 = arith.constant 0 : i32
        %dma_wait3A_159 = tpu.memref_slice %arg6[%dma_wait3A_157, %dma_wait3A_158] : memref<2x128xi32, #tpu.memory_space<vmem>> -> memref<1x128xi32, #tpu.memory_space<vmem>>
        %dma_wait3A_160 = tpu.memref_squeeze %dma_wait3A_159 : memref<1x128xi32, #tpu.memory_space<vmem>> -> memref<128xi32, #tpu.memory_space<vmem>>
        %dma_wait3A_161 = arith.constant 0 : i32
        %dma_wait3A_162 = arith.constant 0 : i32
        %dma_wait3A_163 = tpu.memref_slice %arg2[%dma_wait3A_161, %dma_wait3A_162] : memref<10000x128xi32, #tpu.memory_space<hbm>> -> memref<10000x128xi32, #tpu.memory_space<hbm>>
        tpu.wait_indirect_dma semaphore(%arg14 : memref<!tpu.dma_semaphore, #tpu.memory_space<semaphore_mem>>) src(%dma_wait3A_163 : memref<10000x128xi32, #tpu.memory_space<hbm>>) dst(%arg8 : memref<128x128xi32, #tpu.memory_space<vmem>>)
        %dma_wait3A_164 = arith.constant 1 : i32
        %dma_wait3A_165 = arith.constant 0 : i32
        %dma_wait3A_166 = tpu.memref_slice %arg6[%dma_wait3A_164, %dma_wait3A_165] : memref<2x128xi32, #tpu.memory_space<vmem>> -> memref<1x128xi32, #tpu.memory_space<vmem>>
        %dma_wait3A_167 = tpu.memref_squeeze %dma_wait3A_166 : memref<1x128xi32, #tpu.memory_space<vmem>> -> memref<128xi32, #tpu.memory_space<vmem>>
        %dma_wait3A_168 = arith.constant 0 : i32
        %dma_wait3A_169 = arith.constant 0 : i32
        %dma_wait3A_170 = tpu.memref_slice %arg3[%dma_wait3A_168, %dma_wait3A_169] : memref<10000x128xi32, #tpu.memory_space<hbm>> -> memref<10000x128xi32, #tpu.memory_space<hbm>>
        tpu.wait_indirect_dma semaphore(%arg15 : memref<!tpu.dma_semaphore, #tpu.memory_space<semaphore_mem>>) src(%dma_wait3A_170 : memref<10000x128xi32, #tpu.memory_space<hbm>>) dst(%arg9 : memref<128x128xi32, #tpu.memory_space<vmem>>)
      } else {
      }
      %jit3A_82 = arith.constant 2 : i32
      %eq3A_83 = arith.constant 0 : i32
      %eq3A_84 = arith.cmpi eq, %jit3A_82, %eq3A_83 : i32
      %jit3A_85 = arith.constant 1 : i32
      %select_n3A_86 = arith.select %eq3A_84, %jit3A_85, %jit3A_82 : i32
      %rem3A_87 = arith.remsi %while3A_61, %select_n3A_86 : i32
      %ne3A_88 = arith.constant 0 : i32
      %ne3A_89 = arith.cmpi ne, %rem3A_87, %ne3A_88 : i32
      %lt3A_90 = arith.constant 0 : i32
      %lt3A_91 = arith.cmpi slt, %rem3A_87, %lt3A_90 : i32
      %lt3A_92 = arith.constant 0 : i32
      %lt3A_93 = arith.cmpi slt, %select_n3A_86, %lt3A_92 : i32
      %ne3A_94 = arith.xori %lt3A_91, %lt3A_93 : i1
      %and3A_95 = arith.andi %ne3A_94, %ne3A_89 : i1
      %add3A_96 = arith.addi %rem3A_87, %select_n3A_86 : i32
      %select_n3A_97 = arith.select %and3A_95, %add3A_96, %rem3A_87 : i32
      %eq3A_98 = arith.constant 1 : i32
      %eq3A_99 = arith.cmpi eq, %select_n3A_97, %eq3A_98 : i32
      %convert_element_type3A_100 = arith.extui %eq3A_99 : i1 to i32
      %cond3A_101 = arith.constant 0 : i32
      %cond3A_102 = arith.cmpi ne, %convert_element_type3A_100, %cond3A_101 : i32
      scf.if %cond3A_102 {
        %dma_wait3A_157 = arith.constant 0 : i32
        %dma_wait3A_158 = arith.constant 0 : i32
        %dma_wait3A_159 = tpu.memref_slice %arg7[%dma_wait3A_157, %dma_wait3A_158] : memref<2x128xi32, #tpu.memory_space<vmem>> -> memref<1x128xi32, #tpu.memory_space<vmem>>
        %dma_wait3A_160 = tpu.memref_squeeze %dma_wait3A_159 : memref<1x128xi32, #tpu.memory_space<vmem>> -> memref<128xi32, #tpu.memory_space<vmem>>
        %dma_wait3A_161 = arith.constant 0 : i32
        %dma_wait3A_162 = arith.constant 0 : i32
        %dma_wait3A_163 = tpu.memref_slice %arg2[%dma_wait3A_161, %dma_wait3A_162] : memref<10000x128xi32, #tpu.memory_space<hbm>> -> memref<10000x128xi32, #tpu.memory_space<hbm>>
        tpu.wait_indirect_dma semaphore(%arg16 : memref<!tpu.dma_semaphore, #tpu.memory_space<semaphore_mem>>) src(%dma_wait3A_163 : memref<10000x128xi32, #tpu.memory_space<hbm>>) dst(%arg10 : memref<128x128xi32, #tpu.memory_space<vmem>>)
        %dma_wait3A_164 = arith.constant 1 : i32
        %dma_wait3A_165 = arith.constant 0 : i32
        %dma_wait3A_166 = tpu.memref_slice %arg7[%dma_wait3A_164, %dma_wait3A_165] : memref<2x128xi32, #tpu.memory_space<vmem>> -> memref<1x128xi32, #tpu.memory_space<vmem>>
        %dma_wait3A_167 = tpu.memref_squeeze %dma_wait3A_166 : memref<1x128xi32, #tpu.memory_space<vmem>> -> memref<128xi32, #tpu.memory_space<vmem>>
        %dma_wait3A_168 = arith.constant 0 : i32
        %dma_wait3A_169 = arith.constant 0 : i32
        %dma_wait3A_170 = tpu.memref_slice %arg3[%dma_wait3A_168, %dma_wait3A_169] : memref<10000x128xi32, #tpu.memory_space<hbm>> -> memref<10000x128xi32, #tpu.memory_space<hbm>>
        tpu.wait_indirect_dma semaphore(%arg17 : memref<!tpu.dma_semaphore, #tpu.memory_space<semaphore_mem>>) src(%dma_wait3A_170 : memref<10000x128xi32, #tpu.memory_space<hbm>>) dst(%arg11 : memref<128x128xi32, #tpu.memory_space<vmem>>)
      } else {
      }
      %add3A_103 = arith.constant 1 : i32
      %add3A_104 = arith.addi %while3A_61, %add3A_103 : i32
      %lt3A_105 = arith.cmpi slt, %add3A_104, %select_n3A : i32
      %convert_element_type3A_106 = arith.extui %lt3A_105 : i1 to i32
      %cond3A_107 = arith.constant 0 : i32
      %cond3A_108 = arith.cmpi ne, %convert_element_type3A_106, %cond3A_107 : i32
      scf.if %cond3A_108 {
        %add3A_157 = arith.constant 1 : i32
        %add3A_158 = arith.addi %while3A_61, %add3A_157 : i32
        %jit3A_159 = arith.constant 2 : i32
        %eq3A_160 = arith.constant 0 : i32
        %eq3A_161 = arith.cmpi eq, %jit3A_159, %eq3A_160 : i32
        %jit3A_162 = arith.constant 1 : i32
        %select_n3A_163 = arith.select %eq3A_161, %jit3A_162, %jit3A_159 : i32
        %rem3A_164 = arith.remsi %add3A_158, %select_n3A_163 : i32
        %ne3A_165 = arith.constant 0 : i32
        %ne3A_166 = arith.cmpi ne, %rem3A_164, %ne3A_165 : i32
        %lt3A_167 = arith.constant 0 : i32
        %lt3A_168 = arith.cmpi slt, %rem3A_164, %lt3A_167 : i32
        %lt3A_169 = arith.constant 0 : i32
        %lt3A_170 = arith.cmpi slt, %select_n3A_163, %lt3A_169 : i32
        %ne3A_171 = arith.xori %lt3A_168, %lt3A_170 : i1
        %and3A_172 = arith.andi %ne3A_171, %ne3A_166 : i1
        %add3A_173 = arith.addi %rem3A_164, %select_n3A_163 : i32
        %select_n3A_174 = arith.select %and3A_172, %add3A_173, %rem3A_164 : i32
        %eq3A_175 = arith.constant 0 : i32
        %eq3A_176 = arith.cmpi eq, %select_n3A_174, %eq3A_175 : i32
        %convert_element_type3A_177 = arith.extui %eq3A_176 : i1 to i32
        %cond3A_178 = arith.constant 0 : i32
        %cond3A_179 = arith.cmpi ne, %convert_element_type3A_177, %cond3A_178 : i32
        scf.if %cond3A_179 {
          %dma_wait3A_201 = arith.constant 0 : i32
          %dma_wait3A_202 = arith.constant 0 : i32
          %dma_wait3A_203 = arith.constant 0 : i32
          %dma_wait3A_204 = tpu.memref_slice %arg4[%dma_wait3A_201, %dma_wait3A_202, %dma_wait3A_203] : memref<1250x2x128xi32, #tpu.memory_space<hbm>> -> memref<1x2x128xi32, #tpu.memory_space<hbm>>
          %dma_wait3A_205 = tpu.memref_squeeze %dma_wait3A_204 : memref<1x2x128xi32, #tpu.memory_space<hbm>> -> memref<2x128xi32, #tpu.memory_space<hbm>>
          %dma_wait3A_206 = arith.constant 0 : i32
          %dma_wait3A_207 = arith.constant 0 : i32
          %dma_wait3A_208 = tpu.memref_slice %arg4[%dma_wait3A_201, %dma_wait3A_206, %dma_wait3A_207] : memref<1250x2x128xi32, #tpu.memory_space<hbm>> -> memref<1x2x128xi32, #tpu.memory_space<hbm>>
          %dma_wait3A_209 = tpu.memref_squeeze %dma_wait3A_208 : memref<1x2x128xi32, #tpu.memory_space<hbm>> -> memref<2x128xi32, #tpu.memory_space<hbm>>
          tpu.wait_dma2 semaphore(%arg20 : memref<!tpu.dma_semaphore, #tpu.memory_space<semaphore_mem>>) src(%dma_wait3A_209 : memref<2x128xi32, #tpu.memory_space<hbm>>) dst(%arg6 : memref<2x128xi32, #tpu.memory_space<vmem>>)
          %dma_start3A_210 = arith.constant 0 : i32
          %dma_start3A_211 = arith.constant 0 : i32
          %dma_start3A_212 = tpu.memref_slice %arg6[%dma_start3A_210, %dma_start3A_211] : memref<2x128xi32, #tpu.memory_space<vmem>> -> memref<1x128xi32, #tpu.memory_space<vmem>>
          %dma_start3A_213 = tpu.memref_squeeze %dma_start3A_212 : memref<1x128xi32, #tpu.memory_space<vmem>> -> memref<128xi32, #tpu.memory_space<vmem>>
          %dma_start3A_214 = arith.constant 0 : i32
          %dma_start3A_215 = arith.constant 0 : i32
          %dma_start3A_216 = tpu.memref_slice %arg2[%dma_start3A_214, %dma_start3A_215] : memref<10000x128xi32, #tpu.memory_space<hbm>> -> memref<10000x128xi32, #tpu.memory_space<hbm>>
          tpu.enqueue_indirect_dma source(%dma_start3A_216 : memref<10000x128xi32, #tpu.memory_space<hbm>>) target(%arg8 : memref<128x128xi32, #tpu.memory_space<vmem>>) offsets(%dma_start3A_213 : memref<128xi32, #tpu.memory_space<vmem>>) semaphore(%arg14 : memref<!tpu.dma_semaphore, #tpu.memory_space<semaphore_mem>>)
          %dma_start3A_217 = arith.constant 1 : i32
          %dma_start3A_218 = arith.constant 0 : i32
          %dma_start3A_219 = tpu.memref_slice %arg6[%dma_start3A_217, %dma_start3A_218] : memref<2x128xi32, #tpu.memory_space<vmem>> -> memref<1x128xi32, #tpu.memory_space<vmem>>
          %dma_start3A_220 = tpu.memref_squeeze %dma_start3A_219 : memref<1x128xi32, #tpu.memory_space<vmem>> -> memref<128xi32, #tpu.memory_space<vmem>>
          %dma_start3A_221 = arith.constant 0 : i32
          %dma_start3A_222 = arith.constant 0 : i32
          %dma_start3A_223 = tpu.memref_slice %arg3[%dma_start3A_221, %dma_start3A_222] : memref<10000x128xi32, #tpu.memory_space<hbm>> -> memref<10000x128xi32, #tpu.memory_space<hbm>>
          tpu.enqueue_indirect_dma source(%dma_start3A_223 : memref<10000x128xi32, #tpu.memory_space<hbm>>) target(%arg9 : memref<128x128xi32, #tpu.memory_space<vmem>>) offsets(%dma_start3A_220 : memref<128xi32, #tpu.memory_space<vmem>>) semaphore(%arg15 : memref<!tpu.dma_semaphore, #tpu.memory_space<semaphore_mem>>)
        } else {
        }
        %jit3A_180 = arith.constant 2 : i32
        %eq3A_181 = arith.constant 0 : i32
        %eq3A_182 = arith.cmpi eq, %jit3A_180, %eq3A_181 : i32
        %jit3A_183 = arith.constant 1 : i32
        %select_n3A_184 = arith.select %eq3A_182, %jit3A_183, %jit3A_180 : i32
        %rem3A_185 = arith.remsi %add3A_158, %select_n3A_184 : i32
        %ne3A_186 = arith.constant 0 : i32
        %ne3A_187 = arith.cmpi ne, %rem3A_185, %ne3A_186 : i32
        %lt3A_188 = arith.constant 0 : i32
        %lt3A_189 = arith.cmpi slt, %rem3A_185, %lt3A_188 : i32
        %lt3A_190 = arith.constant 0 : i32
        %lt3A_191 = arith.cmpi slt, %select_n3A_184, %lt3A_190 : i32
        %ne3A_192 = arith.xori %lt3A_189, %lt3A_191 : i1
        %and3A_193 = arith.andi %ne3A_192, %ne3A_187 : i1
        %add3A_194 = arith.addi %rem3A_185, %select_n3A_184 : i32
        %select_n3A_195 = arith.select %and3A_193, %add3A_194, %rem3A_185 : i32
        %eq3A_196 = arith.constant 1 : i32
        %eq3A_197 = arith.cmpi eq, %select_n3A_195, %eq3A_196 : i32
        %convert_element_type3A_198 = arith.extui %eq3A_197 : i1 to i32
        %cond3A_199 = arith.constant 0 : i32
        %cond3A_200 = arith.cmpi ne, %convert_element_type3A_198, %cond3A_199 : i32
        scf.if %cond3A_200 {
          %dma_wait3A_201 = arith.constant 0 : i32
          %dma_wait3A_202 = arith.constant 0 : i32
          %dma_wait3A_203 = arith.constant 0 : i32
          %dma_wait3A_204 = tpu.memref_slice %arg4[%dma_wait3A_201, %dma_wait3A_202, %dma_wait3A_203] : memref<1250x2x128xi32, #tpu.memory_space<hbm>> -> memref<1x2x128xi32, #tpu.memory_space<hbm>>
          %dma_wait3A_205 = tpu.memref_squeeze %dma_wait3A_204 : memref<1x2x128xi32, #tpu.memory_space<hbm>> -> memref<2x128xi32, #tpu.memory_space<hbm>>
          %dma_wait3A_206 = arith.constant 0 : i32
          %dma_wait3A_207 = arith.constant 0 : i32
          %dma_wait3A_208 = tpu.memref_slice %arg4[%dma_wait3A_201, %dma_wait3A_206, %dma_wait3A_207] : memref<1250x2x128xi32, #tpu.memory_space<hbm>> -> memref<1x2x128xi32, #tpu.memory_space<hbm>>
          %dma_wait3A_209 = tpu.memref_squeeze %dma_wait3A_208 : memref<1x2x128xi32, #tpu.memory_space<hbm>> -> memref<2x128xi32, #tpu.memory_space<hbm>>
          tpu.wait_dma2 semaphore(%arg21 : memref<!tpu.dma_semaphore, #tpu.memory_space<semaphore_mem>>) src(%dma_wait3A_209 : memref<2x128xi32, #tpu.memory_space<hbm>>) dst(%arg7 : memref<2x128xi32, #tpu.memory_space<vmem>>)
          %dma_start3A_210 = arith.constant 0 : i32
          %dma_start3A_211 = arith.constant 0 : i32
          %dma_start3A_212 = tpu.memref_slice %arg7[%dma_start3A_210, %dma_start3A_211] : memref<2x128xi32, #tpu.memory_space<vmem>> -> memref<1x128xi32, #tpu.memory_space<vmem>>
          %dma_start3A_213 = tpu.memref_squeeze %dma_start3A_212 : memref<1x128xi32, #tpu.memory_space<vmem>> -> memref<128xi32, #tpu.memory_space<vmem>>
          %dma_start3A_214 = arith.constant 0 : i32
          %dma_start3A_215 = arith.constant 0 : i32
          %dma_start3A_216 = tpu.memref_slice %arg2[%dma_start3A_214, %dma_start3A_215] : memref<10000x128xi32, #tpu.memory_space<hbm>> -> memref<10000x128xi32, #tpu.memory_space<hbm>>
          tpu.enqueue_indirect_dma source(%dma_start3A_216 : memref<10000x128xi32, #tpu.memory_space<hbm>>) target(%arg10 : memref<128x128xi32, #tpu.memory_space<vmem>>) offsets(%dma_start3A_213 : memref<128xi32, #tpu.memory_space<vmem>>) semaphore(%arg16 : memref<!tpu.dma_semaphore, #tpu.memory_space<semaphore_mem>>)
          %dma_start3A_217 = arith.constant 1 : i32
          %dma_start3A_218 = arith.constant 0 : i32
          %dma_start3A_219 = tpu.memref_slice %arg7[%dma_start3A_217, %dma_start3A_218] : memref<2x128xi32, #tpu.memory_space<vmem>> -> memref<1x128xi32, #tpu.memory_space<vmem>>
          %dma_start3A_220 = tpu.memref_squeeze %dma_start3A_219 : memref<1x128xi32, #tpu.memory_space<vmem>> -> memref<128xi32, #tpu.memory_space<vmem>>
          %dma_start3A_221 = arith.constant 0 : i32
          %dma_start3A_222 = arith.constant 0 : i32
          %dma_start3A_223 = tpu.memref_slice %arg3[%dma_start3A_221, %dma_start3A_222] : memref<10000x128xi32, #tpu.memory_space<hbm>> -> memref<10000x128xi32, #tpu.memory_space<hbm>>
          tpu.enqueue_indirect_dma source(%dma_start3A_223 : memref<10000x128xi32, #tpu.memory_space<hbm>>) target(%arg11 : memref<128x128xi32, #tpu.memory_space<vmem>>) offsets(%dma_start3A_220 : memref<128xi32, #tpu.memory_space<vmem>>) semaphore(%arg17 : memref<!tpu.dma_semaphore, #tpu.memory_space<semaphore_mem>>)
        } else {
        }
      } else {
      }
      %add3A_109 = arith.constant 2 : i32
      %add3A_110 = arith.addi %while3A_61, %add3A_109 : i32
      %lt3A_111 = arith.cmpi slt, %add3A_110, %select_n3A : i32
      %convert_element_type3A_112 = arith.extui %lt3A_111 : i1 to i32
      %cond3A_113 = arith.constant 0 : i32
      %cond3A_114 = arith.cmpi ne, %convert_element_type3A_112, %cond3A_113 : i32
      scf.if %cond3A_114 {
        %add3A_157 = arith.constant 2 : i32
        %add3A_158 = arith.addi %while3A_61, %add3A_157 : i32
        %mul3A_159 = arith.constant 32 : i32
        %mul3A_160 = arith.muli %add3A_158, %mul3A_159 : i32
        %add3A_161 = arith.addi %add3A, %mul3A_160 : i32
        %jit3A_162 = arith.constant 2 : i32
        %eq3A_163 = arith.constant 0 : i32
        %eq3A_164 = arith.cmpi eq, %jit3A_162, %eq3A_163 : i32
        %jit3A_165 = arith.constant 1 : i32
        %select_n3A_166 = arith.select %eq3A_164, %jit3A_165, %jit3A_162 : i32
        %rem3A_167 = arith.remsi %add3A_158, %select_n3A_166 : i32
        %ne3A_168 = arith.constant 0 : i32
        %ne3A_169 = arith.cmpi ne, %rem3A_167, %ne3A_168 : i32
        %lt3A_170 = arith.constant 0 : i32
        %lt3A_171 = arith.cmpi slt, %rem3A_167, %lt3A_170 : i32
        %lt3A_172 = arith.constant 0 : i32
        %lt3A_173 = arith.cmpi slt, %select_n3A_166, %lt3A_172 : i32
        %ne3A_174 = arith.xori %lt3A_171, %lt3A_173 : i1
        %and3A_175 = arith.andi %ne3A_174, %ne3A_169 : i1
        %add3A_176 = arith.addi %rem3A_167, %select_n3A_166 : i32
        %select_n3A_177 = arith.select %and3A_175, %add3A_176, %rem3A_167 : i32
        %eq3A_178 = arith.constant 0 : i32
        %eq3A_179 = arith.cmpi eq, %select_n3A_177, %eq3A_178 : i32
        %convert_element_type3A_180 = arith.extui %eq3A_179 : i1 to i32
        %cond3A_181 = arith.constant 0 : i32
        %cond3A_182 = arith.cmpi ne, %convert_element_type3A_180, %cond3A_181 : i32
        scf.if %cond3A_182 {
          %dma_start3A_204 = arith.constant 0 : i32
          %dma_start3A_205 = arith.constant 0 : i32
          %dma_start3A_206 = tpu.memref_slice %arg4[%add3A_161, %dma_start3A_204, %dma_start3A_205] : memref<1250x2x128xi32, #tpu.memory_space<hbm>> -> memref<1x2x128xi32, #tpu.memory_space<hbm>>
          %dma_start3A_207 = tpu.memref_squeeze %dma_start3A_206 : memref<1x2x128xi32, #tpu.memory_space<hbm>> -> memref<2x128xi32, #tpu.memory_space<hbm>>
          %dma_start3A_208 = arith.constant 0 : i32
          %dma_start3A_209 = arith.constant 0 : i32
          %dma_start3A_210 = tpu.memref_slice %arg4[%add3A_161, %dma_start3A_208, %dma_start3A_209] : memref<1250x2x128xi32, #tpu.memory_space<hbm>> -> memref<1x2x128xi32, #tpu.memory_space<hbm>>
          %dma_start3A_211 = tpu.memref_squeeze %dma_start3A_210 : memref<1x2x128xi32, #tpu.memory_space<hbm>> -> memref<2x128xi32, #tpu.memory_space<hbm>>
          tpu.enqueue_dma source(%dma_start3A_211 : memref<2x128xi32, #tpu.memory_space<hbm>>) target(%arg6 : memref<2x128xi32, #tpu.memory_space<vmem>>) target_semaphore(%arg20 : memref<!tpu.dma_semaphore, #tpu.memory_space<semaphore_mem>>)
        } else {
        }
        %jit3A_183 = arith.constant 2 : i32
        %eq3A_184 = arith.constant 0 : i32
        %eq3A_185 = arith.cmpi eq, %jit3A_183, %eq3A_184 : i32
        %jit3A_186 = arith.constant 1 : i32
        %select_n3A_187 = arith.select %eq3A_185, %jit3A_186, %jit3A_183 : i32
        %rem3A_188 = arith.remsi %add3A_158, %select_n3A_187 : i32
        %ne3A_189 = arith.constant 0 : i32
        %ne3A_190 = arith.cmpi ne, %rem3A_188, %ne3A_189 : i32
        %lt3A_191 = arith.constant 0 : i32
        %lt3A_192 = arith.cmpi slt, %rem3A_188, %lt3A_191 : i32
        %lt3A_193 = arith.constant 0 : i32
        %lt3A_194 = arith.cmpi slt, %select_n3A_187, %lt3A_193 : i32
        %ne3A_195 = arith.xori %lt3A_192, %lt3A_194 : i1
        %and3A_196 = arith.andi %ne3A_195, %ne3A_190 : i1
        %add3A_197 = arith.addi %rem3A_188, %select_n3A_187 : i32
        %select_n3A_198 = arith.select %and3A_196, %add3A_197, %rem3A_188 : i32
        %eq3A_199 = arith.constant 1 : i32
        %eq3A_200 = arith.cmpi eq, %select_n3A_198, %eq3A_199 : i32
        %convert_element_type3A_201 = arith.extui %eq3A_200 : i1 to i32
        %cond3A_202 = arith.constant 0 : i32
        %cond3A_203 = arith.cmpi ne, %convert_element_type3A_201, %cond3A_202 : i32
        scf.if %cond3A_203 {
          %dma_start3A_204 = arith.constant 0 : i32
          %dma_start3A_205 = arith.constant 0 : i32
          %dma_start3A_206 = tpu.memref_slice %arg4[%add3A_161, %dma_start3A_204, %dma_start3A_205] : memref<1250x2x128xi32, #tpu.memory_space<hbm>> -> memref<1x2x128xi32, #tpu.memory_space<hbm>>
          %dma_start3A_207 = tpu.memref_squeeze %dma_start3A_206 : memref<1x2x128xi32, #tpu.memory_space<hbm>> -> memref<2x128xi32, #tpu.memory_space<hbm>>
          %dma_start3A_208 = arith.constant 0 : i32
          %dma_start3A_209 = arith.constant 0 : i32
          %dma_start3A_210 = tpu.memref_slice %arg4[%add3A_161, %dma_start3A_208, %dma_start3A_209] : memref<1250x2x128xi32, #tpu.memory_space<hbm>> -> memref<1x2x128xi32, #tpu.memory_space<hbm>>
          %dma_start3A_211 = tpu.memref_squeeze %dma_start3A_210 : memref<1x2x128xi32, #tpu.memory_space<hbm>> -> memref<2x128xi32, #tpu.memory_space<hbm>>
          tpu.enqueue_dma source(%dma_start3A_211 : memref<2x128xi32, #tpu.memory_space<hbm>>) target(%arg7 : memref<2x128xi32, #tpu.memory_space<vmem>>) target_semaphore(%arg21 : memref<!tpu.dma_semaphore, #tpu.memory_space<semaphore_mem>>)
        } else {
        }
      } else {
      }
      %jit3A_115 = arith.constant 2 : i32
      %eq3A_116 = arith.constant 0 : i32
      %eq3A_117 = arith.cmpi eq, %jit3A_115, %eq3A_116 : i32
      %jit3A_118 = arith.constant 1 : i32
      %select_n3A_119 = arith.select %eq3A_117, %jit3A_118, %jit3A_115 : i32
      %rem3A_120 = arith.remsi %while3A_61, %select_n3A_119 : i32
      %ne3A_121 = arith.constant 0 : i32
      %ne3A_122 = arith.cmpi ne, %rem3A_120, %ne3A_121 : i32
      %lt3A_123 = arith.constant 0 : i32
      %lt3A_124 = arith.cmpi slt, %rem3A_120, %lt3A_123 : i32
      %lt3A_125 = arith.constant 0 : i32
      %lt3A_126 = arith.cmpi slt, %select_n3A_119, %lt3A_125 : i32
      %ne3A_127 = arith.xori %lt3A_124, %lt3A_126 : i1
      %and3A_128 = arith.andi %ne3A_127, %ne3A_122 : i1
      %add3A_129 = arith.addi %rem3A_120, %select_n3A_119 : i32
      %select_n3A_130 = arith.select %and3A_128, %add3A_129, %rem3A_120 : i32
      %eq3A_131 = arith.constant 0 : i32
      %eq3A_132 = arith.cmpi eq, %select_n3A_130, %eq3A_131 : i32
      %convert_element_type3A_133 = arith.extui %eq3A_132 : i1 to i32
      %cond3A_134 = arith.constant 0 : i32
      %cond3A_135 = arith.cmpi ne, %convert_element_type3A_133, %cond3A_134 : i32
      scf.if %cond3A_135 {
        %ge3A = arith.constant 2 : i32
        %ge3A_157 = arith.cmpi sge, %while3A_61, %ge3A : i32
        %convert_element_type3A_158 = arith.extui %ge3A_157 : i1 to i32
        %cond3A_159 = arith.constant 0 : i32
        %cond3A_160 = arith.cmpi ne, %convert_element_type3A_158, %cond3A_159 : i32
        scf.if %cond3A_160 {
          %dma_wait3A_168 = tpu.memref_slice %arg5[%mul3A_66] : memref<160000xf32, #tpu.memory_space<hbm>> -> memref<128xf32, #tpu.memory_space<hbm>>
          %dma_wait3A_169 = tpu.memref_slice %arg5[%mul3A_66] : memref<160000xf32, #tpu.memory_space<hbm>> -> memref<128xf32, #tpu.memory_space<hbm>>
          tpu.wait_dma2 semaphore(%arg18 : memref<!tpu.dma_semaphore, #tpu.memory_space<semaphore_mem>>) src(%arg12 : memref<128xf32, #tpu.memory_space<vmem>>) dst(%dma_wait3A_169 : memref<128xf32, #tpu.memory_space<hbm>>)
        } else {
        }
        %iota3A = tpu.iota {dimensions = array<i32: 0>} : vector<16xi32>
        %scan3A = arith.constant 0 : i32
        %scan3A_161 = arith.constant 0 : i32
        %scan3A_162 = arith.constant 8 : i32
        %scan3A_163 = arith.addi %scan3A_161, %scan3A_162 : i32
        %scan3A_164 = arith.constant 1 : i32
        scf.for %scan3A_168 = %scan3A_161 to %scan3A_163 step %scan3A_164  : i32 {
          %mul3A_169 = arith.constant 16 : i32
          %mul3A_170 = arith.muli %scan3A_168, %mul3A_169 : i32
          %and3A_171 = arith.constant 1 : i32
          %and3A_172 = vector.broadcast %and3A_171 : i32 to vector<16xi32>
          %and3A_173 = arith.andi %iota3A, %and3A_172 : vector<16xi32>
          %ne3A_174 = arith.constant 0 : i32
          %ne3A_175 = vector.broadcast %ne3A_174 : i32 to vector<16xi32>
          %ne3A_176 = arith.cmpi ne, %and3A_173, %ne3A_175 : vector<16xi32>
          %shift_right_arithmetic3A = arith.constant 1 : i32
          %shift_right_arithmetic3A_177 = vector.broadcast %shift_right_arithmetic3A : i32 to vector<16xi32>
          %shift_right_arithmetic3A_178 = arith.shrsi %iota3A, %shift_right_arithmetic3A_177 : vector<16xi32>
          %broadcast_in_dim3A = arith.constant 0.000000e+00 : f32
          %broadcast_in_dim3A_179 = vector.broadcast %broadcast_in_dim3A : f32 to vector<16xf32>
          %scan3A_180 = arith.constant 0 : i32
          %scan3A_181 = arith.constant 8 : i32
          %scan3A_182 = arith.addi %scan3A_180, %scan3A_181 : i32
          %scan3A_183 = arith.constant 1 : i32
          %scan3A_184 = scf.for %scan3A_189 = %scan3A_180 to %scan3A_182 step %scan3A_183 iter_args(%scan3A_190 = %broadcast_in_dim3A_179) -> (vector<16xf32>)  : i32 {
            %mul3A_191 = arith.constant 2 : i32
            %mul3A_192 = arith.muli %mul3A_191, %scan3A_189 : i32
            %add3A_193 = arith.addi %mul3A_170, %mul3A_192 : i32
            %add3A_194 = arith.constant 0 : i32
            %add3A_195 = arith.addi %add3A_193, %add3A_194 : i32
            %get3A = arith.index_cast %add3A_195 : i32 to index
            %get3A_196 = arith.constant 0 : index
            %get3A_197 = tpu.vector_load %arg8[%get3A, %get3A_196] {strides = array<i32>} : memref<128x128xi32, #tpu.memory_space<vmem>>, vector<1x16xi32>,
            %get3A_198 = vector.shape_cast %get3A_197 : vector<1x16xi32> to vector<16xi32>
            %get3A_199 = arith.index_cast %add3A_195 : i32 to index
            %get3A_200 = arith.constant 0 : index
            %get3A_201 = tpu.vector_load %arg9[%get3A_199, %get3A_200] {strides = array<i32>} : memref<128x128xi32, #tpu.memory_space<vmem>>, vector<1x16xi32>,
            %get3A_202 = vector.shape_cast %get3A_201 : vector<1x16xi32> to vector<16xi32>
            %shift_left3A = arith.constant 16 : i32
            %shift_left3A_203 = vector.broadcast %shift_left3A : i32 to vector<16xi32>
            %shift_left3A_204 = arith.shli %get3A_198, %shift_left3A_203 : vector<16xi32>
            %bitcast_convert_type3A = tpu.bitcast %shift_left3A_204 : vector<16xi32> -> vector<16xf32>
            %shift_left3A_205 = arith.constant 16 : i32
            %shift_left3A_206 = vector.broadcast %shift_left3A_205 : i32 to vector<16xi32>
            %shift_left3A_207 = arith.shli %get3A_202, %shift_left3A_206 : vector<16xi32>
            %bitcast_convert_type3A_208 = tpu.bitcast %shift_left3A_207 : vector<16xi32> -> vector<16xf32>
            %mul3A_209 = arith.mulf %bitcast_convert_type3A, %bitcast_convert_type3A_208 : vector<16xf32>
            %bitcast_convert_type3A_210 = tpu.bitcast %get3A_198 : vector<16xi32> -> vector<16xf32>
            %bitcast_convert_type3A_211 = tpu.bitcast %get3A_202 : vector<16xi32> -> vector<16xf32>
            %mul3A_212 = arith.mulf %bitcast_convert_type3A_210, %bitcast_convert_type3A_211 : vector<16xf32>
            %get3A_213 = arith.index_cast %add3A_195 : i32 to index
            %get3A_214 = arith.constant 16 : index
            %get3A_215 = tpu.vector_load %arg8[%get3A_213, %get3A_214] {strides = array<i32>} : memref<128x128xi32, #tpu.memory_space<vmem>>, vector<1x16xi32>,
            %get3A_216 = vector.shape_cast %get3A_215 : vector<1x16xi32> to vector<16xi32>
            %get3A_217 = arith.index_cast %add3A_195 : i32 to index
            %get3A_218 = arith.constant 16 : index
            %get3A_219 = tpu.vector_load %arg9[%get3A_217, %get3A_218] {strides = array<i32>} : memref<128x128xi32, #tpu.memory_space<vmem>>, vector<1x16xi32>,
            %get3A_220 = vector.shape_cast %get3A_219 : vector<1x16xi32> to vector<16xi32>
            %shift_left3A_221 = arith.constant 16 : i32
            %shift_left3A_222 = vector.broadcast %shift_left3A_221 : i32 to vector<16xi32>
            %shift_left3A_223 = arith.shli %get3A_216, %shift_left3A_222 : vector<16xi32>
            %bitcast_convert_type3A_224 = tpu.bitcast %shift_left3A_223 : vector<16xi32> -> vector<16xf32>
            %shift_left3A_225 = arith.constant 16 : i32
            %shift_left3A_226 = vector.broadcast %shift_left3A_225 : i32 to vector<16xi32>
            %shift_left3A_227 = arith.shli %get3A_220, %shift_left3A_226 : vector<16xi32>
            %bitcast_convert_type3A_228 = tpu.bitcast %shift_left3A_227 : vector<16xi32> -> vector<16xf32>
            %mul3A_229 = arith.mulf %bitcast_convert_type3A_224, %bitcast_convert_type3A_228 : vector<16xf32>
            %add3A_230 = arith.addf %mul3A_209, %mul3A_229 : vector<16xf32>
            %bitcast_convert_type3A_231 = tpu.bitcast %get3A_216 : vector<16xi32> -> vector<16xf32>
            %bitcast_convert_type3A_232 = tpu.bitcast %get3A_220 : vector<16xi32> -> vector<16xf32>
            %mul3A_233 = arith.mulf %bitcast_convert_type3A_231, %bitcast_convert_type3A_232 : vector<16xf32>
            %add3A_234 = arith.addf %mul3A_212, %mul3A_233 : vector<16xf32>
            %get3A_235 = arith.index_cast %add3A_195 : i32 to index
            %get3A_236 = arith.constant 32 : index
            %get3A_237 = tpu.vector_load %arg8[%get3A_235, %get3A_236] {strides = array<i32>} : memref<128x128xi32, #tpu.memory_space<vmem>>, vector<1x16xi32>,
            %get3A_238 = vector.shape_cast %get3A_237 : vector<1x16xi32> to vector<16xi32>
            %get3A_239 = arith.index_cast %add3A_195 : i32 to index
            %get3A_240 = arith.constant 32 : index
            %get3A_241 = tpu.vector_load %arg9[%get3A_239, %get3A_240] {strides = array<i32>} : memref<128x128xi32, #tpu.memory_space<vmem>>, vector<1x16xi32>,
            %get3A_242 = vector.shape_cast %get3A_241 : vector<1x16xi32> to vector<16xi32>
            %shift_left3A_243 = arith.constant 16 : i32
            %shift_left3A_244 = vector.broadcast %shift_left3A_243 : i32 to vector<16xi32>
            %shift_left3A_245 = arith.shli %get3A_238, %shift_left3A_244 : vector<16xi32>
            %bitcast_convert_type3A_246 = tpu.bitcast %shift_left3A_245 : vector<16xi32> -> vector<16xf32>
            %shift_left3A_247 = arith.constant 16 : i32
            %shift_left3A_248 = vector.broadcast %shift_left3A_247 : i32 to vector<16xi32>
            %shift_left3A_249 = arith.shli %get3A_242, %shift_left3A_248 : vector<16xi32>
            %bitcast_convert_type3A_250 = tpu.bitcast %shift_left3A_249 : vector<16xi32> -> vector<16xf32>
            %mul3A_251 = arith.mulf %bitcast_convert_type3A_246, %bitcast_convert_type3A_250 : vector<16xf32>
            %add3A_252 = arith.addf %add3A_230, %mul3A_251 : vector<16xf32>
            %bitcast_convert_type3A_253 = tpu.bitcast %get3A_238 : vector<16xi32> -> vector<16xf32>
            %bitcast_convert_type3A_254 = tpu.bitcast %get3A_242 : vector<16xi32> -> vector<16xf32>
            %mul3A_255 = arith.mulf %bitcast_convert_type3A_253, %bitcast_convert_type3A_254 : vector<16xf32>
            %add3A_256 = arith.addf %add3A_234, %mul3A_255 : vector<16xf32>
            %get3A_257 = arith.index_cast %add3A_195 : i32 to index
            %get3A_258 = arith.constant 48 : index
            %get3A_259 = tpu.vector_load %arg8[%get3A_257, %get3A_258] {strides = array<i32>} : memref<128x128xi32, #tpu.memory_space<vmem>>, vector<1x16xi32>,
            %get3A_260 = vector.shape_cast %get3A_259 : vector<1x16xi32> to vector<16xi32>
            %get3A_261 = arith.index_cast %add3A_195 : i32 to index
            %get3A_262 = arith.constant 48 : index
            %get3A_263 = tpu.vector_load %arg9[%get3A_261, %get3A_262] {strides = array<i32>} : memref<128x128xi32, #tpu.memory_space<vmem>>, vector<1x16xi32>,
            %get3A_264 = vector.shape_cast %get3A_263 : vector<1x16xi32> to vector<16xi32>
            %shift_left3A_265 = arith.constant 16 : i32
            %shift_left3A_266 = vector.broadcast %shift_left3A_265 : i32 to vector<16xi32>
            %shift_left3A_267 = arith.shli %get3A_260, %shift_left3A_266 : vector<16xi32>
            %bitcast_convert_type3A_268 = tpu.bitcast %shift_left3A_267 : vector<16xi32> -> vector<16xf32>
            %shift_left3A_269 = arith.constant 16 : i32
            %shift_left3A_270 = vector.broadcast %shift_left3A_269 : i32 to vector<16xi32>
            %shift_left3A_271 = arith.shli %get3A_264, %shift_left3A_270 : vector<16xi32>
            %bitcast_convert_type3A_272 = tpu.bitcast %shift_left3A_271 : vector<16xi32> -> vector<16xf32>
            %mul3A_273 = arith.mulf %bitcast_convert_type3A_268, %bitcast_convert_type3A_272 : vector<16xf32>
            %add3A_274 = arith.addf %add3A_252, %mul3A_273 : vector<16xf32>
            %bitcast_convert_type3A_275 = tpu.bitcast %get3A_260 : vector<16xi32> -> vector<16xf32>
            %bitcast_convert_type3A_276 = tpu.bitcast %get3A_264 : vector<16xi32> -> vector<16xf32>
            %mul3A_277 = arith.mulf %bitcast_convert_type3A_275, %bitcast_convert_type3A_276 : vector<16xf32>
            %add3A_278 = arith.addf %add3A_256, %mul3A_277 : vector<16xf32>
            %get3A_279 = arith.index_cast %add3A_195 : i32 to index
            %get3A_280 = arith.constant 64 : index
            %get3A_281 = tpu.vector_load %arg8[%get3A_279, %get3A_280] {strides = array<i32>} : memref<128x128xi32, #tpu.memory_space<vmem>>, vector<1x16xi32>,
            %get3A_282 = vector.shape_cast %get3A_281 : vector<1x16xi32> to vector<16xi32>
            %get3A_283 = arith.index_cast %add3A_195 : i32 to index
            %get3A_284 = arith.constant 64 : index
            %get3A_285 = tpu.vector_load %arg9[%get3A_283, %get3A_284] {strides = array<i32>} : memref<128x128xi32, #tpu.memory_space<vmem>>, vector<1x16xi32>,
            %get3A_286 = vector.shape_cast %get3A_285 : vector<1x16xi32> to vector<16xi32>
            %shift_left3A_287 = arith.constant 16 : i32
            %shift_left3A_288 = vector.broadcast %shift_left3A_287 : i32 to vector<16xi32>
            %shift_left3A_289 = arith.shli %get3A_282, %shift_left3A_288 : vector<16xi32>
            %bitcast_convert_type3A_290 = tpu.bitcast %shift_left3A_289 : vector<16xi32> -> vector<16xf32>
            %shift_left3A_291 = arith.constant 16 : i32
            %shift_left3A_292 = vector.broadcast %shift_left3A_291 : i32 to vector<16xi32>
            %shift_left3A_293 = arith.shli %get3A_286, %shift_left3A_292 : vector<16xi32>
            %bitcast_convert_type3A_294 = tpu.bitcast %shift_left3A_293 : vector<16xi32> -> vector<16xf32>
            %mul3A_295 = arith.mulf %bitcast_convert_type3A_290, %bitcast_convert_type3A_294 : vector<16xf32>
            %add3A_296 = arith.addf %add3A_274, %mul3A_295 : vector<16xf32>
            %bitcast_convert_type3A_297 = tpu.bitcast %get3A_282 : vector<16xi32> -> vector<16xf32>
            %bitcast_convert_type3A_298 = tpu.bitcast %get3A_286 : vector<16xi32> -> vector<16xf32>
            %mul3A_299 = arith.mulf %bitcast_convert_type3A_297, %bitcast_convert_type3A_298 : vector<16xf32>
            %add3A_300 = arith.addf %add3A_278, %mul3A_299 : vector<16xf32>
            %get3A_301 = arith.index_cast %add3A_195 : i32 to index
            %get3A_302 = arith.constant 80 : index
            %get3A_303 = tpu.vector_load %arg8[%get3A_301, %get3A_302] {strides = array<i32>} : memref<128x128xi32, #tpu.memory_space<vmem>>, vector<1x16xi32>,
            %get3A_304 = vector.shape_cast %get3A_303 : vector<1x16xi32> to vector<16xi32>
            %get3A_305 = arith.index_cast %add3A_195 : i32 to index
            %get3A_306 = arith.constant 80 : index
            %get3A_307 = tpu.vector_load %arg9[%get3A_305, %get3A_306] {strides = array<i32>} : memref<128x128xi32, #tpu.memory_space<vmem>>, vector<1x16xi32>,
            %get3A_308 = vector.shape_cast %get3A_307 : vector<1x16xi32> to vector<16xi32>
            %shift_left3A_309 = arith.constant 16 : i32
            %shift_left3A_310 = vector.broadcast %shift_left3A_309 : i32 to vector<16xi32>
            %shift_left3A_311 = arith.shli %get3A_304, %shift_left3A_310 : vector<16xi32>
            %bitcast_convert_type3A_312 = tpu.bitcast %shift_left3A_311 : vector<16xi32> -> vector<16xf32>
            %shift_left3A_313 = arith.constant 16 : i32
            %shift_left3A_314 = vector.broadcast %shift_left3A_313 : i32 to vector<16xi32>
            %shift_left3A_315 = arith.shli %get3A_308, %shift_left3A_314 : vector<16xi32>
            %bitcast_convert_type3A_316 = tpu.bitcast %shift_left3A_315 : vector<16xi32> -> vector<16xf32>
            %mul3A_317 = arith.mulf %bitcast_convert_type3A_312, %bitcast_convert_type3A_316 : vector<16xf32>
            %add3A_318 = arith.addf %add3A_296, %mul3A_317 : vector<16xf32>
            %bitcast_convert_type3A_319 = tpu.bitcast %get3A_304 : vector<16xi32> -> vector<16xf32>
            %bitcast_convert_type3A_320 = tpu.bitcast %get3A_308 : vector<16xi32> -> vector<16xf32>
            %mul3A_321 = arith.mulf %bitcast_convert_type3A_319, %bitcast_convert_type3A_320 : vector<16xf32>
            %add3A_322 = arith.addf %add3A_300, %mul3A_321 : vector<16xf32>
            %get3A_323 = arith.index_cast %add3A_195 : i32 to index
            %get3A_324 = arith.constant 96 : index
            %get3A_325 = tpu.vector_load %arg8[%get3A_323, %get3A_324] {strides = array<i32>} : memref<128x128xi32, #tpu.memory_space<vmem>>, vector<1x16xi32>,
            %get3A_326 = vector.shape_cast %get3A_325 : vector<1x16xi32> to vector<16xi32>
            %get3A_327 = arith.index_cast %add3A_195 : i32 to index
            %get3A_328 = arith.constant 96 : index
            %get3A_329 = tpu.vector_load %arg9[%get3A_327, %get3A_328] {strides = array<i32>} : memref<128x128xi32, #tpu.memory_space<vmem>>, vector<1x16xi32>,
            %get3A_330 = vector.shape_cast %get3A_329 : vector<1x16xi32> to vector<16xi32>
            %shift_left3A_331 = arith.constant 16 : i32
            %shift_left3A_332 = vector.broadcast %shift_left3A_331 : i32 to vector<16xi32>
            %shift_left3A_333 = arith.shli %get3A_326, %shift_left3A_332 : vector<16xi32>
            %bitcast_convert_type3A_334 = tpu.bitcast %shift_left3A_333 : vector<16xi32> -> vector<16xf32>
            %shift_left3A_335 = arith.constant 16 : i32
            %shift_left3A_336 = vector.broadcast %shift_left3A_335 : i32 to vector<16xi32>
            %shift_left3A_337 = arith.shli %get3A_330, %shift_left3A_336 : vector<16xi32>
            %bitcast_convert_type3A_338 = tpu.bitcast %shift_left3A_337 : vector<16xi32> -> vector<16xf32>
            %mul3A_339 = arith.mulf %bitcast_convert_type3A_334, %bitcast_convert_type3A_338 : vector<16xf32>
            %add3A_340 = arith.addf %add3A_318, %mul3A_339 : vector<16xf32>
            %bitcast_convert_type3A_341 = tpu.bitcast %get3A_326 : vector<16xi32> -> vector<16xf32>
            %bitcast_convert_type3A_342 = tpu.bitcast %get3A_330 : vector<16xi32> -> vector<16xf32>
            %mul3A_343 = arith.mulf %bitcast_convert_type3A_341, %bitcast_convert_type3A_342 : vector<16xf32>
            %add3A_344 = arith.addf %add3A_322, %mul3A_343 : vector<16xf32>
            %get3A_345 = arith.index_cast %add3A_195 : i32 to index
            %get3A_346 = arith.constant 112 : index
            %get3A_347 = tpu.vector_load %arg8[%get3A_345, %get3A_346] {strides = array<i32>} : memref<128x128xi32, #tpu.memory_space<vmem>>, vector<1x16xi32>,
            %get3A_348 = vector.shape_cast %get3A_347 : vector<1x16xi32> to vector<16xi32>
            %get3A_349 = arith.index_cast %add3A_195 : i32 to index
            %get3A_350 = arith.constant 112 : index
            %get3A_351 = tpu.vector_load %arg9[%get3A_349, %get3A_350] {strides = array<i32>} : memref<128x128xi32, #tpu.memory_space<vmem>>, vector<1x16xi32>,
            %get3A_352 = vector.shape_cast %get3A_351 : vector<1x16xi32> to vector<16xi32>
            %shift_left3A_353 = arith.constant 16 : i32
            %shift_left3A_354 = vector.broadcast %shift_left3A_353 : i32 to vector<16xi32>
            %shift_left3A_355 = arith.shli %get3A_348, %shift_left3A_354 : vector<16xi32>
            %bitcast_convert_type3A_356 = tpu.bitcast %shift_left3A_355 : vector<16xi32> -> vector<16xf32>
            %shift_left3A_357 = arith.constant 16 : i32
            %shift_left3A_358 = vector.broadcast %shift_left3A_357 : i32 to vector<16xi32>
            %shift_left3A_359 = arith.shli %get3A_352, %shift_left3A_358 : vector<16xi32>
            %bitcast_convert_type3A_360 = tpu.bitcast %shift_left3A_359 : vector<16xi32> -> vector<16xf32>
            %mul3A_361 = arith.mulf %bitcast_convert_type3A_356, %bitcast_convert_type3A_360 : vector<16xf32>
            %add3A_362 = arith.addf %add3A_340, %mul3A_361 : vector<16xf32>
            %bitcast_convert_type3A_363 = tpu.bitcast %get3A_348 : vector<16xi32> -> vector<16xf32>
            %bitcast_convert_type3A_364 = tpu.bitcast %get3A_352 : vector<16xi32> -> vector<16xf32>
            %mul3A_365 = arith.mulf %bitcast_convert_type3A_363, %bitcast_convert_type3A_364 : vector<16xf32>
            %add3A_366 = arith.addf %add3A_344, %mul3A_365 : vector<16xf32>
            %add3A_367 = arith.addf %add3A_362, %add3A_366 : vector<16xf32>
            %add3A_368 = arith.constant 1 : i32
            %add3A_369 = arith.addi %add3A_193, %add3A_368 : i32
            %get3A_370 = arith.index_cast %add3A_369 : i32 to index
            %get3A_371 = arith.constant 0 : index
            %get3A_372 = tpu.vector_load %arg8[%get3A_370, %get3A_371] {strides = array<i32>} : memref<128x128xi32, #tpu.memory_space<vmem>>, vector<1x16xi32>,
            %get3A_373 = vector.shape_cast %get3A_372 : vector<1x16xi32> to vector<16xi32>
            %get3A_374 = arith.index_cast %add3A_369 : i32 to index
            %get3A_375 = arith.constant 0 : index
            %get3A_376 = tpu.vector_load %arg9[%get3A_374, %get3A_375] {strides = array<i32>} : memref<128x128xi32, #tpu.memory_space<vmem>>, vector<1x16xi32>,
            %get3A_377 = vector.shape_cast %get3A_376 : vector<1x16xi32> to vector<16xi32>
            %shift_left3A_378 = arith.constant 16 : i32
            %shift_left3A_379 = vector.broadcast %shift_left3A_378 : i32 to vector<16xi32>
            %shift_left3A_380 = arith.shli %get3A_373, %shift_left3A_379 : vector<16xi32>
            %bitcast_convert_type3A_381 = tpu.bitcast %shift_left3A_380 : vector<16xi32> -> vector<16xf32>
            %shift_left3A_382 = arith.constant 16 : i32
            %shift_left3A_383 = vector.broadcast %shift_left3A_382 : i32 to vector<16xi32>
            %shift_left3A_384 = arith.shli %get3A_377, %shift_left3A_383 : vector<16xi32>
            %bitcast_convert_type3A_385 = tpu.bitcast %shift_left3A_384 : vector<16xi32> -> vector<16xf32>
            %mul3A_386 = arith.mulf %bitcast_convert_type3A_381, %bitcast_convert_type3A_385 : vector<16xf32>
            %bitcast_convert_type3A_387 = tpu.bitcast %get3A_373 : vector<16xi32> -> vector<16xf32>
            %bitcast_convert_type3A_388 = tpu.bitcast %get3A_377 : vector<16xi32> -> vector<16xf32>
            %mul3A_389 = arith.mulf %bitcast_convert_type3A_387, %bitcast_convert_type3A_388 : vector<16xf32>
            %get3A_390 = arith.index_cast %add3A_369 : i32 to index
            %get3A_391 = arith.constant 16 : index
            %get3A_392 = tpu.vector_load %arg8[%get3A_390, %get3A_391] {strides = array<i32>} : memref<128x128xi32, #tpu.memory_space<vmem>>, vector<1x16xi32>,
            %get3A_393 = vector.shape_cast %get3A_392 : vector<1x16xi32> to vector<16xi32>
            %get3A_394 = arith.index_cast %add3A_369 : i32 to index
            %get3A_395 = arith.constant 16 : index
            %get3A_396 = tpu.vector_load %arg9[%get3A_394, %get3A_395] {strides = array<i32>} : memref<128x128xi32, #tpu.memory_space<vmem>>, vector<1x16xi32>,
            %get3A_397 = vector.shape_cast %get3A_396 : vector<1x16xi32> to vector<16xi32>
            %shift_left3A_398 = arith.constant 16 : i32
            %shift_left3A_399 = vector.broadcast %shift_left3A_398 : i32 to vector<16xi32>
            %shift_left3A_400 = arith.shli %get3A_393, %shift_left3A_399 : vector<16xi32>
            %bitcast_convert_type3A_401 = tpu.bitcast %shift_left3A_400 : vector<16xi32> -> vector<16xf32>
            %shift_left3A_402 = arith.constant 16 : i32
            %shift_left3A_403 = vector.broadcast %shift_left3A_402 : i32 to vector<16xi32>
            %shift_left3A_404 = arith.shli %get3A_397, %shift_left3A_403 : vector<16xi32>
            %bitcast_convert_type3A_405 = tpu.bitcast %shift_left3A_404 : vector<16xi32> -> vector<16xf32>
            %mul3A_406 = arith.mulf %bitcast_convert_type3A_401, %bitcast_convert_type3A_405 : vector<16xf32>
            %add3A_407 = arith.addf %mul3A_386, %mul3A_406 : vector<16xf32>
            %bitcast_convert_type3A_408 = tpu.bitcast %get3A_393 : vector<16xi32> -> vector<16xf32>
            %bitcast_convert_type3A_409 = tpu.bitcast %get3A_397 : vector<16xi32> -> vector<16xf32>
            %mul3A_410 = arith.mulf %bitcast_convert_type3A_408, %bitcast_convert_type3A_409 : vector<16xf32>
            %add3A_411 = arith.addf %mul3A_389, %mul3A_410 : vector<16xf32>
            %get3A_412 = arith.index_cast %add3A_369 : i32 to index
            %get3A_413 = arith.constant 32 : index
            %get3A_414 = tpu.vector_load %arg8[%get3A_412, %get3A_413] {strides = array<i32>} : memref<128x128xi32, #tpu.memory_space<vmem>>, vector<1x16xi32>,
            %get3A_415 = vector.shape_cast %get3A_414 : vector<1x16xi32> to vector<16xi32>
            %get3A_416 = arith.index_cast %add3A_369 : i32 to index
            %get3A_417 = arith.constant 32 : index
            %get3A_418 = tpu.vector_load %arg9[%get3A_416, %get3A_417] {strides = array<i32>} : memref<128x128xi32, #tpu.memory_space<vmem>>, vector<1x16xi32>,
            %get3A_419 = vector.shape_cast %get3A_418 : vector<1x16xi32> to vector<16xi32>
            %shift_left3A_420 = arith.constant 16 : i32
            %shift_left3A_421 = vector.broadcast %shift_left3A_420 : i32 to vector<16xi32>
            %shift_left3A_422 = arith.shli %get3A_415, %shift_left3A_421 : vector<16xi32>
            %bitcast_convert_type3A_423 = tpu.bitcast %shift_left3A_422 : vector<16xi32> -> vector<16xf32>
            %shift_left3A_424 = arith.constant 16 : i32
            %shift_left3A_425 = vector.broadcast %shift_left3A_424 : i32 to vector<16xi32>
            %shift_left3A_426 = arith.shli %get3A_419, %shift_left3A_425 : vector<16xi32>
            %bitcast_convert_type3A_427 = tpu.bitcast %shift_left3A_426 : vector<16xi32> -> vector<16xf32>
            %mul3A_428 = arith.mulf %bitcast_convert_type3A_423, %bitcast_convert_type3A_427 : vector<16xf32>
            %add3A_429 = arith.addf %add3A_407, %mul3A_428 : vector<16xf32>
            %bitcast_convert_type3A_430 = tpu.bitcast %get3A_415 : vector<16xi32> -> vector<16xf32>
            %bitcast_convert_type3A_431 = tpu.bitcast %get3A_419 : vector<16xi32> -> vector<16xf32>
            %mul3A_432 = arith.mulf %bitcast_convert_type3A_430, %bitcast_convert_type3A_431 : vector<16xf32>
            %add3A_433 = arith.addf %add3A_411, %mul3A_432 : vector<16xf32>
            %get3A_434 = arith.index_cast %add3A_369 : i32 to index
            %get3A_435 = arith.constant 48 : index
            %get3A_436 = tpu.vector_load %arg8[%get3A_434, %get3A_435] {strides = array<i32>} : memref<128x128xi32, #tpu.memory_space<vmem>>, vector<1x16xi32>,
            %get3A_437 = vector.shape_cast %get3A_436 : vector<1x16xi32> to vector<16xi32>
            %get3A_438 = arith.index_cast %add3A_369 : i32 to index
            %get3A_439 = arith.constant 48 : index
            %get3A_440 = tpu.vector_load %arg9[%get3A_438, %get3A_439] {strides = array<i32>} : memref<128x128xi32, #tpu.memory_space<vmem>>, vector<1x16xi32>,
            %get3A_441 = vector.shape_cast %get3A_440 : vector<1x16xi32> to vector<16xi32>
            %shift_left3A_442 = arith.constant 16 : i32
            %shift_left3A_443 = vector.broadcast %shift_left3A_442 : i32 to vector<16xi32>
            %shift_left3A_444 = arith.shli %get3A_437, %shift_left3A_443 : vector<16xi32>
            %bitcast_convert_type3A_445 = tpu.bitcast %shift_left3A_444 : vector<16xi32> -> vector<16xf32>
            %shift_left3A_446 = arith.constant 16 : i32
            %shift_left3A_447 = vector.broadcast %shift_left3A_446 : i32 to vector<16xi32>
            %shift_left3A_448 = arith.shli %get3A_441, %shift_left3A_447 : vector<16xi32>
            %bitcast_convert_type3A_449 = tpu.bitcast %shift_left3A_448 : vector<16xi32> -> vector<16xf32>
            %mul3A_450 = arith.mulf %bitcast_convert_type3A_445, %bitcast_convert_type3A_449 : vector<16xf32>
            %add3A_451 = arith.addf %add3A_429, %mul3A_450 : vector<16xf32>
            %bitcast_convert_type3A_452 = tpu.bitcast %get3A_437 : vector<16xi32> -> vector<16xf32>
            %bitcast_convert_type3A_453 = tpu.bitcast %get3A_441 : vector<16xi32> -> vector<16xf32>
            %mul3A_454 = arith.mulf %bitcast_convert_type3A_452, %bitcast_convert_type3A_453 : vector<16xf32>
            %add3A_455 = arith.addf %add3A_433, %mul3A_454 : vector<16xf32>
            %get3A_456 = arith.index_cast %add3A_369 : i32 to index
            %get3A_457 = arith.constant 64 : index
            %get3A_458 = tpu.vector_load %arg8[%get3A_456, %get3A_457] {strides = array<i32>} : memref<128x128xi32, #tpu.memory_space<vmem>>, vector<1x16xi32>,
            %get3A_459 = vector.shape_cast %get3A_458 : vector<1x16xi32> to vector<16xi32>
            %get3A_460 = arith.index_cast %add3A_369 : i32 to index
            %get3A_461 = arith.constant 64 : index
            %get3A_462 = tpu.vector_load %arg9[%get3A_460, %get3A_461] {strides = array<i32>} : memref<128x128xi32, #tpu.memory_space<vmem>>, vector<1x16xi32>,
            %get3A_463 = vector.shape_cast %get3A_462 : vector<1x16xi32> to vector<16xi32>
            %shift_left3A_464 = arith.constant 16 : i32
            %shift_left3A_465 = vector.broadcast %shift_left3A_464 : i32 to vector<16xi32>
            %shift_left3A_466 = arith.shli %get3A_459, %shift_left3A_465 : vector<16xi32>
            %bitcast_convert_type3A_467 = tpu.bitcast %shift_left3A_466 : vector<16xi32> -> vector<16xf32>
            %shift_left3A_468 = arith.constant 16 : i32
            %shift_left3A_469 = vector.broadcast %shift_left3A_468 : i32 to vector<16xi32>
            %shift_left3A_470 = arith.shli %get3A_463, %shift_left3A_469 : vector<16xi32>
            %bitcast_convert_type3A_471 = tpu.bitcast %shift_left3A_470 : vector<16xi32> -> vector<16xf32>
            %mul3A_472 = arith.mulf %bitcast_convert_type3A_467, %bitcast_convert_type3A_471 : vector<16xf32>
            %add3A_473 = arith.addf %add3A_451, %mul3A_472 : vector<16xf32>
            %bitcast_convert_type3A_474 = tpu.bitcast %get3A_459 : vector<16xi32> -> vector<16xf32>
            %bitcast_convert_type3A_475 = tpu.bitcast %get3A_463 : vector<16xi32> -> vector<16xf32>
            %mul3A_476 = arith.mulf %bitcast_convert_type3A_474, %bitcast_convert_type3A_475 : vector<16xf32>
            %add3A_477 = arith.addf %add3A_455, %mul3A_476 : vector<16xf32>
            %get3A_478 = arith.index_cast %add3A_369 : i32 to index
            %get3A_479 = arith.constant 80 : index
            %get3A_480 = tpu.vector_load %arg8[%get3A_478, %get3A_479] {strides = array<i32>} : memref<128x128xi32, #tpu.memory_space<vmem>>, vector<1x16xi32>,
            %get3A_481 = vector.shape_cast %get3A_480 : vector<1x16xi32> to vector<16xi32>
            %get3A_482 = arith.index_cast %add3A_369 : i32 to index
            %get3A_483 = arith.constant 80 : index
            %get3A_484 = tpu.vector_load %arg9[%get3A_482, %get3A_483] {strides = array<i32>} : memref<128x128xi32, #tpu.memory_space<vmem>>, vector<1x16xi32>,
            %get3A_485 = vector.shape_cast %get3A_484 : vector<1x16xi32> to vector<16xi32>
            %shift_left3A_486 = arith.constant 16 : i32
            %shift_left3A_487 = vector.broadcast %shift_left3A_486 : i32 to vector<16xi32>
            %shift_left3A_488 = arith.shli %get3A_481, %shift_left3A_487 : vector<16xi32>
            %bitcast_convert_type3A_489 = tpu.bitcast %shift_left3A_488 : vector<16xi32> -> vector<16xf32>
            %shift_left3A_490 = arith.constant 16 : i32
            %shift_left3A_491 = vector.broadcast %shift_left3A_490 : i32 to vector<16xi32>
            %shift_left3A_492 = arith.shli %get3A_485, %shift_left3A_491 : vector<16xi32>
            %bitcast_convert_type3A_493 = tpu.bitcast %shift_left3A_492 : vector<16xi32> -> vector<16xf32>
            %mul3A_494 = arith.mulf %bitcast_convert_type3A_489, %bitcast_convert_type3A_493 : vector<16xf32>
            %add3A_495 = arith.addf %add3A_473, %mul3A_494 : vector<16xf32>
            %bitcast_convert_type3A_496 = tpu.bitcast %get3A_481 : vector<16xi32> -> vector<16xf32>
            %bitcast_convert_type3A_497 = tpu.bitcast %get3A_485 : vector<16xi32> -> vector<16xf32>
            %mul3A_498 = arith.mulf %bitcast_convert_type3A_496, %bitcast_convert_type3A_497 : vector<16xf32>
            %add3A_499 = arith.addf %add3A_477, %mul3A_498 : vector<16xf32>
            %get3A_500 = arith.index_cast %add3A_369 : i32 to index
            %get3A_501 = arith.constant 96 : index
            %get3A_502 = tpu.vector_load %arg8[%get3A_500, %get3A_501] {strides = array<i32>} : memref<128x128xi32, #tpu.memory_space<vmem>>, vector<1x16xi32>,
            %get3A_503 = vector.shape_cast %get3A_502 : vector<1x16xi32> to vector<16xi32>
            %get3A_504 = arith.index_cast %add3A_369 : i32 to index
            %get3A_505 = arith.constant 96 : index
            %get3A_506 = tpu.vector_load %arg9[%get3A_504, %get3A_505] {strides = array<i32>} : memref<128x128xi32, #tpu.memory_space<vmem>>, vector<1x16xi32>,
            %get3A_507 = vector.shape_cast %get3A_506 : vector<1x16xi32> to vector<16xi32>
            %shift_left3A_508 = arith.constant 16 : i32
            %shift_left3A_509 = vector.broadcast %shift_left3A_508 : i32 to vector<16xi32>
            %shift_left3A_510 = arith.shli %get3A_503, %shift_left3A_509 : vector<16xi32>
            %bitcast_convert_type3A_511 = tpu.bitcast %shift_left3A_510 : vector<16xi32> -> vector<16xf32>
            %shift_left3A_512 = arith.constant 16 : i32
            %shift_left3A_513 = vector.broadcast %shift_left3A_512 : i32 to vector<16xi32>
            %shift_left3A_514 = arith.shli %get3A_507, %shift_left3A_513 : vector<16xi32>
            %bitcast_convert_type3A_515 = tpu.bitcast %shift_left3A_514 : vector<16xi32> -> vector<16xf32>
            %mul3A_516 = arith.mulf %bitcast_convert_type3A_511, %bitcast_convert_type3A_515 : vector<16xf32>
            %add3A_517 = arith.addf %add3A_495, %mul3A_516 : vector<16xf32>
            %bitcast_convert_type3A_518 = tpu.bitcast %get3A_503 : vector<16xi32> -> vector<16xf32>
            %bitcast_convert_type3A_519 = tpu.bitcast %get3A_507 : vector<16xi32> -> vector<16xf32>
            %mul3A_520 = arith.mulf %bitcast_convert_type3A_518, %bitcast_convert_type3A_519 : vector<16xf32>
            %add3A_521 = arith.addf %add3A_499, %mul3A_520 : vector<16xf32>
            %get3A_522 = arith.index_cast %add3A_369 : i32 to index
            %get3A_523 = arith.constant 112 : index
            %get3A_524 = tpu.vector_load %arg8[%get3A_522, %get3A_523] {strides = array<i32>} : memref<128x128xi32, #tpu.memory_space<vmem>>, vector<1x16xi32>,
            %get3A_525 = vector.shape_cast %get3A_524 : vector<1x16xi32> to vector<16xi32>
            %get3A_526 = arith.index_cast %add3A_369 : i32 to index
            %get3A_527 = arith.constant 112 : index
            %get3A_528 = tpu.vector_load %arg9[%get3A_526, %get3A_527] {strides = array<i32>} : memref<128x128xi32, #tpu.memory_space<vmem>>, vector<1x16xi32>,
            %get3A_529 = vector.shape_cast %get3A_528 : vector<1x16xi32> to vector<16xi32>
            %shift_left3A_530 = arith.constant 16 : i32
            %shift_left3A_531 = vector.broadcast %shift_left3A_530 : i32 to vector<16xi32>
            %shift_left3A_532 = arith.shli %get3A_525, %shift_left3A_531 : vector<16xi32>
            %bitcast_convert_type3A_533 = tpu.bitcast %shift_left3A_532 : vector<16xi32> -> vector<16xf32>
            %shift_left3A_534 = arith.constant 16 : i32
            %shift_left3A_535 = vector.broadcast %shift_left3A_534 : i32 to vector<16xi32>
            %shift_left3A_536 = arith.shli %get3A_529, %shift_left3A_535 : vector<16xi32>
            %bitcast_convert_type3A_537 = tpu.bitcast %shift_left3A_536 : vector<16xi32> -> vector<16xf32>
            %mul3A_538 = arith.mulf %bitcast_convert_type3A_533, %bitcast_convert_type3A_537 : vector<16xf32>
            %add3A_539 = arith.addf %add3A_517, %mul3A_538 : vector<16xf32>
            %bitcast_convert_type3A_540 = tpu.bitcast %get3A_525 : vector<16xi32> -> vector<16xf32>
            %bitcast_convert_type3A_541 = tpu.bitcast %get3A_529 : vector<16xi32> -> vector<16xf32>
            %mul3A_542 = arith.mulf %bitcast_convert_type3A_540, %bitcast_convert_type3A_541 : vector<16xf32>
            %add3A_543 = arith.addf %add3A_521, %mul3A_542 : vector<16xf32>
            %add3A_544 = arith.addf %add3A_539, %add3A_543 : vector<16xf32>
            %select_n3A_545 = arith.select %ne3A_176, %add3A_544, %add3A_367 : vector<16xi1>, vector<16xf32>
            %select_n3A_546 = arith.select %ne3A_176, %add3A_367, %add3A_544 : vector<16xi1>, vector<16xf32>
            %xor3A = arith.constant 1 : i32
            %xor3A_547 = vector.broadcast %xor3A : i32 to vector<16xi32>
            %xor3A_548 = arith.xori %iota3A, %xor3A_547 : vector<16xi32>
            %broadcast_in_dim3A_549 = vector.shape_cast %xor3A_548 : vector<16xi32> to vector<16x1xi32>
            %gather3A = vector.shape_cast %broadcast_in_dim3A_549 : vector<16x1xi32> to vector<16xi32>
            %gather3A_550 = tpu.dynamic_gather %select_n3A_546[%gather3A] in [0] : vector<16xf32>, vector<16xi32> -> vector<16xf32>
            %add3A_551 = arith.addf %select_n3A_545, %gather3A_550 : vector<16xf32>
            %xor3A_552 = arith.constant 2 : i32
            %xor3A_553 = vector.broadcast %xor3A_552 : i32 to vector<16xi32>
            %xor3A_554 = arith.xori %iota3A, %xor3A_553 : vector<16xi32>
            %broadcast_in_dim3A_555 = vector.shape_cast %xor3A_554 : vector<16xi32> to vector<16x1xi32>
            %gather3A_556 = vector.shape_cast %broadcast_in_dim3A_555 : vector<16x1xi32> to vector<16xi32>
            %gather3A_557 = tpu.dynamic_gather %add3A_551[%gather3A_556] in [0] : vector<16xf32>, vector<16xi32> -> vector<16xf32>
            %add3A_558 = arith.addf %add3A_551, %gather3A_557 : vector<16xf32>
            %xor3A_559 = arith.constant 4 : i32
            %xor3A_560 = vector.broadcast %xor3A_559 : i32 to vector<16xi32>
            %xor3A_561 = arith.xori %iota3A, %xor3A_560 : vector<16xi32>
            %broadcast_in_dim3A_562 = vector.shape_cast %xor3A_561 : vector<16xi32> to vector<16x1xi32>
            %gather3A_563 = vector.shape_cast %broadcast_in_dim3A_562 : vector<16x1xi32> to vector<16xi32>
            %gather3A_564 = tpu.dynamic_gather %add3A_558[%gather3A_563] in [0] : vector<16xf32>, vector<16xi32> -> vector<16xf32>
            %add3A_565 = arith.addf %add3A_558, %gather3A_564 : vector<16xf32>
            %xor3A_566 = arith.constant 8 : i32
            %xor3A_567 = vector.broadcast %xor3A_566 : i32 to vector<16xi32>
            %xor3A_568 = arith.xori %iota3A, %xor3A_567 : vector<16xi32>
            %broadcast_in_dim3A_569 = vector.shape_cast %xor3A_568 : vector<16xi32> to vector<16x1xi32>
            %gather3A_570 = vector.shape_cast %broadcast_in_dim3A_569 : vector<16x1xi32> to vector<16xi32>
            %gather3A_571 = tpu.dynamic_gather %add3A_565[%gather3A_570] in [0] : vector<16xf32>, vector<16xi32> -> vector<16xf32>
            %add3A_572 = arith.addf %add3A_565, %gather3A_571 : vector<16xf32>
            %eq3A_573 = vector.broadcast %scan3A_189 : i32 to vector<16xi32>
            %eq3A_574 = arith.cmpi eq, %shift_right_arithmetic3A_178, %eq3A_573 : vector<16xi32>
            %select_n3A_575 = arith.select %eq3A_574, %add3A_572, %scan3A_190 : vector<16xi1>, vector<16xf32>
            scf.yield %select_n3A_575 : vector<16xf32>
          }
          %scan3A_185 = arith.constant 8 : i32
          %swap3A = arith.index_cast %mul3A_170 : i32 to index
          %swap3A_186 = tpu.vector_load %arg12[%swap3A] {strides = array<i32>} : memref<128xf32, #tpu.memory_space<vmem>>, vector<16xf32>,
          %swap3A_187 = vector.shape_cast %swap3A_186 : vector<16xf32> to vector<16xf32>
          %swap3A_188 = vector.shape_cast %scan3A_184 : vector<16xf32> to vector<16xf32>
          tpu.vector_store %arg12[%swap3A], %swap3A_188 {strides = array<i32>} : memref<128xf32, #tpu.memory_space<vmem>>, vector<16xf32>,
        }
        %scan3A_165 = arith.constant 8 : i32
        %dma_start3A_166 = tpu.memref_slice %arg5[%mul3A_66] : memref<160000xf32, #tpu.memory_space<hbm>> -> memref<128xf32, #tpu.memory_space<hbm>>
        %dma_start3A_167 = tpu.memref_slice %arg5[%mul3A_66] : memref<160000xf32, #tpu.memory_space<hbm>> -> memref<128xf32, #tpu.memory_space<hbm>>
        tpu.enqueue_dma source(%arg12 : memref<128xf32, #tpu.memory_space<vmem>>) target(%dma_start3A_167 : memref<128xf32, #tpu.memory_space<hbm>>) target_semaphore(%arg18 : memref<!tpu.dma_semaphore, #tpu.memory_space<semaphore_mem>>)
      } else {
      }
      %jit3A_136 = arith.constant 2 : i32
      %eq3A_137 = arith.constant 0 : i32
      %eq3A_138 = arith.cmpi eq, %jit3A_136, %eq3A_137 : i32
      %jit3A_139 = arith.constant 1 : i32
      %select_n3A_140 = arith.select %eq3A_138, %jit3A_139, %jit3A_136 : i32
      %rem3A_141 = arith.remsi %while3A_61, %select_n3A_140 : i32
      %ne3A_142 = arith.constant 0 : i32
      %ne3A_143 = arith.cmpi ne, %rem3A_141, %ne3A_142 : i32
      %lt3A_144 = arith.constant 0 : i32
      %lt3A_145 = arith.cmpi slt, %rem3A_141, %lt3A_144 : i32
      %lt3A_146 = arith.constant 0 : i32
      %lt3A_147 = arith.cmpi slt, %select_n3A_140, %lt3A_146 : i32
      %ne3A_148 = arith.xori %lt3A_145, %lt3A_147 : i1
      %and3A_149 = arith.andi %ne3A_148, %ne3A_143 : i1
      %add3A_150 = arith.addi %rem3A_141, %select_n3A_140 : i32
      %select_n3A_151 = arith.select %and3A_149, %add3A_150, %rem3A_141 : i32
      %eq3A_152 = arith.constant 1 : i32
      %eq3A_153 = arith.cmpi eq, %select_n3A_151, %eq3A_152 : i32
      %convert_element_type3A_154 = arith.extui %eq3A_153 : i1 to i32
      %cond3A_155 = arith.constant 0 : i32
      %cond3A_156 = arith.cmpi ne, %convert_element_type3A_154, %cond3A_155 : i32
      scf.if %cond3A_156 {
        %ge3A = arith.constant 2 : i32
        %ge3A_157 = arith.cmpi sge, %while3A_61, %ge3A : i32
        %convert_element_type3A_158 = arith.extui %ge3A_157 : i1 to i32
        %cond3A_159 = arith.constant 0 : i32
        %cond3A_160 = arith.cmpi ne, %convert_element_type3A_158, %cond3A_159 : i32
        scf.if %cond3A_160 {
          %dma_wait3A_168 = tpu.memref_slice %arg5[%mul3A_66] : memref<160000xf32, #tpu.memory_space<hbm>> -> memref<128xf32, #tpu.memory_space<hbm>>
          %dma_wait3A_169 = tpu.memref_slice %arg5[%mul3A_66] : memref<160000xf32, #tpu.memory_space<hbm>> -> memref<128xf32, #tpu.memory_space<hbm>>
          tpu.wait_dma2 semaphore(%arg19 : memref<!tpu.dma_semaphore, #tpu.memory_space<semaphore_mem>>) src(%arg13 : memref<128xf32, #tpu.memory_space<vmem>>) dst(%dma_wait3A_169 : memref<128xf32, #tpu.memory_space<hbm>>)
        } else {
        }
        %iota3A = tpu.iota {dimensions = array<i32: 0>} : vector<16xi32>
        %scan3A = arith.constant 0 : i32
        %scan3A_161 = arith.constant 0 : i32
        %scan3A_162 = arith.constant 8 : i32
        %scan3A_163 = arith.addi %scan3A_161, %scan3A_162 : i32
        %scan3A_164 = arith.constant 1 : i32
        scf.for %scan3A_168 = %scan3A_161 to %scan3A_163 step %scan3A_164  : i32 {
          %mul3A_169 = arith.constant 16 : i32
          %mul3A_170 = arith.muli %scan3A_168, %mul3A_169 : i32
          %and3A_171 = arith.constant 1 : i32
          %and3A_172 = vector.broadcast %and3A_171 : i32 to vector<16xi32>
          %and3A_173 = arith.andi %iota3A, %and3A_172 : vector<16xi32>
          %ne3A_174 = arith.constant 0 : i32
          %ne3A_175 = vector.broadcast %ne3A_174 : i32 to vector<16xi32>
          %ne3A_176 = arith.cmpi ne, %and3A_173, %ne3A_175 : vector<16xi32>
          %shift_right_arithmetic3A = arith.constant 1 : i32
          %shift_right_arithmetic3A_177 = vector.broadcast %shift_right_arithmetic3A : i32 to vector<16xi32>
          %shift_right_arithmetic3A_178 = arith.shrsi %iota3A, %shift_right_arithmetic3A_177 : vector<16xi32>
          %broadcast_in_dim3A = arith.constant 0.000000e+00 : f32
          %broadcast_in_dim3A_179 = vector.broadcast %broadcast_in_dim3A : f32 to vector<16xf32>
          %scan3A_180 = arith.constant 0 : i32
          %scan3A_181 = arith.constant 8 : i32
          %scan3A_182 = arith.addi %scan3A_180, %scan3A_181 : i32
          %scan3A_183 = arith.constant 1 : i32
          %scan3A_184 = scf.for %scan3A_189 = %scan3A_180 to %scan3A_182 step %scan3A_183 iter_args(%scan3A_190 = %broadcast_in_dim3A_179) -> (vector<16xf32>)  : i32 {
            %mul3A_191 = arith.constant 2 : i32
            %mul3A_192 = arith.muli %mul3A_191, %scan3A_189 : i32
            %add3A_193 = arith.addi %mul3A_170, %mul3A_192 : i32
            %add3A_194 = arith.constant 0 : i32
            %add3A_195 = arith.addi %add3A_193, %add3A_194 : i32
            %get3A = arith.index_cast %add3A_195 : i32 to index
            %get3A_196 = arith.constant 0 : index
            %get3A_197 = tpu.vector_load %arg10[%get3A, %get3A_196] {strides = array<i32>} : memref<128x128xi32, #tpu.memory_space<vmem>>, vector<1x16xi32>,
            %get3A_198 = vector.shape_cast %get3A_197 : vector<1x16xi32> to vector<16xi32>
            %get3A_199 = arith.index_cast %add3A_195 : i32 to index
            %get3A_200 = arith.constant 0 : index
            %get3A_201 = tpu.vector_load %arg11[%get3A_199, %get3A_200] {strides = array<i32>} : memref<128x128xi32, #tpu.memory_space<vmem>>, vector<1x16xi32>,
            %get3A_202 = vector.shape_cast %get3A_201 : vector<1x16xi32> to vector<16xi32>
            %shift_left3A = arith.constant 16 : i32
            %shift_left3A_203 = vector.broadcast %shift_left3A : i32 to vector<16xi32>
            %shift_left3A_204 = arith.shli %get3A_198, %shift_left3A_203 : vector<16xi32>
            %bitcast_convert_type3A = tpu.bitcast %shift_left3A_204 : vector<16xi32> -> vector<16xf32>
            %shift_left3A_205 = arith.constant 16 : i32
            %shift_left3A_206 = vector.broadcast %shift_left3A_205 : i32 to vector<16xi32>
            %shift_left3A_207 = arith.shli %get3A_202, %shift_left3A_206 : vector<16xi32>
            %bitcast_convert_type3A_208 = tpu.bitcast %shift_left3A_207 : vector<16xi32> -> vector<16xf32>
            %mul3A_209 = arith.mulf %bitcast_convert_type3A, %bitcast_convert_type3A_208 : vector<16xf32>
            %bitcast_convert_type3A_210 = tpu.bitcast %get3A_198 : vector<16xi32> -> vector<16xf32>
            %bitcast_convert_type3A_211 = tpu.bitcast %get3A_202 : vector<16xi32> -> vector<16xf32>
            %mul3A_212 = arith.mulf %bitcast_convert_type3A_210, %bitcast_convert_type3A_211 : vector<16xf32>
            %get3A_213 = arith.index_cast %add3A_195 : i32 to index
            %get3A_214 = arith.constant 16 : index
            %get3A_215 = tpu.vector_load %arg10[%get3A_213, %get3A_214] {strides = array<i32>} : memref<128x128xi32, #tpu.memory_space<vmem>>, vector<1x16xi32>,
            %get3A_216 = vector.shape_cast %get3A_215 : vector<1x16xi32> to vector<16xi32>
            %get3A_217 = arith.index_cast %add3A_195 : i32 to index
            %get3A_218 = arith.constant 16 : index
            %get3A_219 = tpu.vector_load %arg11[%get3A_217, %get3A_218] {strides = array<i32>} : memref<128x128xi32, #tpu.memory_space<vmem>>, vector<1x16xi32>,
            %get3A_220 = vector.shape_cast %get3A_219 : vector<1x16xi32> to vector<16xi32>
            %shift_left3A_221 = arith.constant 16 : i32
            %shift_left3A_222 = vector.broadcast %shift_left3A_221 : i32 to vector<16xi32>
            %shift_left3A_223 = arith.shli %get3A_216, %shift_left3A_222 : vector<16xi32>
            %bitcast_convert_type3A_224 = tpu.bitcast %shift_left3A_223 : vector<16xi32> -> vector<16xf32>
            %shift_left3A_225 = arith.constant 16 : i32
            %shift_left3A_226 = vector.broadcast %shift_left3A_225 : i32 to vector<16xi32>
            %shift_left3A_227 = arith.shli %get3A_220, %shift_left3A_226 : vector<16xi32>
            %bitcast_convert_type3A_228 = tpu.bitcast %shift_left3A_227 : vector<16xi32> -> vector<16xf32>
            %mul3A_229 = arith.mulf %bitcast_convert_type3A_224, %bitcast_convert_type3A_228 : vector<16xf32>
            %add3A_230 = arith.addf %mul3A_209, %mul3A_229 : vector<16xf32>
            %bitcast_convert_type3A_231 = tpu.bitcast %get3A_216 : vector<16xi32> -> vector<16xf32>
            %bitcast_convert_type3A_232 = tpu.bitcast %get3A_220 : vector<16xi32> -> vector<16xf32>
            %mul3A_233 = arith.mulf %bitcast_convert_type3A_231, %bitcast_convert_type3A_232 : vector<16xf32>
            %add3A_234 = arith.addf %mul3A_212, %mul3A_233 : vector<16xf32>
            %get3A_235 = arith.index_cast %add3A_195 : i32 to index
            %get3A_236 = arith.constant 32 : index
            %get3A_237 = tpu.vector_load %arg10[%get3A_235, %get3A_236] {strides = array<i32>} : memref<128x128xi32, #tpu.memory_space<vmem>>, vector<1x16xi32>,
            %get3A_238 = vector.shape_cast %get3A_237 : vector<1x16xi32> to vector<16xi32>
            %get3A_239 = arith.index_cast %add3A_195 : i32 to index
            %get3A_240 = arith.constant 32 : index
            %get3A_241 = tpu.vector_load %arg11[%get3A_239, %get3A_240] {strides = array<i32>} : memref<128x128xi32, #tpu.memory_space<vmem>>, vector<1x16xi32>,
            %get3A_242 = vector.shape_cast %get3A_241 : vector<1x16xi32> to vector<16xi32>
            %shift_left3A_243 = arith.constant 16 : i32
            %shift_left3A_244 = vector.broadcast %shift_left3A_243 : i32 to vector<16xi32>
            %shift_left3A_245 = arith.shli %get3A_238, %shift_left3A_244 : vector<16xi32>
            %bitcast_convert_type3A_246 = tpu.bitcast %shift_left3A_245 : vector<16xi32> -> vector<16xf32>
            %shift_left3A_247 = arith.constant 16 : i32
            %shift_left3A_248 = vector.broadcast %shift_left3A_247 : i32 to vector<16xi32>
            %shift_left3A_249 = arith.shli %get3A_242, %shift_left3A_248 : vector<16xi32>
            %bitcast_convert_type3A_250 = tpu.bitcast %shift_left3A_249 : vector<16xi32> -> vector<16xf32>
            %mul3A_251 = arith.mulf %bitcast_convert_type3A_246, %bitcast_convert_type3A_250 : vector<16xf32>
            %add3A_252 = arith.addf %add3A_230, %mul3A_251 : vector<16xf32>
            %bitcast_convert_type3A_253 = tpu.bitcast %get3A_238 : vector<16xi32> -> vector<16xf32>
            %bitcast_convert_type3A_254 = tpu.bitcast %get3A_242 : vector<16xi32> -> vector<16xf32>
            %mul3A_255 = arith.mulf %bitcast_convert_type3A_253, %bitcast_convert_type3A_254 : vector<16xf32>
            %add3A_256 = arith.addf %add3A_234, %mul3A_255 : vector<16xf32>
            %get3A_257 = arith.index_cast %add3A_195 : i32 to index
            %get3A_258 = arith.constant 48 : index
            %get3A_259 = tpu.vector_load %arg10[%get3A_257, %get3A_258] {strides = array<i32>} : memref<128x128xi32, #tpu.memory_space<vmem>>, vector<1x16xi32>,
            %get3A_260 = vector.shape_cast %get3A_259 : vector<1x16xi32> to vector<16xi32>
            %get3A_261 = arith.index_cast %add3A_195 : i32 to index
            %get3A_262 = arith.constant 48 : index
            %get3A_263 = tpu.vector_load %arg11[%get3A_261, %get3A_262] {strides = array<i32>} : memref<128x128xi32, #tpu.memory_space<vmem>>, vector<1x16xi32>,
            %get3A_264 = vector.shape_cast %get3A_263 : vector<1x16xi32> to vector<16xi32>
            %shift_left3A_265 = arith.constant 16 : i32
            %shift_left3A_266 = vector.broadcast %shift_left3A_265 : i32 to vector<16xi32>
            %shift_left3A_267 = arith.shli %get3A_260, %shift_left3A_266 : vector<16xi32>
            %bitcast_convert_type3A_268 = tpu.bitcast %shift_left3A_267 : vector<16xi32> -> vector<16xf32>
            %shift_left3A_269 = arith.constant 16 : i32
            %shift_left3A_270 = vector.broadcast %shift_left3A_269 : i32 to vector<16xi32>
            %shift_left3A_271 = arith.shli %get3A_264, %shift_left3A_270 : vector<16xi32>
            %bitcast_convert_type3A_272 = tpu.bitcast %shift_left3A_271 : vector<16xi32> -> vector<16xf32>
            %mul3A_273 = arith.mulf %bitcast_convert_type3A_268, %bitcast_convert_type3A_272 : vector<16xf32>
            %add3A_274 = arith.addf %add3A_252, %mul3A_273 : vector<16xf32>
            %bitcast_convert_type3A_275 = tpu.bitcast %get3A_260 : vector<16xi32> -> vector<16xf32>
            %bitcast_convert_type3A_276 = tpu.bitcast %get3A_264 : vector<16xi32> -> vector<16xf32>
            %mul3A_277 = arith.mulf %bitcast_convert_type3A_275, %bitcast_convert_type3A_276 : vector<16xf32>
            %add3A_278 = arith.addf %add3A_256, %mul3A_277 : vector<16xf32>
            %get3A_279 = arith.index_cast %add3A_195 : i32 to index
            %get3A_280 = arith.constant 64 : index
            %get3A_281 = tpu.vector_load %arg10[%get3A_279, %get3A_280] {strides = array<i32>} : memref<128x128xi32, #tpu.memory_space<vmem>>, vector<1x16xi32>,
            %get3A_282 = vector.shape_cast %get3A_281 : vector<1x16xi32> to vector<16xi32>
            %get3A_283 = arith.index_cast %add3A_195 : i32 to index
            %get3A_284 = arith.constant 64 : index
            %get3A_285 = tpu.vector_load %arg11[%get3A_283, %get3A_284] {strides = array<i32>} : memref<128x128xi32, #tpu.memory_space<vmem>>, vector<1x16xi32>,
            %get3A_286 = vector.shape_cast %get3A_285 : vector<1x16xi32> to vector<16xi32>
            %shift_left3A_287 = arith.constant 16 : i32
            %shift_left3A_288 = vector.broadcast %shift_left3A_287 : i32 to vector<16xi32>
            %shift_left3A_289 = arith.shli %get3A_282, %shift_left3A_288 : vector<16xi32>
            %bitcast_convert_type3A_290 = tpu.bitcast %shift_left3A_289 : vector<16xi32> -> vector<16xf32>
            %shift_left3A_291 = arith.constant 16 : i32
            %shift_left3A_292 = vector.broadcast %shift_left3A_291 : i32 to vector<16xi32>
            %shift_left3A_293 = arith.shli %get3A_286, %shift_left3A_292 : vector<16xi32>
            %bitcast_convert_type3A_294 = tpu.bitcast %shift_left3A_293 : vector<16xi32> -> vector<16xf32>
            %mul3A_295 = arith.mulf %bitcast_convert_type3A_290, %bitcast_convert_type3A_294 : vector<16xf32>
            %add3A_296 = arith.addf %add3A_274, %mul3A_295 : vector<16xf32>
            %bitcast_convert_type3A_297 = tpu.bitcast %get3A_282 : vector<16xi32> -> vector<16xf32>
            %bitcast_convert_type3A_298 = tpu.bitcast %get3A_286 : vector<16xi32> -> vector<16xf32>
            %mul3A_299 = arith.mulf %bitcast_convert_type3A_297, %bitcast_convert_type3A_298 : vector<16xf32>
            %add3A_300 = arith.addf %add3A_278, %mul3A_299 : vector<16xf32>
            %get3A_301 = arith.index_cast %add3A_195 : i32 to index
            %get3A_302 = arith.constant 80 : index
            %get3A_303 = tpu.vector_load %arg10[%get3A_301, %get3A_302] {strides = array<i32>} : memref<128x128xi32, #tpu.memory_space<vmem>>, vector<1x16xi32>,
            %get3A_304 = vector.shape_cast %get3A_303 : vector<1x16xi32> to vector<16xi32>
            %get3A_305 = arith.index_cast %add3A_195 : i32 to index
            %get3A_306 = arith.constant 80 : index
            %get3A_307 = tpu.vector_load %arg11[%get3A_305, %get3A_306] {strides = array<i32>} : memref<128x128xi32, #tpu.memory_space<vmem>>, vector<1x16xi32>,
            %get3A_308 = vector.shape_cast %get3A_307 : vector<1x16xi32> to vector<16xi32>
            %shift_left3A_309 = arith.constant 16 : i32
            %shift_left3A_310 = vector.broadcast %shift_left3A_309 : i32 to vector<16xi32>
            %shift_left3A_311 = arith.shli %get3A_304, %shift_left3A_310 : vector<16xi32>
            %bitcast_convert_type3A_312 = tpu.bitcast %shift_left3A_311 : vector<16xi32> -> vector<16xf32>
            %shift_left3A_313 = arith.constant 16 : i32
            %shift_left3A_314 = vector.broadcast %shift_left3A_313 : i32 to vector<16xi32>
            %shift_left3A_315 = arith.shli %get3A_308, %shift_left3A_314 : vector<16xi32>
            %bitcast_convert_type3A_316 = tpu.bitcast %shift_left3A_315 : vector<16xi32> -> vector<16xf32>
            %mul3A_317 = arith.mulf %bitcast_convert_type3A_312, %bitcast_convert_type3A_316 : vector<16xf32>
            %add3A_318 = arith.addf %add3A_296, %mul3A_317 : vector<16xf32>
            %bitcast_convert_type3A_319 = tpu.bitcast %get3A_304 : vector<16xi32> -> vector<16xf32>
            %bitcast_convert_type3A_320 = tpu.bitcast %get3A_308 : vector<16xi32> -> vector<16xf32>
            %mul3A_321 = arith.mulf %bitcast_convert_type3A_319, %bitcast_convert_type3A_320 : vector<16xf32>
            %add3A_322 = arith.addf %add3A_300, %mul3A_321 : vector<16xf32>
            %get3A_323 = arith.index_cast %add3A_195 : i32 to index
            %get3A_324 = arith.constant 96 : index
            %get3A_325 = tpu.vector_load %arg10[%get3A_323, %get3A_324] {strides = array<i32>} : memref<128x128xi32, #tpu.memory_space<vmem>>, vector<1x16xi32>,
            %get3A_326 = vector.shape_cast %get3A_325 : vector<1x16xi32> to vector<16xi32>
            %get3A_327 = arith.index_cast %add3A_195 : i32 to index
            %get3A_328 = arith.constant 96 : index
            %get3A_329 = tpu.vector_load %arg11[%get3A_327, %get3A_328] {strides = array<i32>} : memref<128x128xi32, #tpu.memory_space<vmem>>, vector<1x16xi32>,
            %get3A_330 = vector.shape_cast %get3A_329 : vector<1x16xi32> to vector<16xi32>
            %shift_left3A_331 = arith.constant 16 : i32
            %shift_left3A_332 = vector.broadcast %shift_left3A_331 : i32 to vector<16xi32>
            %shift_left3A_333 = arith.shli %get3A_326, %shift_left3A_332 : vector<16xi32>
            %bitcast_convert_type3A_334 = tpu.bitcast %shift_left3A_333 : vector<16xi32> -> vector<16xf32>
            %shift_left3A_335 = arith.constant 16 : i32
            %shift_left3A_336 = vector.broadcast %shift_left3A_335 : i32 to vector<16xi32>
            %shift_left3A_337 = arith.shli %get3A_330, %shift_left3A_336 : vector<16xi32>
            %bitcast_convert_type3A_338 = tpu.bitcast %shift_left3A_337 : vector<16xi32> -> vector<16xf32>
            %mul3A_339 = arith.mulf %bitcast_convert_type3A_334, %bitcast_convert_type3A_338 : vector<16xf32>
            %add3A_340 = arith.addf %add3A_318, %mul3A_339 : vector<16xf32>
            %bitcast_convert_type3A_341 = tpu.bitcast %get3A_326 : vector<16xi32> -> vector<16xf32>
            %bitcast_convert_type3A_342 = tpu.bitcast %get3A_330 : vector<16xi32> -> vector<16xf32>
            %mul3A_343 = arith.mulf %bitcast_convert_type3A_341, %bitcast_convert_type3A_342 : vector<16xf32>
            %add3A_344 = arith.addf %add3A_322, %mul3A_343 : vector<16xf32>
            %get3A_345 = arith.index_cast %add3A_195 : i32 to index
            %get3A_346 = arith.constant 112 : index
            %get3A_347 = tpu.vector_load %arg10[%get3A_345, %get3A_346] {strides = array<i32>} : memref<128x128xi32, #tpu.memory_space<vmem>>, vector<1x16xi32>,
            %get3A_348 = vector.shape_cast %get3A_347 : vector<1x16xi32> to vector<16xi32>
            %get3A_349 = arith.index_cast %add3A_195 : i32 to index
            %get3A_350 = arith.constant 112 : index
            %get3A_351 = tpu.vector_load %arg11[%get3A_349, %get3A_350] {strides = array<i32>} : memref<128x128xi32, #tpu.memory_space<vmem>>, vector<1x16xi32>,
            %get3A_352 = vector.shape_cast %get3A_351 : vector<1x16xi32> to vector<16xi32>
            %shift_left3A_353 = arith.constant 16 : i32
            %shift_left3A_354 = vector.broadcast %shift_left3A_353 : i32 to vector<16xi32>
            %shift_left3A_355 = arith.shli %get3A_348, %shift_left3A_354 : vector<16xi32>
            %bitcast_convert_type3A_356 = tpu.bitcast %shift_left3A_355 : vector<16xi32> -> vector<16xf32>
            %shift_left3A_357 = arith.constant 16 : i32
            %shift_left3A_358 = vector.broadcast %shift_left3A_357 : i32 to vector<16xi32>
            %shift_left3A_359 = arith.shli %get3A_352, %shift_left3A_358 : vector<16xi32>
            %bitcast_convert_type3A_360 = tpu.bitcast %shift_left3A_359 : vector<16xi32> -> vector<16xf32>
            %mul3A_361 = arith.mulf %bitcast_convert_type3A_356, %bitcast_convert_type3A_360 : vector<16xf32>
            %add3A_362 = arith.addf %add3A_340, %mul3A_361 : vector<16xf32>
            %bitcast_convert_type3A_363 = tpu.bitcast %get3A_348 : vector<16xi32> -> vector<16xf32>
            %bitcast_convert_type3A_364 = tpu.bitcast %get3A_352 : vector<16xi32> -> vector<16xf32>
            %mul3A_365 = arith.mulf %bitcast_convert_type3A_363, %bitcast_convert_type3A_364 : vector<16xf32>
            %add3A_366 = arith.addf %add3A_344, %mul3A_365 : vector<16xf32>
            %add3A_367 = arith.addf %add3A_362, %add3A_366 : vector<16xf32>
            %add3A_368 = arith.constant 1 : i32
            %add3A_369 = arith.addi %add3A_193, %add3A_368 : i32
            %get3A_370 = arith.index_cast %add3A_369 : i32 to index
            %get3A_371 = arith.constant 0 : index
            %get3A_372 = tpu.vector_load %arg10[%get3A_370, %get3A_371] {strides = array<i32>} : memref<128x128xi32, #tpu.memory_space<vmem>>, vector<1x16xi32>,
            %get3A_373 = vector.shape_cast %get3A_372 : vector<1x16xi32> to vector<16xi32>
            %get3A_374 = arith.index_cast %add3A_369 : i32 to index
            %get3A_375 = arith.constant 0 : index
            %get3A_376 = tpu.vector_load %arg11[%get3A_374, %get3A_375] {strides = array<i32>} : memref<128x128xi32, #tpu.memory_space<vmem>>, vector<1x16xi32>,
            %get3A_377 = vector.shape_cast %get3A_376 : vector<1x16xi32> to vector<16xi32>
            %shift_left3A_378 = arith.constant 16 : i32
            %shift_left3A_379 = vector.broadcast %shift_left3A_378 : i32 to vector<16xi32>
            %shift_left3A_380 = arith.shli %get3A_373, %shift_left3A_379 : vector<16xi32>
            %bitcast_convert_type3A_381 = tpu.bitcast %shift_left3A_380 : vector<16xi32> -> vector<16xf32>
            %shift_left3A_382 = arith.constant 16 : i32
            %shift_left3A_383 = vector.broadcast %shift_left3A_382 : i32 to vector<16xi32>
            %shift_left3A_384 = arith.shli %get3A_377, %shift_left3A_383 : vector<16xi32>
            %bitcast_convert_type3A_385 = tpu.bitcast %shift_left3A_384 : vector<16xi32> -> vector<16xf32>
            %mul3A_386 = arith.mulf %bitcast_convert_type3A_381, %bitcast_convert_type3A_385 : vector<16xf32>
            %bitcast_convert_type3A_387 = tpu.bitcast %get3A_373 : vector<16xi32> -> vector<16xf32>
            %bitcast_convert_type3A_388 = tpu.bitcast %get3A_377 : vector<16xi32> -> vector<16xf32>
            %mul3A_389 = arith.mulf %bitcast_convert_type3A_387, %bitcast_convert_type3A_388 : vector<16xf32>
            %get3A_390 = arith.index_cast %add3A_369 : i32 to index
            %get3A_391 = arith.constant 16 : index
            %get3A_392 = tpu.vector_load %arg10[%get3A_390, %get3A_391] {strides = array<i32>} : memref<128x128xi32, #tpu.memory_space<vmem>>, vector<1x16xi32>,
            %get3A_393 = vector.shape_cast %get3A_392 : vector<1x16xi32> to vector<16xi32>
            %get3A_394 = arith.index_cast %add3A_369 : i32 to index
            %get3A_395 = arith.constant 16 : index
            %get3A_396 = tpu.vector_load %arg11[%get3A_394, %get3A_395] {strides = array<i32>} : memref<128x128xi32, #tpu.memory_space<vmem>>, vector<1x16xi32>,
            %get3A_397 = vector.shape_cast %get3A_396 : vector<1x16xi32> to vector<16xi32>
            %shift_left3A_398 = arith.constant 16 : i32
            %shift_left3A_399 = vector.broadcast %shift_left3A_398 : i32 to vector<16xi32>
            %shift_left3A_400 = arith.shli %get3A_393, %shift_left3A_399 : vector<16xi32>
            %bitcast_convert_type3A_401 = tpu.bitcast %shift_left3A_400 : vector<16xi32> -> vector<16xf32>
            %shift_left3A_402 = arith.constant 16 : i32
            %shift_left3A_403 = vector.broadcast %shift_left3A_402 : i32 to vector<16xi32>
            %shift_left3A_404 = arith.shli %get3A_397, %shift_left3A_403 : vector<16xi32>
            %bitcast_convert_type3A_405 = tpu.bitcast %shift_left3A_404 : vector<16xi32> -> vector<16xf32>
            %mul3A_406 = arith.mulf %bitcast_convert_type3A_401, %bitcast_convert_type3A_405 : vector<16xf32>
            %add3A_407 = arith.addf %mul3A_386, %mul3A_406 : vector<16xf32>
            %bitcast_convert_type3A_408 = tpu.bitcast %get3A_393 : vector<16xi32> -> vector<16xf32>
            %bitcast_convert_type3A_409 = tpu.bitcast %get3A_397 : vector<16xi32> -> vector<16xf32>
            %mul3A_410 = arith.mulf %bitcast_convert_type3A_408, %bitcast_convert_type3A_409 : vector<16xf32>
            %add3A_411 = arith.addf %mul3A_389, %mul3A_410 : vector<16xf32>
            %get3A_412 = arith.index_cast %add3A_369 : i32 to index
            %get3A_413 = arith.constant 32 : index
            %get3A_414 = tpu.vector_load %arg10[%get3A_412, %get3A_413] {strides = array<i32>} : memref<128x128xi32, #tpu.memory_space<vmem>>, vector<1x16xi32>,
            %get3A_415 = vector.shape_cast %get3A_414 : vector<1x16xi32> to vector<16xi32>
            %get3A_416 = arith.index_cast %add3A_369 : i32 to index
            %get3A_417 = arith.constant 32 : index
            %get3A_418 = tpu.vector_load %arg11[%get3A_416, %get3A_417] {strides = array<i32>} : memref<128x128xi32, #tpu.memory_space<vmem>>, vector<1x16xi32>,
            %get3A_419 = vector.shape_cast %get3A_418 : vector<1x16xi32> to vector<16xi32>
            %shift_left3A_420 = arith.constant 16 : i32
            %shift_left3A_421 = vector.broadcast %shift_left3A_420 : i32 to vector<16xi32>
            %shift_left3A_422 = arith.shli %get3A_415, %shift_left3A_421 : vector<16xi32>
            %bitcast_convert_type3A_423 = tpu.bitcast %shift_left3A_422 : vector<16xi32> -> vector<16xf32>
            %shift_left3A_424 = arith.constant 16 : i32
            %shift_left3A_425 = vector.broadcast %shift_left3A_424 : i32 to vector<16xi32>
            %shift_left3A_426 = arith.shli %get3A_419, %shift_left3A_425 : vector<16xi32>
            %bitcast_convert_type3A_427 = tpu.bitcast %shift_left3A_426 : vector<16xi32> -> vector<16xf32>
            %mul3A_428 = arith.mulf %bitcast_convert_type3A_423, %bitcast_convert_type3A_427 : vector<16xf32>
            %add3A_429 = arith.addf %add3A_407, %mul3A_428 : vector<16xf32>
            %bitcast_convert_type3A_430 = tpu.bitcast %get3A_415 : vector<16xi32> -> vector<16xf32>
            %bitcast_convert_type3A_431 = tpu.bitcast %get3A_419 : vector<16xi32> -> vector<16xf32>
            %mul3A_432 = arith.mulf %bitcast_convert_type3A_430, %bitcast_convert_type3A_431 : vector<16xf32>
            %add3A_433 = arith.addf %add3A_411, %mul3A_432 : vector<16xf32>
            %get3A_434 = arith.index_cast %add3A_369 : i32 to index
            %get3A_435 = arith.constant 48 : index
            %get3A_436 = tpu.vector_load %arg10[%get3A_434, %get3A_435] {strides = array<i32>} : memref<128x128xi32, #tpu.memory_space<vmem>>, vector<1x16xi32>,
            %get3A_437 = vector.shape_cast %get3A_436 : vector<1x16xi32> to vector<16xi32>
            %get3A_438 = arith.index_cast %add3A_369 : i32 to index
            %get3A_439 = arith.constant 48 : index
            %get3A_440 = tpu.vector_load %arg11[%get3A_438, %get3A_439] {strides = array<i32>} : memref<128x128xi32, #tpu.memory_space<vmem>>, vector<1x16xi32>,
            %get3A_441 = vector.shape_cast %get3A_440 : vector<1x16xi32> to vector<16xi32>
            %shift_left3A_442 = arith.constant 16 : i32
            %shift_left3A_443 = vector.broadcast %shift_left3A_442 : i32 to vector<16xi32>
            %shift_left3A_444 = arith.shli %get3A_437, %shift_left3A_443 : vector<16xi32>
            %bitcast_convert_type3A_445 = tpu.bitcast %shift_left3A_444 : vector<16xi32> -> vector<16xf32>
            %shift_left3A_446 = arith.constant 16 : i32
            %shift_left3A_447 = vector.broadcast %shift_left3A_446 : i32 to vector<16xi32>
            %shift_left3A_448 = arith.shli %get3A_441, %shift_left3A_447 : vector<16xi32>
            %bitcast_convert_type3A_449 = tpu.bitcast %shift_left3A_448 : vector<16xi32> -> vector<16xf32>
            %mul3A_450 = arith.mulf %bitcast_convert_type3A_445, %bitcast_convert_type3A_449 : vector<16xf32>
            %add3A_451 = arith.addf %add3A_429, %mul3A_450 : vector<16xf32>
            %bitcast_convert_type3A_452 = tpu.bitcast %get3A_437 : vector<16xi32> -> vector<16xf32>
            %bitcast_convert_type3A_453 = tpu.bitcast %get3A_441 : vector<16xi32> -> vector<16xf32>
            %mul3A_454 = arith.mulf %bitcast_convert_type3A_452, %bitcast_convert_type3A_453 : vector<16xf32>
            %add3A_455 = arith.addf %add3A_433, %mul3A_454 : vector<16xf32>
            %get3A_456 = arith.index_cast %add3A_369 : i32 to index
            %get3A_457 = arith.constant 64 : index
            %get3A_458 = tpu.vector_load %arg10[%get3A_456, %get3A_457] {strides = array<i32>} : memref<128x128xi32, #tpu.memory_space<vmem>>, vector<1x16xi32>,
            %get3A_459 = vector.shape_cast %get3A_458 : vector<1x16xi32> to vector<16xi32>
            %get3A_460 = arith.index_cast %add3A_369 : i32 to index
            %get3A_461 = arith.constant 64 : index
            %get3A_462 = tpu.vector_load %arg11[%get3A_460, %get3A_461] {strides = array<i32>} : memref<128x128xi32, #tpu.memory_space<vmem>>, vector<1x16xi32>,
            %get3A_463 = vector.shape_cast %get3A_462 : vector<1x16xi32> to vector<16xi32>
            %shift_left3A_464 = arith.constant 16 : i32
            %shift_left3A_465 = vector.broadcast %shift_left3A_464 : i32 to vector<16xi32>
            %shift_left3A_466 = arith.shli %get3A_459, %shift_left3A_465 : vector<16xi32>
            %bitcast_convert_type3A_467 = tpu.bitcast %shift_left3A_466 : vector<16xi32> -> vector<16xf32>
            %shift_left3A_468 = arith.constant 16 : i32
            %shift_left3A_469 = vector.broadcast %shift_left3A_468 : i32 to vector<16xi32>
            %shift_left3A_470 = arith.shli %get3A_463, %shift_left3A_469 : vector<16xi32>
            %bitcast_convert_type3A_471 = tpu.bitcast %shift_left3A_470 : vector<16xi32> -> vector<16xf32>
            %mul3A_472 = arith.mulf %bitcast_convert_type3A_467, %bitcast_convert_type3A_471 : vector<16xf32>
            %add3A_473 = arith.addf %add3A_451, %mul3A_472 : vector<16xf32>
            %bitcast_convert_type3A_474 = tpu.bitcast %get3A_459 : vector<16xi32> -> vector<16xf32>
            %bitcast_convert_type3A_475 = tpu.bitcast %get3A_463 : vector<16xi32> -> vector<16xf32>
            %mul3A_476 = arith.mulf %bitcast_convert_type3A_474, %bitcast_convert_type3A_475 : vector<16xf32>
            %add3A_477 = arith.addf %add3A_455, %mul3A_476 : vector<16xf32>
            %get3A_478 = arith.index_cast %add3A_369 : i32 to index
            %get3A_479 = arith.constant 80 : index
            %get3A_480 = tpu.vector_load %arg10[%get3A_478, %get3A_479] {strides = array<i32>} : memref<128x128xi32, #tpu.memory_space<vmem>>, vector<1x16xi32>,
            %get3A_481 = vector.shape_cast %get3A_480 : vector<1x16xi32> to vector<16xi32>
            %get3A_482 = arith.index_cast %add3A_369 : i32 to index
            %get3A_483 = arith.constant 80 : index
            %get3A_484 = tpu.vector_load %arg11[%get3A_482, %get3A_483] {strides = array<i32>} : memref<128x128xi32, #tpu.memory_space<vmem>>, vector<1x16xi32>,
            %get3A_485 = vector.shape_cast %get3A_484 : vector<1x16xi32> to vector<16xi32>
            %shift_left3A_486 = arith.constant 16 : i32
            %shift_left3A_487 = vector.broadcast %shift_left3A_486 : i32 to vector<16xi32>
            %shift_left3A_488 = arith.shli %get3A_481, %shift_left3A_487 : vector<16xi32>
            %bitcast_convert_type3A_489 = tpu.bitcast %shift_left3A_488 : vector<16xi32> -> vector<16xf32>
            %shift_left3A_490 = arith.constant 16 : i32
            %shift_left3A_491 = vector.broadcast %shift_left3A_490 : i32 to vector<16xi32>
            %shift_left3A_492 = arith.shli %get3A_485, %shift_left3A_491 : vector<16xi32>
            %bitcast_convert_type3A_493 = tpu.bitcast %shift_left3A_492 : vector<16xi32> -> vector<16xf32>
            %mul3A_494 = arith.mulf %bitcast_convert_type3A_489, %bitcast_convert_type3A_493 : vector<16xf32>
            %add3A_495 = arith.addf %add3A_473, %mul3A_494 : vector<16xf32>
            %bitcast_convert_type3A_496 = tpu.bitcast %get3A_481 : vector<16xi32> -> vector<16xf32>
            %bitcast_convert_type3A_497 = tpu.bitcast %get3A_485 : vector<16xi32> -> vector<16xf32>
            %mul3A_498 = arith.mulf %bitcast_convert_type3A_496, %bitcast_convert_type3A_497 : vector<16xf32>
            %add3A_499 = arith.addf %add3A_477, %mul3A_498 : vector<16xf32>
            %get3A_500 = arith.index_cast %add3A_369 : i32 to index
            %get3A_501 = arith.constant 96 : index
            %get3A_502 = tpu.vector_load %arg10[%get3A_500, %get3A_501] {strides = array<i32>} : memref<128x128xi32, #tpu.memory_space<vmem>>, vector<1x16xi32>,
            %get3A_503 = vector.shape_cast %get3A_502 : vector<1x16xi32> to vector<16xi32>
            %get3A_504 = arith.index_cast %add3A_369 : i32 to index
            %get3A_505 = arith.constant 96 : index
            %get3A_506 = tpu.vector_load %arg11[%get3A_504, %get3A_505] {strides = array<i32>} : memref<128x128xi32, #tpu.memory_space<vmem>>, vector<1x16xi32>,
            %get3A_507 = vector.shape_cast %get3A_506 : vector<1x16xi32> to vector<16xi32>
            %shift_left3A_508 = arith.constant 16 : i32
            %shift_left3A_509 = vector.broadcast %shift_left3A_508 : i32 to vector<16xi32>
            %shift_left3A_510 = arith.shli %get3A_503, %shift_left3A_509 : vector<16xi32>
            %bitcast_convert_type3A_511 = tpu.bitcast %shift_left3A_510 : vector<16xi32> -> vector<16xf32>
            %shift_left3A_512 = arith.constant 16 : i32
            %shift_left3A_513 = vector.broadcast %shift_left3A_512 : i32 to vector<16xi32>
            %shift_left3A_514 = arith.shli %get3A_507, %shift_left3A_513 : vector<16xi32>
            %bitcast_convert_type3A_515 = tpu.bitcast %shift_left3A_514 : vector<16xi32> -> vector<16xf32>
            %mul3A_516 = arith.mulf %bitcast_convert_type3A_511, %bitcast_convert_type3A_515 : vector<16xf32>
            %add3A_517 = arith.addf %add3A_495, %mul3A_516 : vector<16xf32>
            %bitcast_convert_type3A_518 = tpu.bitcast %get3A_503 : vector<16xi32> -> vector<16xf32>
            %bitcast_convert_type3A_519 = tpu.bitcast %get3A_507 : vector<16xi32> -> vector<16xf32>
            %mul3A_520 = arith.mulf %bitcast_convert_type3A_518, %bitcast_convert_type3A_519 : vector<16xf32>
            %add3A_521 = arith.addf %add3A_499, %mul3A_520 : vector<16xf32>
            %get3A_522 = arith.index_cast %add3A_369 : i32 to index
            %get3A_523 = arith.constant 112 : index
            %get3A_524 = tpu.vector_load %arg10[%get3A_522, %get3A_523] {strides = array<i32>} : memref<128x128xi32, #tpu.memory_space<vmem>>, vector<1x16xi32>,
            %get3A_525 = vector.shape_cast %get3A_524 : vector<1x16xi32> to vector<16xi32>
            %get3A_526 = arith.index_cast %add3A_369 : i32 to index
            %get3A_527 = arith.constant 112 : index
            %get3A_528 = tpu.vector_load %arg11[%get3A_526, %get3A_527] {strides = array<i32>} : memref<128x128xi32, #tpu.memory_space<vmem>>, vector<1x16xi32>,
            %get3A_529 = vector.shape_cast %get3A_528 : vector<1x16xi32> to vector<16xi32>
            %shift_left3A_530 = arith.constant 16 : i32
            %shift_left3A_531 = vector.broadcast %shift_left3A_530 : i32 to vector<16xi32>
            %shift_left3A_532 = arith.shli %get3A_525, %shift_left3A_531 : vector<16xi32>
            %bitcast_convert_type3A_533 = tpu.bitcast %shift_left3A_532 : vector<16xi32> -> vector<16xf32>
            %shift_left3A_534 = arith.constant 16 : i32
            %shift_left3A_535 = vector.broadcast %shift_left3A_534 : i32 to vector<16xi32>
            %shift_left3A_536 = arith.shli %get3A_529, %shift_left3A_535 : vector<16xi32>
            %bitcast_convert_type3A_537 = tpu.bitcast %shift_left3A_536 : vector<16xi32> -> vector<16xf32>
            %mul3A_538 = arith.mulf %bitcast_convert_type3A_533, %bitcast_convert_type3A_537 : vector<16xf32>
            %add3A_539 = arith.addf %add3A_517, %mul3A_538 : vector<16xf32>
            %bitcast_convert_type3A_540 = tpu.bitcast %get3A_525 : vector<16xi32> -> vector<16xf32>
            %bitcast_convert_type3A_541 = tpu.bitcast %get3A_529 : vector<16xi32> -> vector<16xf32>
            %mul3A_542 = arith.mulf %bitcast_convert_type3A_540, %bitcast_convert_type3A_541 : vector<16xf32>
            %add3A_543 = arith.addf %add3A_521, %mul3A_542 : vector<16xf32>
            %add3A_544 = arith.addf %add3A_539, %add3A_543 : vector<16xf32>
            %select_n3A_545 = arith.select %ne3A_176, %add3A_544, %add3A_367 : vector<16xi1>, vector<16xf32>
            %select_n3A_546 = arith.select %ne3A_176, %add3A_367, %add3A_544 : vector<16xi1>, vector<16xf32>
            %xor3A = arith.constant 1 : i32
            %xor3A_547 = vector.broadcast %xor3A : i32 to vector<16xi32>
            %xor3A_548 = arith.xori %iota3A, %xor3A_547 : vector<16xi32>
            %broadcast_in_dim3A_549 = vector.shape_cast %xor3A_548 : vector<16xi32> to vector<16x1xi32>
            %gather3A = vector.shape_cast %broadcast_in_dim3A_549 : vector<16x1xi32> to vector<16xi32>
            %gather3A_550 = tpu.dynamic_gather %select_n3A_546[%gather3A] in [0] : vector<16xf32>, vector<16xi32> -> vector<16xf32>
            %add3A_551 = arith.addf %select_n3A_545, %gather3A_550 : vector<16xf32>
            %xor3A_552 = arith.constant 2 : i32
            %xor3A_553 = vector.broadcast %xor3A_552 : i32 to vector<16xi32>
            %xor3A_554 = arith.xori %iota3A, %xor3A_553 : vector<16xi32>
            %broadcast_in_dim3A_555 = vector.shape_cast %xor3A_554 : vector<16xi32> to vector<16x1xi32>
            %gather3A_556 = vector.shape_cast %broadcast_in_dim3A_555 : vector<16x1xi32> to vector<16xi32>
            %gather3A_557 = tpu.dynamic_gather %add3A_551[%gather3A_556] in [0] : vector<16xf32>, vector<16xi32> -> vector<16xf32>
            %add3A_558 = arith.addf %add3A_551, %gather3A_557 : vector<16xf32>
            %xor3A_559 = arith.constant 4 : i32
            %xor3A_560 = vector.broadcast %xor3A_559 : i32 to vector<16xi32>
            %xor3A_561 = arith.xori %iota3A, %xor3A_560 : vector<16xi32>
            %broadcast_in_dim3A_562 = vector.shape_cast %xor3A_561 : vector<16xi32> to vector<16x1xi32>
            %gather3A_563 = vector.shape_cast %broadcast_in_dim3A_562 : vector<16x1xi32> to vector<16xi32>
            %gather3A_564 = tpu.dynamic_gather %add3A_558[%gather3A_563] in [0] : vector<16xf32>, vector<16xi32> -> vector<16xf32>
            %add3A_565 = arith.addf %add3A_558, %gather3A_564 : vector<16xf32>
            %xor3A_566 = arith.constant 8 : i32
            %xor3A_567 = vector.broadcast %xor3A_566 : i32 to vector<16xi32>
            %xor3A_568 = arith.xori %iota3A, %xor3A_567 : vector<16xi32>
            %broadcast_in_dim3A_569 = vector.shape_cast %xor3A_568 : vector<16xi32> to vector<16x1xi32>
            %gather3A_570 = vector.shape_cast %broadcast_in_dim3A_569 : vector<16x1xi32> to vector<16xi32>
            %gather3A_571 = tpu.dynamic_gather %add3A_565[%gather3A_570] in [0] : vector<16xf32>, vector<16xi32> -> vector<16xf32>
            %add3A_572 = arith.addf %add3A_565, %gather3A_571 : vector<16xf32>
            %eq3A_573 = vector.broadcast %scan3A_189 : i32 to vector<16xi32>
            %eq3A_574 = arith.cmpi eq, %shift_right_arithmetic3A_178, %eq3A_573 : vector<16xi32>
            %select_n3A_575 = arith.select %eq3A_574, %add3A_572, %scan3A_190 : vector<16xi1>, vector<16xf32>
            scf.yield %select_n3A_575 : vector<16xf32>
          }
          %scan3A_185 = arith.constant 8 : i32
          %swap3A = arith.index_cast %mul3A_170 : i32 to index
          %swap3A_186 = tpu.vector_load %arg13[%swap3A] {strides = array<i32>} : memref<128xf32, #tpu.memory_space<vmem>>, vector<16xf32>,
          %swap3A_187 = vector.shape_cast %swap3A_186 : vector<16xf32> to vector<16xf32>
          %swap3A_188 = vector.shape_cast %scan3A_184 : vector<16xf32> to vector<16xf32>
          tpu.vector_store %arg13[%swap3A], %swap3A_188 {strides = array<i32>} : memref<128xf32, #tpu.memory_space<vmem>>, vector<16xf32>,
        }
        %scan3A_165 = arith.constant 8 : i32
        %dma_start3A_166 = tpu.memref_slice %arg5[%mul3A_66] : memref<160000xf32, #tpu.memory_space<hbm>> -> memref<128xf32, #tpu.memory_space<hbm>>
        %dma_start3A_167 = tpu.memref_slice %arg5[%mul3A_66] : memref<160000xf32, #tpu.memory_space<hbm>> -> memref<128xf32, #tpu.memory_space<hbm>>
        tpu.enqueue_dma source(%arg13 : memref<128xf32, #tpu.memory_space<vmem>>) target(%dma_start3A_167 : memref<128xf32, #tpu.memory_space<hbm>>) target_semaphore(%arg19 : memref<!tpu.dma_semaphore, #tpu.memory_space<semaphore_mem>>)
      } else {
      }
    }
    %while3A_52 = arith.constant 1 : i32
    scf.for %while3A_61 = %while3A_50 to %while3A_46 step %while3A_52  : i32 {
      %mul3A_62 = arith.constant 32 : i32
      %mul3A_63 = arith.muli %while3A_61, %mul3A_62 : i32
      %add3A_64 = arith.addi %add3A, %mul3A_63 : i32
      %mul3A_65 = arith.constant 128 : i32
      %mul3A_66 = arith.muli %add3A_64, %mul3A_65 : i32
      %jit3A_67 = arith.constant 2 : i32
      %eq3A = arith.constant 0 : i32
      %eq3A_68 = arith.cmpi eq, %jit3A_67, %eq3A : i32
      %jit3A_69 = arith.constant 1 : i32
      %select_n3A_70 = arith.select %eq3A_68, %jit3A_69, %jit3A_67 : i32
      %rem3A = arith.remsi %while3A_61, %select_n3A_70 : i32
      %ne3A = arith.constant 0 : i32
      %ne3A_71 = arith.cmpi ne, %rem3A, %ne3A : i32
      %lt3A_72 = arith.constant 0 : i32
      %lt3A_73 = arith.cmpi slt, %rem3A, %lt3A_72 : i32
      %lt3A_74 = arith.constant 0 : i32
      %lt3A_75 = arith.cmpi slt, %select_n3A_70, %lt3A_74 : i32
      %ne3A_76 = arith.xori %lt3A_73, %lt3A_75 : i1
      %and3A = arith.andi %ne3A_76, %ne3A_71 : i1
      %add3A_77 = arith.addi %rem3A, %select_n3A_70 : i32
      %select_n3A_78 = arith.select %and3A, %add3A_77, %rem3A : i32
      %eq3A_79 = arith.constant 0 : i32
      %eq3A_80 = arith.cmpi eq, %select_n3A_78, %eq3A_79 : i32
      %convert_element_type3A = arith.extui %eq3A_80 : i1 to i32
      %cond3A = arith.constant 0 : i32
      %cond3A_81 = arith.cmpi ne, %convert_element_type3A, %cond3A : i32
      scf.if %cond3A_81 {
        %dma_wait3A_157 = arith.constant 0 : i32
        %dma_wait3A_158 = arith.constant 0 : i32
        %dma_wait3A_159 = tpu.memref_slice %arg6[%dma_wait3A_157, %dma_wait3A_158] : memref<2x128xi32, #tpu.memory_space<vmem>> -> memref<1x128xi32, #tpu.memory_space<vmem>>
        %dma_wait3A_160 = tpu.memref_squeeze %dma_wait3A_159 : memref<1x128xi32, #tpu.memory_space<vmem>> -> memref<128xi32, #tpu.memory_space<vmem>>
        %dma_wait3A_161 = arith.constant 0 : i32
        %dma_wait3A_162 = arith.constant 0 : i32
        %dma_wait3A_163 = tpu.memref_slice %arg2[%dma_wait3A_161, %dma_wait3A_162] : memref<10000x128xi32, #tpu.memory_space<hbm>> -> memref<10000x128xi32, #tpu.memory_space<hbm>>
        tpu.wait_indirect_dma semaphore(%arg14 : memref<!tpu.dma_semaphore, #tpu.memory_space<semaphore_mem>>) src(%dma_wait3A_163 : memref<10000x128xi32, #tpu.memory_space<hbm>>) dst(%arg8 : memref<128x128xi32, #tpu.memory_space<vmem>>)
        %dma_wait3A_164 = arith.constant 1 : i32
        %dma_wait3A_165 = arith.constant 0 : i32
        %dma_wait3A_166 = tpu.memref_slice %arg6[%dma_wait3A_164, %dma_wait3A_165] : memref<2x128xi32, #tpu.memory_space<vmem>> -> memref<1x128xi32, #tpu.memory_space<vmem>>
        %dma_wait3A_167 = tpu.memref_squeeze %dma_wait3A_166 : memref<1x128xi32, #tpu.memory_space<vmem>> -> memref<128xi32, #tpu.memory_space<vmem>>
        %dma_wait3A_168 = arith.constant 0 : i32
        %dma_wait3A_169 = arith.constant 0 : i32
        %dma_wait3A_170 = tpu.memref_slice %arg3[%dma_wait3A_168, %dma_wait3A_169] : memref<10000x128xi32, #tpu.memory_space<hbm>> -> memref<10000x128xi32, #tpu.memory_space<hbm>>
        tpu.wait_indirect_dma semaphore(%arg15 : memref<!tpu.dma_semaphore, #tpu.memory_space<semaphore_mem>>) src(%dma_wait3A_170 : memref<10000x128xi32, #tpu.memory_space<hbm>>) dst(%arg9 : memref<128x128xi32, #tpu.memory_space<vmem>>)
      } else {
      }
      %jit3A_82 = arith.constant 2 : i32
      %eq3A_83 = arith.constant 0 : i32
      %eq3A_84 = arith.cmpi eq, %jit3A_82, %eq3A_83 : i32
      %jit3A_85 = arith.constant 1 : i32
      %select_n3A_86 = arith.select %eq3A_84, %jit3A_85, %jit3A_82 : i32
      %rem3A_87 = arith.remsi %while3A_61, %select_n3A_86 : i32
      %ne3A_88 = arith.constant 0 : i32
      %ne3A_89 = arith.cmpi ne, %rem3A_87, %ne3A_88 : i32
      %lt3A_90 = arith.constant 0 : i32
      %lt3A_91 = arith.cmpi slt, %rem3A_87, %lt3A_90 : i32
      %lt3A_92 = arith.constant 0 : i32
      %lt3A_93 = arith.cmpi slt, %select_n3A_86, %lt3A_92 : i32
      %ne3A_94 = arith.xori %lt3A_91, %lt3A_93 : i1
      %and3A_95 = arith.andi %ne3A_94, %ne3A_89 : i1
      %add3A_96 = arith.addi %rem3A_87, %select_n3A_86 : i32
      %select_n3A_97 = arith.select %and3A_95, %add3A_96, %rem3A_87 : i32
      %eq3A_98 = arith.constant 1 : i32
      %eq3A_99 = arith.cmpi eq, %select_n3A_97, %eq3A_98 : i32
      %convert_element_type3A_100 = arith.extui %eq3A_99 : i1 to i32
      %cond3A_101 = arith.constant 0 : i32
      %cond3A_102 = arith.cmpi ne, %convert_element_type3A_100, %cond3A_101 : i32
      scf.if %cond3A_102 {
        %dma_wait3A_157 = arith.constant 0 : i32
        %dma_wait3A_158 = arith.constant 0 : i32
        %dma_wait3A_159 = tpu.memref_slice %arg7[%dma_wait3A_157, %dma_wait3A_158] : memref<2x128xi32, #tpu.memory_space<vmem>> -> memref<1x128xi32, #tpu.memory_space<vmem>>
        %dma_wait3A_160 = tpu.memref_squeeze %dma_wait3A_159 : memref<1x128xi32, #tpu.memory_space<vmem>> -> memref<128xi32, #tpu.memory_space<vmem>>
        %dma_wait3A_161 = arith.constant 0 : i32
        %dma_wait3A_162 = arith.constant 0 : i32
        %dma_wait3A_163 = tpu.memref_slice %arg2[%dma_wait3A_161, %dma_wait3A_162] : memref<10000x128xi32, #tpu.memory_space<hbm>> -> memref<10000x128xi32, #tpu.memory_space<hbm>>
        tpu.wait_indirect_dma semaphore(%arg16 : memref<!tpu.dma_semaphore, #tpu.memory_space<semaphore_mem>>) src(%dma_wait3A_163 : memref<10000x128xi32, #tpu.memory_space<hbm>>) dst(%arg10 : memref<128x128xi32, #tpu.memory_space<vmem>>)
        %dma_wait3A_164 = arith.constant 1 : i32
        %dma_wait3A_165 = arith.constant 0 : i32
        %dma_wait3A_166 = tpu.memref_slice %arg7[%dma_wait3A_164, %dma_wait3A_165] : memref<2x128xi32, #tpu.memory_space<vmem>> -> memref<1x128xi32, #tpu.memory_space<vmem>>
        %dma_wait3A_167 = tpu.memref_squeeze %dma_wait3A_166 : memref<1x128xi32, #tpu.memory_space<vmem>> -> memref<128xi32, #tpu.memory_space<vmem>>
        %dma_wait3A_168 = arith.constant 0 : i32
        %dma_wait3A_169 = arith.constant 0 : i32
        %dma_wait3A_170 = tpu.memref_slice %arg3[%dma_wait3A_168, %dma_wait3A_169] : memref<10000x128xi32, #tpu.memory_space<hbm>> -> memref<10000x128xi32, #tpu.memory_space<hbm>>
        tpu.wait_indirect_dma semaphore(%arg17 : memref<!tpu.dma_semaphore, #tpu.memory_space<semaphore_mem>>) src(%dma_wait3A_170 : memref<10000x128xi32, #tpu.memory_space<hbm>>) dst(%arg11 : memref<128x128xi32, #tpu.memory_space<vmem>>)
      } else {
      }
      %add3A_103 = arith.constant 1 : i32
      %add3A_104 = arith.addi %while3A_61, %add3A_103 : i32
      %lt3A_105 = arith.cmpi slt, %add3A_104, %select_n3A : i32
      %convert_element_type3A_106 = arith.extui %lt3A_105 : i1 to i32
      %cond3A_107 = arith.constant 0 : i32
      %cond3A_108 = arith.cmpi ne, %convert_element_type3A_106, %cond3A_107 : i32
      scf.if %cond3A_108 {
        %add3A_157 = arith.constant 1 : i32
        %add3A_158 = arith.addi %while3A_61, %add3A_157 : i32
        %jit3A_159 = arith.constant 2 : i32
        %eq3A_160 = arith.constant 0 : i32
        %eq3A_161 = arith.cmpi eq, %jit3A_159, %eq3A_160 : i32
        %jit3A_162 = arith.constant 1 : i32
        %select_n3A_163 = arith.select %eq3A_161, %jit3A_162, %jit3A_159 : i32
        %rem3A_164 = arith.remsi %add3A_158, %select_n3A_163 : i32
        %ne3A_165 = arith.constant 0 : i32
        %ne3A_166 = arith.cmpi ne, %rem3A_164, %ne3A_165 : i32
        %lt3A_167 = arith.constant 0 : i32
        %lt3A_168 = arith.cmpi slt, %rem3A_164, %lt3A_167 : i32
        %lt3A_169 = arith.constant 0 : i32
        %lt3A_170 = arith.cmpi slt, %select_n3A_163, %lt3A_169 : i32
        %ne3A_171 = arith.xori %lt3A_168, %lt3A_170 : i1
        %and3A_172 = arith.andi %ne3A_171, %ne3A_166 : i1
        %add3A_173 = arith.addi %rem3A_164, %select_n3A_163 : i32
        %select_n3A_174 = arith.select %and3A_172, %add3A_173, %rem3A_164 : i32
        %eq3A_175 = arith.constant 0 : i32
        %eq3A_176 = arith.cmpi eq, %select_n3A_174, %eq3A_175 : i32
        %convert_element_type3A_177 = arith.extui %eq3A_176 : i1 to i32
        %cond3A_178 = arith.constant 0 : i32
        %cond3A_179 = arith.cmpi ne, %convert_element_type3A_177, %cond3A_178 : i32
        scf.if %cond3A_179 {
          %dma_wait3A_201 = arith.constant 0 : i32
          %dma_wait3A_202 = arith.constant 0 : i32
          %dma_wait3A_203 = arith.constant 0 : i32
          %dma_wait3A_204 = tpu.memref_slice %arg4[%dma_wait3A_201, %dma_wait3A_202, %dma_wait3A_203] : memref<1250x2x128xi32, #tpu.memory_space<hbm>> -> memref<1x2x128xi32, #tpu.memory_space<hbm>>
          %dma_wait3A_205 = tpu.memref_squeeze %dma_wait3A_204 : memref<1x2x128xi32, #tpu.memory_space<hbm>> -> memref<2x128xi32, #tpu.memory_space<hbm>>
          %dma_wait3A_206 = arith.constant 0 : i32
          %dma_wait3A_207 = arith.constant 0 : i32
          %dma_wait3A_208 = tpu.memref_slice %arg4[%dma_wait3A_201, %dma_wait3A_206, %dma_wait3A_207] : memref<1250x2x128xi32, #tpu.memory_space<hbm>> -> memref<1x2x128xi32, #tpu.memory_space<hbm>>
          %dma_wait3A_209 = tpu.memref_squeeze %dma_wait3A_208 : memref<1x2x128xi32, #tpu.memory_space<hbm>> -> memref<2x128xi32, #tpu.memory_space<hbm>>
          tpu.wait_dma2 semaphore(%arg20 : memref<!tpu.dma_semaphore, #tpu.memory_space<semaphore_mem>>) src(%dma_wait3A_209 : memref<2x128xi32, #tpu.memory_space<hbm>>) dst(%arg6 : memref<2x128xi32, #tpu.memory_space<vmem>>)
          %dma_start3A_210 = arith.constant 0 : i32
          %dma_start3A_211 = arith.constant 0 : i32
          %dma_start3A_212 = tpu.memref_slice %arg6[%dma_start3A_210, %dma_start3A_211] : memref<2x128xi32, #tpu.memory_space<vmem>> -> memref<1x128xi32, #tpu.memory_space<vmem>>
          %dma_start3A_213 = tpu.memref_squeeze %dma_start3A_212 : memref<1x128xi32, #tpu.memory_space<vmem>> -> memref<128xi32, #tpu.memory_space<vmem>>
          %dma_start3A_214 = arith.constant 0 : i32
          %dma_start3A_215 = arith.constant 0 : i32
          %dma_start3A_216 = tpu.memref_slice %arg2[%dma_start3A_214, %dma_start3A_215] : memref<10000x128xi32, #tpu.memory_space<hbm>> -> memref<10000x128xi32, #tpu.memory_space<hbm>>
          tpu.enqueue_indirect_dma source(%dma_start3A_216 : memref<10000x128xi32, #tpu.memory_space<hbm>>) target(%arg8 : memref<128x128xi32, #tpu.memory_space<vmem>>) offsets(%dma_start3A_213 : memref<128xi32, #tpu.memory_space<vmem>>) semaphore(%arg14 : memref<!tpu.dma_semaphore, #tpu.memory_space<semaphore_mem>>)
          %dma_start3A_217 = arith.constant 1 : i32
          %dma_start3A_218 = arith.constant 0 : i32
          %dma_start3A_219 = tpu.memref_slice %arg6[%dma_start3A_217, %dma_start3A_218] : memref<2x128xi32, #tpu.memory_space<vmem>> -> memref<1x128xi32, #tpu.memory_space<vmem>>
          %dma_start3A_220 = tpu.memref_squeeze %dma_start3A_219 : memref<1x128xi32, #tpu.memory_space<vmem>> -> memref<128xi32, #tpu.memory_space<vmem>>
          %dma_start3A_221 = arith.constant 0 : i32
          %dma_start3A_222 = arith.constant 0 : i32
          %dma_start3A_223 = tpu.memref_slice %arg3[%dma_start3A_221, %dma_start3A_222] : memref<10000x128xi32, #tpu.memory_space<hbm>> -> memref<10000x128xi32, #tpu.memory_space<hbm>>
          tpu.enqueue_indirect_dma source(%dma_start3A_223 : memref<10000x128xi32, #tpu.memory_space<hbm>>) target(%arg9 : memref<128x128xi32, #tpu.memory_space<vmem>>) offsets(%dma_start3A_220 : memref<128xi32, #tpu.memory_space<vmem>>) semaphore(%arg15 : memref<!tpu.dma_semaphore, #tpu.memory_space<semaphore_mem>>)
        } else {
        }
        %jit3A_180 = arith.constant 2 : i32
        %eq3A_181 = arith.constant 0 : i32
        %eq3A_182 = arith.cmpi eq, %jit3A_180, %eq3A_181 : i32
        %jit3A_183 = arith.constant 1 : i32
        %select_n3A_184 = arith.select %eq3A_182, %jit3A_183, %jit3A_180 : i32
        %rem3A_185 = arith.remsi %add3A_158, %select_n3A_184 : i32
        %ne3A_186 = arith.constant 0 : i32
        %ne3A_187 = arith.cmpi ne, %rem3A_185, %ne3A_186 : i32
        %lt3A_188 = arith.constant 0 : i32
        %lt3A_189 = arith.cmpi slt, %rem3A_185, %lt3A_188 : i32
        %lt3A_190 = arith.constant 0 : i32
        %lt3A_191 = arith.cmpi slt, %select_n3A_184, %lt3A_190 : i32
        %ne3A_192 = arith.xori %lt3A_189, %lt3A_191 : i1
        %and3A_193 = arith.andi %ne3A_192, %ne3A_187 : i1
        %add3A_194 = arith.addi %rem3A_185, %select_n3A_184 : i32
        %select_n3A_195 = arith.select %and3A_193, %add3A_194, %rem3A_185 : i32
        %eq3A_196 = arith.constant 1 : i32
        %eq3A_197 = arith.cmpi eq, %select_n3A_195, %eq3A_196 : i32
        %convert_element_type3A_198 = arith.extui %eq3A_197 : i1 to i32
        %cond3A_199 = arith.constant 0 : i32
        %cond3A_200 = arith.cmpi ne, %convert_element_type3A_198, %cond3A_199 : i32
        scf.if %cond3A_200 {
          %dma_wait3A_201 = arith.constant 0 : i32
          %dma_wait3A_202 = arith.constant 0 : i32
          %dma_wait3A_203 = arith.constant 0 : i32
          %dma_wait3A_204 = tpu.memref_slice %arg4[%dma_wait3A_201, %dma_wait3A_202, %dma_wait3A_203] : memref<1250x2x128xi32, #tpu.memory_space<hbm>> -> memref<1x2x128xi32, #tpu.memory_space<hbm>>
          %dma_wait3A_205 = tpu.memref_squeeze %dma_wait3A_204 : memref<1x2x128xi32, #tpu.memory_space<hbm>> -> memref<2x128xi32, #tpu.memory_space<hbm>>
          %dma_wait3A_206 = arith.constant 0 : i32
          %dma_wait3A_207 = arith.constant 0 : i32
          %dma_wait3A_208 = tpu.memref_slice %arg4[%dma_wait3A_201, %dma_wait3A_206, %dma_wait3A_207] : memref<1250x2x128xi32, #tpu.memory_space<hbm>> -> memref<1x2x128xi32, #tpu.memory_space<hbm>>
          %dma_wait3A_209 = tpu.memref_squeeze %dma_wait3A_208 : memref<1x2x128xi32, #tpu.memory_space<hbm>> -> memref<2x128xi32, #tpu.memory_space<hbm>>
          tpu.wait_dma2 semaphore(%arg21 : memref<!tpu.dma_semaphore, #tpu.memory_space<semaphore_mem>>) src(%dma_wait3A_209 : memref<2x128xi32, #tpu.memory_space<hbm>>) dst(%arg7 : memref<2x128xi32, #tpu.memory_space<vmem>>)
          %dma_start3A_210 = arith.constant 0 : i32
          %dma_start3A_211 = arith.constant 0 : i32
          %dma_start3A_212 = tpu.memref_slice %arg7[%dma_start3A_210, %dma_start3A_211] : memref<2x128xi32, #tpu.memory_space<vmem>> -> memref<1x128xi32, #tpu.memory_space<vmem>>
          %dma_start3A_213 = tpu.memref_squeeze %dma_start3A_212 : memref<1x128xi32, #tpu.memory_space<vmem>> -> memref<128xi32, #tpu.memory_space<vmem>>
          %dma_start3A_214 = arith.constant 0 : i32
          %dma_start3A_215 = arith.constant 0 : i32
          %dma_start3A_216 = tpu.memref_slice %arg2[%dma_start3A_214, %dma_start3A_215] : memref<10000x128xi32, #tpu.memory_space<hbm>> -> memref<10000x128xi32, #tpu.memory_space<hbm>>
          tpu.enqueue_indirect_dma source(%dma_start3A_216 : memref<10000x128xi32, #tpu.memory_space<hbm>>) target(%arg10 : memref<128x128xi32, #tpu.memory_space<vmem>>) offsets(%dma_start3A_213 : memref<128xi32, #tpu.memory_space<vmem>>) semaphore(%arg16 : memref<!tpu.dma_semaphore, #tpu.memory_space<semaphore_mem>>)
          %dma_start3A_217 = arith.constant 1 : i32
          %dma_start3A_218 = arith.constant 0 : i32
          %dma_start3A_219 = tpu.memref_slice %arg7[%dma_start3A_217, %dma_start3A_218] : memref<2x128xi32, #tpu.memory_space<vmem>> -> memref<1x128xi32, #tpu.memory_space<vmem>>
          %dma_start3A_220 = tpu.memref_squeeze %dma_start3A_219 : memref<1x128xi32, #tpu.memory_space<vmem>> -> memref<128xi32, #tpu.memory_space<vmem>>
          %dma_start3A_221 = arith.constant 0 : i32
          %dma_start3A_222 = arith.constant 0 : i32
          %dma_start3A_223 = tpu.memref_slice %arg3[%dma_start3A_221, %dma_start3A_222] : memref<10000x128xi32, #tpu.memory_space<hbm>> -> memref<10000x128xi32, #tpu.memory_space<hbm>>
          tpu.enqueue_indirect_dma source(%dma_start3A_223 : memref<10000x128xi32, #tpu.memory_space<hbm>>) target(%arg11 : memref<128x128xi32, #tpu.memory_space<vmem>>) offsets(%dma_start3A_220 : memref<128xi32, #tpu.memory_space<vmem>>) semaphore(%arg17 : memref<!tpu.dma_semaphore, #tpu.memory_space<semaphore_mem>>)
        } else {
        }
      } else {
      }
      %add3A_109 = arith.constant 2 : i32
      %add3A_110 = arith.addi %while3A_61, %add3A_109 : i32
      %lt3A_111 = arith.cmpi slt, %add3A_110, %select_n3A : i32
      %convert_element_type3A_112 = arith.extui %lt3A_111 : i1 to i32
      %cond3A_113 = arith.constant 0 : i32
      %cond3A_114 = arith.cmpi ne, %convert_element_type3A_112, %cond3A_113 : i32
      scf.if %cond3A_114 {
        %add3A_157 = arith.constant 2 : i32
        %add3A_158 = arith.addi %while3A_61, %add3A_157 : i32
        %mul3A_159 = arith.constant 32 : i32
        %mul3A_160 = arith.muli %add3A_158, %mul3A_159 : i32
        %add3A_161 = arith.addi %add3A, %mul3A_160 : i32
        %jit3A_162 = arith.constant 2 : i32
        %eq3A_163 = arith.constant 0 : i32
        %eq3A_164 = arith.cmpi eq, %jit3A_162, %eq3A_163 : i32
        %jit3A_165 = arith.constant 1 : i32
        %select_n3A_166 = arith.select %eq3A_164, %jit3A_165, %jit3A_162 : i32
        %rem3A_167 = arith.remsi %add3A_158, %select_n3A_166 : i32
        %ne3A_168 = arith.constant 0 : i32
        %ne3A_169 = arith.cmpi ne, %rem3A_167, %ne3A_168 : i32
        %lt3A_170 = arith.constant 0 : i32
        %lt3A_171 = arith.cmpi slt, %rem3A_167, %lt3A_170 : i32
        %lt3A_172 = arith.constant 0 : i32
        %lt3A_173 = arith.cmpi slt, %select_n3A_166, %lt3A_172 : i32
        %ne3A_174 = arith.xori %lt3A_171, %lt3A_173 : i1
        %and3A_175 = arith.andi %ne3A_174, %ne3A_169 : i1
        %add3A_176 = arith.addi %rem3A_167, %select_n3A_166 : i32
        %select_n3A_177 = arith.select %and3A_175, %add3A_176, %rem3A_167 : i32
        %eq3A_178 = arith.constant 0 : i32
        %eq3A_179 = arith.cmpi eq, %select_n3A_177, %eq3A_178 : i32
        %convert_element_type3A_180 = arith.extui %eq3A_179 : i1 to i32
        %cond3A_181 = arith.constant 0 : i32
        %cond3A_182 = arith.cmpi ne, %convert_element_type3A_180, %cond3A_181 : i32
        scf.if %cond3A_182 {
          %dma_start3A_204 = arith.constant 0 : i32
          %dma_start3A_205 = arith.constant 0 : i32
          %dma_start3A_206 = tpu.memref_slice %arg4[%add3A_161, %dma_start3A_204, %dma_start3A_205] : memref<1250x2x128xi32, #tpu.memory_space<hbm>> -> memref<1x2x128xi32, #tpu.memory_space<hbm>>
          %dma_start3A_207 = tpu.memref_squeeze %dma_start3A_206 : memref<1x2x128xi32, #tpu.memory_space<hbm>> -> memref<2x128xi32, #tpu.memory_space<hbm>>
          %dma_start3A_208 = arith.constant 0 : i32
          %dma_start3A_209 = arith.constant 0 : i32
          %dma_start3A_210 = tpu.memref_slice %arg4[%add3A_161, %dma_start3A_208, %dma_start3A_209] : memref<1250x2x128xi32, #tpu.memory_space<hbm>> -> memref<1x2x128xi32, #tpu.memory_space<hbm>>
          %dma_start3A_211 = tpu.memref_squeeze %dma_start3A_210 : memref<1x2x128xi32, #tpu.memory_space<hbm>> -> memref<2x128xi32, #tpu.memory_space<hbm>>
          tpu.enqueue_dma source(%dma_start3A_211 : memref<2x128xi32, #tpu.memory_space<hbm>>) target(%arg6 : memref<2x128xi32, #tpu.memory_space<vmem>>) target_semaphore(%arg20 : memref<!tpu.dma_semaphore, #tpu.memory_space<semaphore_mem>>)
        } else {
        }
        %jit3A_183 = arith.constant 2 : i32
        %eq3A_184 = arith.constant 0 : i32
        %eq3A_185 = arith.cmpi eq, %jit3A_183, %eq3A_184 : i32
        %jit3A_186 = arith.constant 1 : i32
        %select_n3A_187 = arith.select %eq3A_185, %jit3A_186, %jit3A_183 : i32
        %rem3A_188 = arith.remsi %add3A_158, %select_n3A_187 : i32
        %ne3A_189 = arith.constant 0 : i32
        %ne3A_190 = arith.cmpi ne, %rem3A_188, %ne3A_189 : i32
        %lt3A_191 = arith.constant 0 : i32
        %lt3A_192 = arith.cmpi slt, %rem3A_188, %lt3A_191 : i32
        %lt3A_193 = arith.constant 0 : i32
        %lt3A_194 = arith.cmpi slt, %select_n3A_187, %lt3A_193 : i32
        %ne3A_195 = arith.xori %lt3A_192, %lt3A_194 : i1
        %and3A_196 = arith.andi %ne3A_195, %ne3A_190 : i1
        %add3A_197 = arith.addi %rem3A_188, %select_n3A_187 : i32
        %select_n3A_198 = arith.select %and3A_196, %add3A_197, %rem3A_188 : i32
        %eq3A_199 = arith.constant 1 : i32
        %eq3A_200 = arith.cmpi eq, %select_n3A_198, %eq3A_199 : i32
        %convert_element_type3A_201 = arith.extui %eq3A_200 : i1 to i32
        %cond3A_202 = arith.constant 0 : i32
        %cond3A_203 = arith.cmpi ne, %convert_element_type3A_201, %cond3A_202 : i32
        scf.if %cond3A_203 {
          %dma_start3A_204 = arith.constant 0 : i32
          %dma_start3A_205 = arith.constant 0 : i32
          %dma_start3A_206 = tpu.memref_slice %arg4[%add3A_161, %dma_start3A_204, %dma_start3A_205] : memref<1250x2x128xi32, #tpu.memory_space<hbm>> -> memref<1x2x128xi32, #tpu.memory_space<hbm>>
          %dma_start3A_207 = tpu.memref_squeeze %dma_start3A_206 : memref<1x2x128xi32, #tpu.memory_space<hbm>> -> memref<2x128xi32, #tpu.memory_space<hbm>>
          %dma_start3A_208 = arith.constant 0 : i32
          %dma_start3A_209 = arith.constant 0 : i32
          %dma_start3A_210 = tpu.memref_slice %arg4[%add3A_161, %dma_start3A_208, %dma_start3A_209] : memref<1250x2x128xi32, #tpu.memory_space<hbm>> -> memref<1x2x128xi32, #tpu.memory_space<hbm>>
          %dma_start3A_211 = tpu.memref_squeeze %dma_start3A_210 : memref<1x2x128xi32, #tpu.memory_space<hbm>> -> memref<2x128xi32, #tpu.memory_space<hbm>>
          tpu.enqueue_dma source(%dma_start3A_211 : memref<2x128xi32, #tpu.memory_space<hbm>>) target(%arg7 : memref<2x128xi32, #tpu.memory_space<vmem>>) target_semaphore(%arg21 : memref<!tpu.dma_semaphore, #tpu.memory_space<semaphore_mem>>)
        } else {
        }
      } else {
      }
      %jit3A_115 = arith.constant 2 : i32
      %eq3A_116 = arith.constant 0 : i32
      %eq3A_117 = arith.cmpi eq, %jit3A_115, %eq3A_116 : i32
      %jit3A_118 = arith.constant 1 : i32
      %select_n3A_119 = arith.select %eq3A_117, %jit3A_118, %jit3A_115 : i32
      %rem3A_120 = arith.remsi %while3A_61, %select_n3A_119 : i32
      %ne3A_121 = arith.constant 0 : i32
      %ne3A_122 = arith.cmpi ne, %rem3A_120, %ne3A_121 : i32
      %lt3A_123 = arith.constant 0 : i32
      %lt3A_124 = arith.cmpi slt, %rem3A_120, %lt3A_123 : i32
      %lt3A_125 = arith.constant 0 : i32
      %lt3A_126 = arith.cmpi slt, %select_n3A_119, %lt3A_125 : i32
      %ne3A_127 = arith.xori %lt3A_124, %lt3A_126 : i1
      %and3A_128 = arith.andi %ne3A_127, %ne3A_122 : i1
      %add3A_129 = arith.addi %rem3A_120, %select_n3A_119 : i32
      %select_n3A_130 = arith.select %and3A_128, %add3A_129, %rem3A_120 : i32
      %eq3A_131 = arith.constant 0 : i32
      %eq3A_132 = arith.cmpi eq, %select_n3A_130, %eq3A_131 : i32
      %convert_element_type3A_133 = arith.extui %eq3A_132 : i1 to i32
      %cond3A_134 = arith.constant 0 : i32
      %cond3A_135 = arith.cmpi ne, %convert_element_type3A_133, %cond3A_134 : i32
      scf.if %cond3A_135 {
        %ge3A = arith.constant 2 : i32
        %ge3A_157 = arith.cmpi sge, %while3A_61, %ge3A : i32
        %convert_element_type3A_158 = arith.extui %ge3A_157 : i1 to i32
        %cond3A_159 = arith.constant 0 : i32
        %cond3A_160 = arith.cmpi ne, %convert_element_type3A_158, %cond3A_159 : i32
        scf.if %cond3A_160 {
          %dma_wait3A_168 = tpu.memref_slice %arg5[%mul3A_66] : memref<160000xf32, #tpu.memory_space<hbm>> -> memref<128xf32, #tpu.memory_space<hbm>>
          %dma_wait3A_169 = tpu.memref_slice %arg5[%mul3A_66] : memref<160000xf32, #tpu.memory_space<hbm>> -> memref<128xf32, #tpu.memory_space<hbm>>
          tpu.wait_dma2 semaphore(%arg18 : memref<!tpu.dma_semaphore, #tpu.memory_space<semaphore_mem>>) src(%arg12 : memref<128xf32, #tpu.memory_space<vmem>>) dst(%dma_wait3A_169 : memref<128xf32, #tpu.memory_space<hbm>>)
        } else {
        }
        %iota3A = tpu.iota {dimensions = array<i32: 0>} : vector<16xi32>
        %scan3A = arith.constant 0 : i32
        %scan3A_161 = arith.constant 0 : i32
        %scan3A_162 = arith.constant 8 : i32
        %scan3A_163 = arith.addi %scan3A_161, %scan3A_162 : i32
        %scan3A_164 = arith.constant 1 : i32
        scf.for %scan3A_168 = %scan3A_161 to %scan3A_163 step %scan3A_164  : i32 {
          %mul3A_169 = arith.constant 16 : i32
          %mul3A_170 = arith.muli %scan3A_168, %mul3A_169 : i32
          %and3A_171 = arith.constant 1 : i32
          %and3A_172 = vector.broadcast %and3A_171 : i32 to vector<16xi32>
          %and3A_173 = arith.andi %iota3A, %and3A_172 : vector<16xi32>
          %ne3A_174 = arith.constant 0 : i32
          %ne3A_175 = vector.broadcast %ne3A_174 : i32 to vector<16xi32>
          %ne3A_176 = arith.cmpi ne, %and3A_173, %ne3A_175 : vector<16xi32>
          %shift_right_arithmetic3A = arith.constant 1 : i32
          %shift_right_arithmetic3A_177 = vector.broadcast %shift_right_arithmetic3A : i32 to vector<16xi32>
          %shift_right_arithmetic3A_178 = arith.shrsi %iota3A, %shift_right_arithmetic3A_177 : vector<16xi32>
          %broadcast_in_dim3A = arith.constant 0.000000e+00 : f32
          %broadcast_in_dim3A_179 = vector.broadcast %broadcast_in_dim3A : f32 to vector<16xf32>
          %scan3A_180 = arith.constant 0 : i32
          %scan3A_181 = arith.constant 8 : i32
          %scan3A_182 = arith.addi %scan3A_180, %scan3A_181 : i32
          %scan3A_183 = arith.constant 1 : i32
          %scan3A_184 = scf.for %scan3A_189 = %scan3A_180 to %scan3A_182 step %scan3A_183 iter_args(%scan3A_190 = %broadcast_in_dim3A_179) -> (vector<16xf32>)  : i32 {
            %mul3A_191 = arith.constant 2 : i32
            %mul3A_192 = arith.muli %mul3A_191, %scan3A_189 : i32
            %add3A_193 = arith.addi %mul3A_170, %mul3A_192 : i32
            %add3A_194 = arith.constant 0 : i32
            %add3A_195 = arith.addi %add3A_193, %add3A_194 : i32
            %get3A = arith.index_cast %add3A_195 : i32 to index
            %get3A_196 = arith.constant 0 : index
            %get3A_197 = tpu.vector_load %arg8[%get3A, %get3A_196] {strides = array<i32>} : memref<128x128xi32, #tpu.memory_space<vmem>>, vector<1x16xi32>,
            %get3A_198 = vector.shape_cast %get3A_197 : vector<1x16xi32> to vector<16xi32>
            %get3A_199 = arith.index_cast %add3A_195 : i32 to index
            %get3A_200 = arith.constant 0 : index
            %get3A_201 = tpu.vector_load %arg9[%get3A_199, %get3A_200] {strides = array<i32>} : memref<128x128xi32, #tpu.memory_space<vmem>>, vector<1x16xi32>,
            %get3A_202 = vector.shape_cast %get3A_201 : vector<1x16xi32> to vector<16xi32>
            %shift_left3A = arith.constant 16 : i32
            %shift_left3A_203 = vector.broadcast %shift_left3A : i32 to vector<16xi32>
            %shift_left3A_204 = arith.shli %get3A_198, %shift_left3A_203 : vector<16xi32>
            %bitcast_convert_type3A = tpu.bitcast %shift_left3A_204 : vector<16xi32> -> vector<16xf32>
            %shift_left3A_205 = arith.constant 16 : i32
            %shift_left3A_206 = vector.broadcast %shift_left3A_205 : i32 to vector<16xi32>
            %shift_left3A_207 = arith.shli %get3A_202, %shift_left3A_206 : vector<16xi32>
            %bitcast_convert_type3A_208 = tpu.bitcast %shift_left3A_207 : vector<16xi32> -> vector<16xf32>
            %mul3A_209 = arith.mulf %bitcast_convert_type3A, %bitcast_convert_type3A_208 : vector<16xf32>
            %bitcast_convert_type3A_210 = tpu.bitcast %get3A_198 : vector<16xi32> -> vector<16xf32>
            %bitcast_convert_type3A_211 = tpu.bitcast %get3A_202 : vector<16xi32> -> vector<16xf32>
            %mul3A_212 = arith.mulf %bitcast_convert_type3A_210, %bitcast_convert_type3A_211 : vector<16xf32>
            %get3A_213 = arith.index_cast %add3A_195 : i32 to index
            %get3A_214 = arith.constant 16 : index
            %get3A_215 = tpu.vector_load %arg8[%get3A_213, %get3A_214] {strides = array<i32>} : memref<128x128xi32, #tpu.memory_space<vmem>>, vector<1x16xi32>,
            %get3A_216 = vector.shape_cast %get3A_215 : vector<1x16xi32> to vector<16xi32>
            %get3A_217 = arith.index_cast %add3A_195 : i32 to index
            %get3A_218 = arith.constant 16 : index
            %get3A_219 = tpu.vector_load %arg9[%get3A_217, %get3A_218] {strides = array<i32>} : memref<128x128xi32, #tpu.memory_space<vmem>>, vector<1x16xi32>,
            %get3A_220 = vector.shape_cast %get3A_219 : vector<1x16xi32> to vector<16xi32>
            %shift_left3A_221 = arith.constant 16 : i32
            %shift_left3A_222 = vector.broadcast %shift_left3A_221 : i32 to vector<16xi32>
            %shift_left3A_223 = arith.shli %get3A_216, %shift_left3A_222 : vector<16xi32>
            %bitcast_convert_type3A_224 = tpu.bitcast %shift_left3A_223 : vector<16xi32> -> vector<16xf32>
            %shift_left3A_225 = arith.constant 16 : i32
            %shift_left3A_226 = vector.broadcast %shift_left3A_225 : i32 to vector<16xi32>
            %shift_left3A_227 = arith.shli %get3A_220, %shift_left3A_226 : vector<16xi32>
            %bitcast_convert_type3A_228 = tpu.bitcast %shift_left3A_227 : vector<16xi32> -> vector<16xf32>
            %mul3A_229 = arith.mulf %bitcast_convert_type3A_224, %bitcast_convert_type3A_228 : vector<16xf32>
            %add3A_230 = arith.addf %mul3A_209, %mul3A_229 : vector<16xf32>
            %bitcast_convert_type3A_231 = tpu.bitcast %get3A_216 : vector<16xi32> -> vector<16xf32>
            %bitcast_convert_type3A_232 = tpu.bitcast %get3A_220 : vector<16xi32> -> vector<16xf32>
            %mul3A_233 = arith.mulf %bitcast_convert_type3A_231, %bitcast_convert_type3A_232 : vector<16xf32>
            %add3A_234 = arith.addf %mul3A_212, %mul3A_233 : vector<16xf32>
            %get3A_235 = arith.index_cast %add3A_195 : i32 to index
            %get3A_236 = arith.constant 32 : index
            %get3A_237 = tpu.vector_load %arg8[%get3A_235, %get3A_236] {strides = array<i32>} : memref<128x128xi32, #tpu.memory_space<vmem>>, vector<1x16xi32>,
            %get3A_238 = vector.shape_cast %get3A_237 : vector<1x16xi32> to vector<16xi32>
            %get3A_239 = arith.index_cast %add3A_195 : i32 to index
            %get3A_240 = arith.constant 32 : index
            %get3A_241 = tpu.vector_load %arg9[%get3A_239, %get3A_240] {strides = array<i32>} : memref<128x128xi32, #tpu.memory_space<vmem>>, vector<1x16xi32>,
            %get3A_242 = vector.shape_cast %get3A_241 : vector<1x16xi32> to vector<16xi32>
            %shift_left3A_243 = arith.constant 16 : i32
            %shift_left3A_244 = vector.broadcast %shift_left3A_243 : i32 to vector<16xi32>
            %shift_left3A_245 = arith.shli %get3A_238, %shift_left3A_244 : vector<16xi32>
            %bitcast_convert_type3A_246 = tpu.bitcast %shift_left3A_245 : vector<16xi32> -> vector<16xf32>
            %shift_left3A_247 = arith.constant 16 : i32
            %shift_left3A_248 = vector.broadcast %shift_left3A_247 : i32 to vector<16xi32>
            %shift_left3A_249 = arith.shli %get3A_242, %shift_left3A_248 : vector<16xi32>
            %bitcast_convert_type3A_250 = tpu.bitcast %shift_left3A_249 : vector<16xi32> -> vector<16xf32>
            %mul3A_251 = arith.mulf %bitcast_convert_type3A_246, %bitcast_convert_type3A_250 : vector<16xf32>
            %add3A_252 = arith.addf %add3A_230, %mul3A_251 : vector<16xf32>
            %bitcast_convert_type3A_253 = tpu.bitcast %get3A_238 : vector<16xi32> -> vector<16xf32>
            %bitcast_convert_type3A_254 = tpu.bitcast %get3A_242 : vector<16xi32> -> vector<16xf32>
            %mul3A_255 = arith.mulf %bitcast_convert_type3A_253, %bitcast_convert_type3A_254 : vector<16xf32>
            %add3A_256 = arith.addf %add3A_234, %mul3A_255 : vector<16xf32>
            %get3A_257 = arith.index_cast %add3A_195 : i32 to index
            %get3A_258 = arith.constant 48 : index
            %get3A_259 = tpu.vector_load %arg8[%get3A_257, %get3A_258] {strides = array<i32>} : memref<128x128xi32, #tpu.memory_space<vmem>>, vector<1x16xi32>,
            %get3A_260 = vector.shape_cast %get3A_259 : vector<1x16xi32> to vector<16xi32>
            %get3A_261 = arith.index_cast %add3A_195 : i32 to index
            %get3A_262 = arith.constant 48 : index
            %get3A_263 = tpu.vector_load %arg9[%get3A_261, %get3A_262] {strides = array<i32>} : memref<128x128xi32, #tpu.memory_space<vmem>>, vector<1x16xi32>,
            %get3A_264 = vector.shape_cast %get3A_263 : vector<1x16xi32> to vector<16xi32>
            %shift_left3A_265 = arith.constant 16 : i32
            %shift_left3A_266 = vector.broadcast %shift_left3A_265 : i32 to vector<16xi32>
            %shift_left3A_267 = arith.shli %get3A_260, %shift_left3A_266 : vector<16xi32>
            %bitcast_convert_type3A_268 = tpu.bitcast %shift_left3A_267 : vector<16xi32> -> vector<16xf32>
            %shift_left3A_269 = arith.constant 16 : i32
            %shift_left3A_270 = vector.broadcast %shift_left3A_269 : i32 to vector<16xi32>
            %shift_left3A_271 = arith.shli %get3A_264, %shift_left3A_270 : vector<16xi32>
            %bitcast_convert_type3A_272 = tpu.bitcast %shift_left3A_271 : vector<16xi32> -> vector<16xf32>
            %mul3A_273 = arith.mulf %bitcast_convert_type3A_268, %bitcast_convert_type3A_272 : vector<16xf32>
            %add3A_274 = arith.addf %add3A_252, %mul3A_273 : vector<16xf32>
            %bitcast_convert_type3A_275 = tpu.bitcast %get3A_260 : vector<16xi32> -> vector<16xf32>
            %bitcast_convert_type3A_276 = tpu.bitcast %get3A_264 : vector<16xi32> -> vector<16xf32>
            %mul3A_277 = arith.mulf %bitcast_convert_type3A_275, %bitcast_convert_type3A_276 : vector<16xf32>
            %add3A_278 = arith.addf %add3A_256, %mul3A_277 : vector<16xf32>
            %get3A_279 = arith.index_cast %add3A_195 : i32 to index
            %get3A_280 = arith.constant 64 : index
            %get3A_281 = tpu.vector_load %arg8[%get3A_279, %get3A_280] {strides = array<i32>} : memref<128x128xi32, #tpu.memory_space<vmem>>, vector<1x16xi32>,
            %get3A_282 = vector.shape_cast %get3A_281 : vector<1x16xi32> to vector<16xi32>
            %get3A_283 = arith.index_cast %add3A_195 : i32 to index
            %get3A_284 = arith.constant 64 : index
            %get3A_285 = tpu.vector_load %arg9[%get3A_283, %get3A_284] {strides = array<i32>} : memref<128x128xi32, #tpu.memory_space<vmem>>, vector<1x16xi32>,
            %get3A_286 = vector.shape_cast %get3A_285 : vector<1x16xi32> to vector<16xi32>
            %shift_left3A_287 = arith.constant 16 : i32
            %shift_left3A_288 = vector.broadcast %shift_left3A_287 : i32 to vector<16xi32>
            %shift_left3A_289 = arith.shli %get3A_282, %shift_left3A_288 : vector<16xi32>
            %bitcast_convert_type3A_290 = tpu.bitcast %shift_left3A_289 : vector<16xi32> -> vector<16xf32>
            %shift_left3A_291 = arith.constant 16 : i32
            %shift_left3A_292 = vector.broadcast %shift_left3A_291 : i32 to vector<16xi32>
            %shift_left3A_293 = arith.shli %get3A_286, %shift_left3A_292 : vector<16xi32>
            %bitcast_convert_type3A_294 = tpu.bitcast %shift_left3A_293 : vector<16xi32> -> vector<16xf32>
            %mul3A_295 = arith.mulf %bitcast_convert_type3A_290, %bitcast_convert_type3A_294 : vector<16xf32>
            %add3A_296 = arith.addf %add3A_274, %mul3A_295 : vector<16xf32>
            %bitcast_convert_type3A_297 = tpu.bitcast %get3A_282 : vector<16xi32> -> vector<16xf32>
            %bitcast_convert_type3A_298 = tpu.bitcast %get3A_286 : vector<16xi32> -> vector<16xf32>
            %mul3A_299 = arith.mulf %bitcast_convert_type3A_297, %bitcast_convert_type3A_298 : vector<16xf32>
            %add3A_300 = arith.addf %add3A_278, %mul3A_299 : vector<16xf32>
            %get3A_301 = arith.index_cast %add3A_195 : i32 to index
            %get3A_302 = arith.constant 80 : index
            %get3A_303 = tpu.vector_load %arg8[%get3A_301, %get3A_302] {strides = array<i32>} : memref<128x128xi32, #tpu.memory_space<vmem>>, vector<1x16xi32>,
            %get3A_304 = vector.shape_cast %get3A_303 : vector<1x16xi32> to vector<16xi32>
            %get3A_305 = arith.index_cast %add3A_195 : i32 to index
            %get3A_306 = arith.constant 80 : index
            %get3A_307 = tpu.vector_load %arg9[%get3A_305, %get3A_306] {strides = array<i32>} : memref<128x128xi32, #tpu.memory_space<vmem>>, vector<1x16xi32>,
            %get3A_308 = vector.shape_cast %get3A_307 : vector<1x16xi32> to vector<16xi32>
            %shift_left3A_309 = arith.constant 16 : i32
            %shift_left3A_310 = vector.broadcast %shift_left3A_309 : i32 to vector<16xi32>
            %shift_left3A_311 = arith.shli %get3A_304, %shift_left3A_310 : vector<16xi32>
            %bitcast_convert_type3A_312 = tpu.bitcast %shift_left3A_311 : vector<16xi32> -> vector<16xf32>
            %shift_left3A_313 = arith.constant 16 : i32
            %shift_left3A_314 = vector.broadcast %shift_left3A_313 : i32 to vector<16xi32>
            %shift_left3A_315 = arith.shli %get3A_308, %shift_left3A_314 : vector<16xi32>
            %bitcast_convert_type3A_316 = tpu.bitcast %shift_left3A_315 : vector<16xi32> -> vector<16xf32>
            %mul3A_317 = arith.mulf %bitcast_convert_type3A_312, %bitcast_convert_type3A_316 : vector<16xf32>
            %add3A_318 = arith.addf %add3A_296, %mul3A_317 : vector<16xf32>
            %bitcast_convert_type3A_319 = tpu.bitcast %get3A_304 : vector<16xi32> -> vector<16xf32>
            %bitcast_convert_type3A_320 = tpu.bitcast %get3A_308 : vector<16xi32> -> vector<16xf32>
            %mul3A_321 = arith.mulf %bitcast_convert_type3A_319, %bitcast_convert_type3A_320 : vector<16xf32>
            %add3A_322 = arith.addf %add3A_300, %mul3A_321 : vector<16xf32>
            %get3A_323 = arith.index_cast %add3A_195 : i32 to index
            %get3A_324 = arith.constant 96 : index
            %get3A_325 = tpu.vector_load %arg8[%get3A_323, %get3A_324] {strides = array<i32>} : memref<128x128xi32, #tpu.memory_space<vmem>>, vector<1x16xi32>,
            %get3A_326 = vector.shape_cast %get3A_325 : vector<1x16xi32> to vector<16xi32>
            %get3A_327 = arith.index_cast %add3A_195 : i32 to index
            %get3A_328 = arith.constant 96 : index
            %get3A_329 = tpu.vector_load %arg9[%get3A_327, %get3A_328] {strides = array<i32>} : memref<128x128xi32, #tpu.memory_space<vmem>>, vector<1x16xi32>,
            %get3A_330 = vector.shape_cast %get3A_329 : vector<1x16xi32> to vector<16xi32>
            %shift_left3A_331 = arith.constant 16 : i32
            %shift_left3A_332 = vector.broadcast %shift_left3A_331 : i32 to vector<16xi32>
            %shift_left3A_333 = arith.shli %get3A_326, %shift_left3A_332 : vector<16xi32>
            %bitcast_convert_type3A_334 = tpu.bitcast %shift_left3A_333 : vector<16xi32> -> vector<16xf32>
            %shift_left3A_335 = arith.constant 16 : i32
            %shift_left3A_336 = vector.broadcast %shift_left3A_335 : i32 to vector<16xi32>
            %shift_left3A_337 = arith.shli %get3A_330, %shift_left3A_336 : vector<16xi32>
            %bitcast_convert_type3A_338 = tpu.bitcast %shift_left3A_337 : vector<16xi32> -> vector<16xf32>
            %mul3A_339 = arith.mulf %bitcast_convert_type3A_334, %bitcast_convert_type3A_338 : vector<16xf32>
            %add3A_340 = arith.addf %add3A_318, %mul3A_339 : vector<16xf32>
            %bitcast_convert_type3A_341 = tpu.bitcast %get3A_326 : vector<16xi32> -> vector<16xf32>
            %bitcast_convert_type3A_342 = tpu.bitcast %get3A_330 : vector<16xi32> -> vector<16xf32>
            %mul3A_343 = arith.mulf %bitcast_convert_type3A_341, %bitcast_convert_type3A_342 : vector<16xf32>
            %add3A_344 = arith.addf %add3A_322, %mul3A_343 : vector<16xf32>
            %get3A_345 = arith.index_cast %add3A_195 : i32 to index
            %get3A_346 = arith.constant 112 : index
            %get3A_347 = tpu.vector_load %arg8[%get3A_345, %get3A_346] {strides = array<i32>} : memref<128x128xi32, #tpu.memory_space<vmem>>, vector<1x16xi32>,
            %get3A_348 = vector.shape_cast %get3A_347 : vector<1x16xi32> to vector<16xi32>
            %get3A_349 = arith.index_cast %add3A_195 : i32 to index
            %get3A_350 = arith.constant 112 : index
            %get3A_351 = tpu.vector_load %arg9[%get3A_349, %get3A_350] {strides = array<i32>} : memref<128x128xi32, #tpu.memory_space<vmem>>, vector<1x16xi32>,
            %get3A_352 = vector.shape_cast %get3A_351 : vector<1x16xi32> to vector<16xi32>
            %shift_left3A_353 = arith.constant 16 : i32
            %shift_left3A_354 = vector.broadcast %shift_left3A_353 : i32 to vector<16xi32>
            %shift_left3A_355 = arith.shli %get3A_348, %shift_left3A_354 : vector<16xi32>
            %bitcast_convert_type3A_356 = tpu.bitcast %shift_left3A_355 : vector<16xi32> -> vector<16xf32>
            %shift_left3A_357 = arith.constant 16 : i32
            %shift_left3A_358 = vector.broadcast %shift_left3A_357 : i32 to vector<16xi32>
            %shift_left3A_359 = arith.shli %get3A_352, %shift_left3A_358 : vector<16xi32>
            %bitcast_convert_type3A_360 = tpu.bitcast %shift_left3A_359 : vector<16xi32> -> vector<16xf32>
            %mul3A_361 = arith.mulf %bitcast_convert_type3A_356, %bitcast_convert_type3A_360 : vector<16xf32>
            %add3A_362 = arith.addf %add3A_340, %mul3A_361 : vector<16xf32>
            %bitcast_convert_type3A_363 = tpu.bitcast %get3A_348 : vector<16xi32> -> vector<16xf32>
            %bitcast_convert_type3A_364 = tpu.bitcast %get3A_352 : vector<16xi32> -> vector<16xf32>
            %mul3A_365 = arith.mulf %bitcast_convert_type3A_363, %bitcast_convert_type3A_364 : vector<16xf32>
            %add3A_366 = arith.addf %add3A_344, %mul3A_365 : vector<16xf32>
            %add3A_367 = arith.addf %add3A_362, %add3A_366 : vector<16xf32>
            %add3A_368 = arith.constant 1 : i32
            %add3A_369 = arith.addi %add3A_193, %add3A_368 : i32
            %get3A_370 = arith.index_cast %add3A_369 : i32 to index
            %get3A_371 = arith.constant 0 : index
            %get3A_372 = tpu.vector_load %arg8[%get3A_370, %get3A_371] {strides = array<i32>} : memref<128x128xi32, #tpu.memory_space<vmem>>, vector<1x16xi32>,
            %get3A_373 = vector.shape_cast %get3A_372 : vector<1x16xi32> to vector<16xi32>
            %get3A_374 = arith.index_cast %add3A_369 : i32 to index
            %get3A_375 = arith.constant 0 : index
            %get3A_376 = tpu.vector_load %arg9[%get3A_374, %get3A_375] {strides = array<i32>} : memref<128x128xi32, #tpu.memory_space<vmem>>, vector<1x16xi32>,
            %get3A_377 = vector.shape_cast %get3A_376 : vector<1x16xi32> to vector<16xi32>
            %shift_left3A_378 = arith.constant 16 : i32
            %shift_left3A_379 = vector.broadcast %shift_left3A_378 : i32 to vector<16xi32>
            %shift_left3A_380 = arith.shli %get3A_373, %shift_left3A_379 : vector<16xi32>
            %bitcast_convert_type3A_381 = tpu.bitcast %shift_left3A_380 : vector<16xi32> -> vector<16xf32>
            %shift_left3A_382 = arith.constant 16 : i32
            %shift_left3A_383 = vector.broadcast %shift_left3A_382 : i32 to vector<16xi32>
            %shift_left3A_384 = arith.shli %get3A_377, %shift_left3A_383 : vector<16xi32>
            %bitcast_convert_type3A_385 = tpu.bitcast %shift_left3A_384 : vector<16xi32> -> vector<16xf32>
            %mul3A_386 = arith.mulf %bitcast_convert_type3A_381, %bitcast_convert_type3A_385 : vector<16xf32>
            %bitcast_convert_type3A_387 = tpu.bitcast %get3A_373 : vector<16xi32> -> vector<16xf32>
            %bitcast_convert_type3A_388 = tpu.bitcast %get3A_377 : vector<16xi32> -> vector<16xf32>
            %mul3A_389 = arith.mulf %bitcast_convert_type3A_387, %bitcast_convert_type3A_388 : vector<16xf32>
            %get3A_390 = arith.index_cast %add3A_369 : i32 to index
            %get3A_391 = arith.constant 16 : index
            %get3A_392 = tpu.vector_load %arg8[%get3A_390, %get3A_391] {strides = array<i32>} : memref<128x128xi32, #tpu.memory_space<vmem>>, vector<1x16xi32>,
            %get3A_393 = vector.shape_cast %get3A_392 : vector<1x16xi32> to vector<16xi32>
            %get3A_394 = arith.index_cast %add3A_369 : i32 to index
            %get3A_395 = arith.constant 16 : index
            %get3A_396 = tpu.vector_load %arg9[%get3A_394, %get3A_395] {strides = array<i32>} : memref<128x128xi32, #tpu.memory_space<vmem>>, vector<1x16xi32>,
            %get3A_397 = vector.shape_cast %get3A_396 : vector<1x16xi32> to vector<16xi32>
            %shift_left3A_398 = arith.constant 16 : i32
            %shift_left3A_399 = vector.broadcast %shift_left3A_398 : i32 to vector<16xi32>
            %shift_left3A_400 = arith.shli %get3A_393, %shift_left3A_399 : vector<16xi32>
            %bitcast_convert_type3A_401 = tpu.bitcast %shift_left3A_400 : vector<16xi32> -> vector<16xf32>
            %shift_left3A_402 = arith.constant 16 : i32
            %shift_left3A_403 = vector.broadcast %shift_left3A_402 : i32 to vector<16xi32>
            %shift_left3A_404 = arith.shli %get3A_397, %shift_left3A_403 : vector<16xi32>
            %bitcast_convert_type3A_405 = tpu.bitcast %shift_left3A_404 : vector<16xi32> -> vector<16xf32>
            %mul3A_406 = arith.mulf %bitcast_convert_type3A_401, %bitcast_convert_type3A_405 : vector<16xf32>
            %add3A_407 = arith.addf %mul3A_386, %mul3A_406 : vector<16xf32>
            %bitcast_convert_type3A_408 = tpu.bitcast %get3A_393 : vector<16xi32> -> vector<16xf32>
            %bitcast_convert_type3A_409 = tpu.bitcast %get3A_397 : vector<16xi32> -> vector<16xf32>
            %mul3A_410 = arith.mulf %bitcast_convert_type3A_408, %bitcast_convert_type3A_409 : vector<16xf32>
            %add3A_411 = arith.addf %mul3A_389, %mul3A_410 : vector<16xf32>
            %get3A_412 = arith.index_cast %add3A_369 : i32 to index
            %get3A_413 = arith.constant 32 : index
            %get3A_414 = tpu.vector_load %arg8[%get3A_412, %get3A_413] {strides = array<i32>} : memref<128x128xi32, #tpu.memory_space<vmem>>, vector<1x16xi32>,
            %get3A_415 = vector.shape_cast %get3A_414 : vector<1x16xi32> to vector<16xi32>
            %get3A_416 = arith.index_cast %add3A_369 : i32 to index
            %get3A_417 = arith.constant 32 : index
            %get3A_418 = tpu.vector_load %arg9[%get3A_416, %get3A_417] {strides = array<i32>} : memref<128x128xi32, #tpu.memory_space<vmem>>, vector<1x16xi32>,
            %get3A_419 = vector.shape_cast %get3A_418 : vector<1x16xi32> to vector<16xi32>
            %shift_left3A_420 = arith.constant 16 : i32
            %shift_left3A_421 = vector.broadcast %shift_left3A_420 : i32 to vector<16xi32>
            %shift_left3A_422 = arith.shli %get3A_415, %shift_left3A_421 : vector<16xi32>
            %bitcast_convert_type3A_423 = tpu.bitcast %shift_left3A_422 : vector<16xi32> -> vector<16xf32>
            %shift_left3A_424 = arith.constant 16 : i32
            %shift_left3A_425 = vector.broadcast %shift_left3A_424 : i32 to vector<16xi32>
            %shift_left3A_426 = arith.shli %get3A_419, %shift_left3A_425 : vector<16xi32>
            %bitcast_convert_type3A_427 = tpu.bitcast %shift_left3A_426 : vector<16xi32> -> vector<16xf32>
            %mul3A_428 = arith.mulf %bitcast_convert_type3A_423, %bitcast_convert_type3A_427 : vector<16xf32>
            %add3A_429 = arith.addf %add3A_407, %mul3A_428 : vector<16xf32>
            %bitcast_convert_type3A_430 = tpu.bitcast %get3A_415 : vector<16xi32> -> vector<16xf32>
            %bitcast_convert_type3A_431 = tpu.bitcast %get3A_419 : vector<16xi32> -> vector<16xf32>
            %mul3A_432 = arith.mulf %bitcast_convert_type3A_430, %bitcast_convert_type3A_431 : vector<16xf32>
            %add3A_433 = arith.addf %add3A_411, %mul3A_432 : vector<16xf32>
            %get3A_434 = arith.index_cast %add3A_369 : i32 to index
            %get3A_435 = arith.constant 48 : index
            %get3A_436 = tpu.vector_load %arg8[%get3A_434, %get3A_435] {strides = array<i32>} : memref<128x128xi32, #tpu.memory_space<vmem>>, vector<1x16xi32>,
            %get3A_437 = vector.shape_cast %get3A_436 : vector<1x16xi32> to vector<16xi32>
            %get3A_438 = arith.index_cast %add3A_369 : i32 to index
            %get3A_439 = arith.constant 48 : index
            %get3A_440 = tpu.vector_load %arg9[%get3A_438, %get3A_439] {strides = array<i32>} : memref<128x128xi32, #tpu.memory_space<vmem>>, vector<1x16xi32>,
            %get3A_441 = vector.shape_cast %get3A_440 : vector<1x16xi32> to vector<16xi32>
            %shift_left3A_442 = arith.constant 16 : i32
            %shift_left3A_443 = vector.broadcast %shift_left3A_442 : i32 to vector<16xi32>
            %shift_left3A_444 = arith.shli %get3A_437, %shift_left3A_443 : vector<16xi32>
            %bitcast_convert_type3A_445 = tpu.bitcast %shift_left3A_444 : vector<16xi32> -> vector<16xf32>
            %shift_left3A_446 = arith.constant 16 : i32
            %shift_left3A_447 = vector.broadcast %shift_left3A_446 : i32 to vector<16xi32>
            %shift_left3A_448 = arith.shli %get3A_441, %shift_left3A_447 : vector<16xi32>
            %bitcast_convert_type3A_449 = tpu.bitcast %shift_left3A_448 : vector<16xi32> -> vector<16xf32>
            %mul3A_450 = arith.mulf %bitcast_convert_type3A_445, %bitcast_convert_type3A_449 : vector<16xf32>
            %add3A_451 = arith.addf %add3A_429, %mul3A_450 : vector<16xf32>
            %bitcast_convert_type3A_452 = tpu.bitcast %get3A_437 : vector<16xi32> -> vector<16xf32>
            %bitcast_convert_type3A_453 = tpu.bitcast %get3A_441 : vector<16xi32> -> vector<16xf32>
            %mul3A_454 = arith.mulf %bitcast_convert_type3A_452, %bitcast_convert_type3A_453 : vector<16xf32>
            %add3A_455 = arith.addf %add3A_433, %mul3A_454 : vector<16xf32>
            %get3A_456 = arith.index_cast %add3A_369 : i32 to index
            %get3A_457 = arith.constant 64 : index
            %get3A_458 = tpu.vector_load %arg8[%get3A_456, %get3A_457] {strides = array<i32>} : memref<128x128xi32, #tpu.memory_space<vmem>>, vector<1x16xi32>,
            %get3A_459 = vector.shape_cast %get3A_458 : vector<1x16xi32> to vector<16xi32>
            %get3A_460 = arith.index_cast %add3A_369 : i32 to index
            %get3A_461 = arith.constant 64 : index
            %get3A_462 = tpu.vector_load %arg9[%get3A_460, %get3A_461] {strides = array<i32>} : memref<128x128xi32, #tpu.memory_space<vmem>>, vector<1x16xi32>,
            %get3A_463 = vector.shape_cast %get3A_462 : vector<1x16xi32> to vector<16xi32>
            %shift_left3A_464 = arith.constant 16 : i32
            %shift_left3A_465 = vector.broadcast %shift_left3A_464 : i32 to vector<16xi32>
            %shift_left3A_466 = arith.shli %get3A_459, %shift_left3A_465 : vector<16xi32>
            %bitcast_convert_type3A_467 = tpu.bitcast %shift_left3A_466 : vector<16xi32> -> vector<16xf32>
            %shift_left3A_468 = arith.constant 16 : i32
            %shift_left3A_469 = vector.broadcast %shift_left3A_468 : i32 to vector<16xi32>
            %shift_left3A_470 = arith.shli %get3A_463, %shift_left3A_469 : vector<16xi32>
            %bitcast_convert_type3A_471 = tpu.bitcast %shift_left3A_470 : vector<16xi32> -> vector<16xf32>
            %mul3A_472 = arith.mulf %bitcast_convert_type3A_467, %bitcast_convert_type3A_471 : vector<16xf32>
            %add3A_473 = arith.addf %add3A_451, %mul3A_472 : vector<16xf32>
            %bitcast_convert_type3A_474 = tpu.bitcast %get3A_459 : vector<16xi32> -> vector<16xf32>
            %bitcast_convert_type3A_475 = tpu.bitcast %get3A_463 : vector<16xi32> -> vector<16xf32>
            %mul3A_476 = arith.mulf %bitcast_convert_type3A_474, %bitcast_convert_type3A_475 : vector<16xf32>
            %add3A_477 = arith.addf %add3A_455, %mul3A_476 : vector<16xf32>
            %get3A_478 = arith.index_cast %add3A_369 : i32 to index
            %get3A_479 = arith.constant 80 : index
            %get3A_480 = tpu.vector_load %arg8[%get3A_478, %get3A_479] {strides = array<i32>} : memref<128x128xi32, #tpu.memory_space<vmem>>, vector<1x16xi32>,
            %get3A_481 = vector.shape_cast %get3A_480 : vector<1x16xi32> to vector<16xi32>
            %get3A_482 = arith.index_cast %add3A_369 : i32 to index
            %get3A_483 = arith.constant 80 : index
            %get3A_484 = tpu.vector_load %arg9[%get3A_482, %get3A_483] {strides = array<i32>} : memref<128x128xi32, #tpu.memory_space<vmem>>, vector<1x16xi32>,
            %get3A_485 = vector.shape_cast %get3A_484 : vector<1x16xi32> to vector<16xi32>
            %shift_left3A_486 = arith.constant 16 : i32
            %shift_left3A_487 = vector.broadcast %shift_left3A_486 : i32 to vector<16xi32>
            %shift_left3A_488 = arith.shli %get3A_481, %shift_left3A_487 : vector<16xi32>
            %bitcast_convert_type3A_489 = tpu.bitcast %shift_left3A_488 : vector<16xi32> -> vector<16xf32>
            %shift_left3A_490 = arith.constant 16 : i32
            %shift_left3A_491 = vector.broadcast %shift_left3A_490 : i32 to vector<16xi32>
            %shift_left3A_492 = arith.shli %get3A_485, %shift_left3A_491 : vector<16xi32>
            %bitcast_convert_type3A_493 = tpu.bitcast %shift_left3A_492 : vector<16xi32> -> vector<16xf32>
            %mul3A_494 = arith.mulf %bitcast_convert_type3A_489, %bitcast_convert_type3A_493 : vector<16xf32>
            %add3A_495 = arith.addf %add3A_473, %mul3A_494 : vector<16xf32>
            %bitcast_convert_type3A_496 = tpu.bitcast %get3A_481 : vector<16xi32> -> vector<16xf32>
            %bitcast_convert_type3A_497 = tpu.bitcast %get3A_485 : vector<16xi32> -> vector<16xf32>
            %mul3A_498 = arith.mulf %bitcast_convert_type3A_496, %bitcast_convert_type3A_497 : vector<16xf32>
            %add3A_499 = arith.addf %add3A_477, %mul3A_498 : vector<16xf32>
            %get3A_500 = arith.index_cast %add3A_369 : i32 to index
            %get3A_501 = arith.constant 96 : index
            %get3A_502 = tpu.vector_load %arg8[%get3A_500, %get3A_501] {strides = array<i32>} : memref<128x128xi32, #tpu.memory_space<vmem>>, vector<1x16xi32>,
            %get3A_503 = vector.shape_cast %get3A_502 : vector<1x16xi32> to vector<16xi32>
            %get3A_504 = arith.index_cast %add3A_369 : i32 to index
            %get3A_505 = arith.constant 96 : index
            %get3A_506 = tpu.vector_load %arg9[%get3A_504, %get3A_505] {strides = array<i32>} : memref<128x128xi32, #tpu.memory_space<vmem>>, vector<1x16xi32>,
            %get3A_507 = vector.shape_cast %get3A_506 : vector<1x16xi32> to vector<16xi32>
            %shift_left3A_508 = arith.constant 16 : i32
            %shift_left3A_509 = vector.broadcast %shift_left3A_508 : i32 to vector<16xi32>
            %shift_left3A_510 = arith.shli %get3A_503, %shift_left3A_509 : vector<16xi32>
            %bitcast_convert_type3A_511 = tpu.bitcast %shift_left3A_510 : vector<16xi32> -> vector<16xf32>
            %shift_left3A_512 = arith.constant 16 : i32
            %shift_left3A_513 = vector.broadcast %shift_left3A_512 : i32 to vector<16xi32>
            %shift_left3A_514 = arith.shli %get3A_507, %shift_left3A_513 : vector<16xi32>
            %bitcast_convert_type3A_515 = tpu.bitcast %shift_left3A_514 : vector<16xi32> -> vector<16xf32>
            %mul3A_516 = arith.mulf %bitcast_convert_type3A_511, %bitcast_convert_type3A_515 : vector<16xf32>
            %add3A_517 = arith.addf %add3A_495, %mul3A_516 : vector<16xf32>
            %bitcast_convert_type3A_518 = tpu.bitcast %get3A_503 : vector<16xi32> -> vector<16xf32>
            %bitcast_convert_type3A_519 = tpu.bitcast %get3A_507 : vector<16xi32> -> vector<16xf32>
            %mul3A_520 = arith.mulf %bitcast_convert_type3A_518, %bitcast_convert_type3A_519 : vector<16xf32>
            %add3A_521 = arith.addf %add3A_499, %mul3A_520 : vector<16xf32>
            %get3A_522 = arith.index_cast %add3A_369 : i32 to index
            %get3A_523 = arith.constant 112 : index
            %get3A_524 = tpu.vector_load %arg8[%get3A_522, %get3A_523] {strides = array<i32>} : memref<128x128xi32, #tpu.memory_space<vmem>>, vector<1x16xi32>,
            %get3A_525 = vector.shape_cast %get3A_524 : vector<1x16xi32> to vector<16xi32>
            %get3A_526 = arith.index_cast %add3A_369 : i32 to index
            %get3A_527 = arith.constant 112 : index
            %get3A_528 = tpu.vector_load %arg9[%get3A_526, %get3A_527] {strides = array<i32>} : memref<128x128xi32, #tpu.memory_space<vmem>>, vector<1x16xi32>,
            %get3A_529 = vector.shape_cast %get3A_528 : vector<1x16xi32> to vector<16xi32>
            %shift_left3A_530 = arith.constant 16 : i32
            %shift_left3A_531 = vector.broadcast %shift_left3A_530 : i32 to vector<16xi32>
            %shift_left3A_532 = arith.shli %get3A_525, %shift_left3A_531 : vector<16xi32>
            %bitcast_convert_type3A_533 = tpu.bitcast %shift_left3A_532 : vector<16xi32> -> vector<16xf32>
            %shift_left3A_534 = arith.constant 16 : i32
            %shift_left3A_535 = vector.broadcast %shift_left3A_534 : i32 to vector<16xi32>
            %shift_left3A_536 = arith.shli %get3A_529, %shift_left3A_535 : vector<16xi32>
            %bitcast_convert_type3A_537 = tpu.bitcast %shift_left3A_536 : vector<16xi32> -> vector<16xf32>
            %mul3A_538 = arith.mulf %bitcast_convert_type3A_533, %bitcast_convert_type3A_537 : vector<16xf32>
            %add3A_539 = arith.addf %add3A_517, %mul3A_538 : vector<16xf32>
            %bitcast_convert_type3A_540 = tpu.bitcast %get3A_525 : vector<16xi32> -> vector<16xf32>
            %bitcast_convert_type3A_541 = tpu.bitcast %get3A_529 : vector<16xi32> -> vector<16xf32>
            %mul3A_542 = arith.mulf %bitcast_convert_type3A_540, %bitcast_convert_type3A_541 : vector<16xf32>
            %add3A_543 = arith.addf %add3A_521, %mul3A_542 : vector<16xf32>
            %add3A_544 = arith.addf %add3A_539, %add3A_543 : vector<16xf32>
            %select_n3A_545 = arith.select %ne3A_176, %add3A_544, %add3A_367 : vector<16xi1>, vector<16xf32>
            %select_n3A_546 = arith.select %ne3A_176, %add3A_367, %add3A_544 : vector<16xi1>, vector<16xf32>
            %xor3A = arith.constant 1 : i32
            %xor3A_547 = vector.broadcast %xor3A : i32 to vector<16xi32>
            %xor3A_548 = arith.xori %iota3A, %xor3A_547 : vector<16xi32>
            %broadcast_in_dim3A_549 = vector.shape_cast %xor3A_548 : vector<16xi32> to vector<16x1xi32>
            %gather3A = vector.shape_cast %broadcast_in_dim3A_549 : vector<16x1xi32> to vector<16xi32>
            %gather3A_550 = tpu.dynamic_gather %select_n3A_546[%gather3A] in [0] : vector<16xf32>, vector<16xi32> -> vector<16xf32>
            %add3A_551 = arith.addf %select_n3A_545, %gather3A_550 : vector<16xf32>
            %xor3A_552 = arith.constant 2 : i32
            %xor3A_553 = vector.broadcast %xor3A_552 : i32 to vector<16xi32>
            %xor3A_554 = arith.xori %iota3A, %xor3A_553 : vector<16xi32>
            %broadcast_in_dim3A_555 = vector.shape_cast %xor3A_554 : vector<16xi32> to vector<16x1xi32>
            %gather3A_556 = vector.shape_cast %broadcast_in_dim3A_555 : vector<16x1xi32> to vector<16xi32>
            %gather3A_557 = tpu.dynamic_gather %add3A_551[%gather3A_556] in [0] : vector<16xf32>, vector<16xi32> -> vector<16xf32>
            %add3A_558 = arith.addf %add3A_551, %gather3A_557 : vector<16xf32>
            %xor3A_559 = arith.constant 4 : i32
            %xor3A_560 = vector.broadcast %xor3A_559 : i32 to vector<16xi32>
            %xor3A_561 = arith.xori %iota3A, %xor3A_560 : vector<16xi32>
            %broadcast_in_dim3A_562 = vector.shape_cast %xor3A_561 : vector<16xi32> to vector<16x1xi32>
            %gather3A_563 = vector.shape_cast %broadcast_in_dim3A_562 : vector<16x1xi32> to vector<16xi32>
            %gather3A_564 = tpu.dynamic_gather %add3A_558[%gather3A_563] in [0] : vector<16xf32>, vector<16xi32> -> vector<16xf32>
            %add3A_565 = arith.addf %add3A_558, %gather3A_564 : vector<16xf32>
            %xor3A_566 = arith.constant 8 : i32
            %xor3A_567 = vector.broadcast %xor3A_566 : i32 to vector<16xi32>
            %xor3A_568 = arith.xori %iota3A, %xor3A_567 : vector<16xi32>
            %broadcast_in_dim3A_569 = vector.shape_cast %xor3A_568 : vector<16xi32> to vector<16x1xi32>
            %gather3A_570 = vector.shape_cast %broadcast_in_dim3A_569 : vector<16x1xi32> to vector<16xi32>
            %gather3A_571 = tpu.dynamic_gather %add3A_565[%gather3A_570] in [0] : vector<16xf32>, vector<16xi32> -> vector<16xf32>
            %add3A_572 = arith.addf %add3A_565, %gather3A_571 : vector<16xf32>
            %eq3A_573 = vector.broadcast %scan3A_189 : i32 to vector<16xi32>
            %eq3A_574 = arith.cmpi eq, %shift_right_arithmetic3A_178, %eq3A_573 : vector<16xi32>
            %select_n3A_575 = arith.select %eq3A_574, %add3A_572, %scan3A_190 : vector<16xi1>, vector<16xf32>
            scf.yield %select_n3A_575 : vector<16xf32>
          }
          %scan3A_185 = arith.constant 8 : i32
          %swap3A = arith.index_cast %mul3A_170 : i32 to index
          %swap3A_186 = tpu.vector_load %arg12[%swap3A] {strides = array<i32>} : memref<128xf32, #tpu.memory_space<vmem>>, vector<16xf32>,
          %swap3A_187 = vector.shape_cast %swap3A_186 : vector<16xf32> to vector<16xf32>
          %swap3A_188 = vector.shape_cast %scan3A_184 : vector<16xf32> to vector<16xf32>
          tpu.vector_store %arg12[%swap3A], %swap3A_188 {strides = array<i32>} : memref<128xf32, #tpu.memory_space<vmem>>, vector<16xf32>,
        }
        %scan3A_165 = arith.constant 8 : i32
        %dma_start3A_166 = tpu.memref_slice %arg5[%mul3A_66] : memref<160000xf32, #tpu.memory_space<hbm>> -> memref<128xf32, #tpu.memory_space<hbm>>
        %dma_start3A_167 = tpu.memref_slice %arg5[%mul3A_66] : memref<160000xf32, #tpu.memory_space<hbm>> -> memref<128xf32, #tpu.memory_space<hbm>>
        tpu.enqueue_dma source(%arg12 : memref<128xf32, #tpu.memory_space<vmem>>) target(%dma_start3A_167 : memref<128xf32, #tpu.memory_space<hbm>>) target_semaphore(%arg18 : memref<!tpu.dma_semaphore, #tpu.memory_space<semaphore_mem>>)
      } else {
      }
      %jit3A_136 = arith.constant 2 : i32
      %eq3A_137 = arith.constant 0 : i32
      %eq3A_138 = arith.cmpi eq, %jit3A_136, %eq3A_137 : i32
      %jit3A_139 = arith.constant 1 : i32
      %select_n3A_140 = arith.select %eq3A_138, %jit3A_139, %jit3A_136 : i32
      %rem3A_141 = arith.remsi %while3A_61, %select_n3A_140 : i32
      %ne3A_142 = arith.constant 0 : i32
      %ne3A_143 = arith.cmpi ne, %rem3A_141, %ne3A_142 : i32
      %lt3A_144 = arith.constant 0 : i32
      %lt3A_145 = arith.cmpi slt, %rem3A_141, %lt3A_144 : i32
      %lt3A_146 = arith.constant 0 : i32
      %lt3A_147 = arith.cmpi slt, %select_n3A_140, %lt3A_146 : i32
      %ne3A_148 = arith.xori %lt3A_145, %lt3A_147 : i1
      %and3A_149 = arith.andi %ne3A_148, %ne3A_143 : i1
      %add3A_150 = arith.addi %rem3A_141, %select_n3A_140 : i32
      %select_n3A_151 = arith.select %and3A_149, %add3A_150, %rem3A_141 : i32
      %eq3A_152 = arith.constant 1 : i32
      %eq3A_153 = arith.cmpi eq, %select_n3A_151, %eq3A_152 : i32
      %convert_element_type3A_154 = arith.extui %eq3A_153 : i1 to i32
      %cond3A_155 = arith.constant 0 : i32
      %cond3A_156 = arith.cmpi ne, %convert_element_type3A_154, %cond3A_155 : i32
      scf.if %cond3A_156 {
        %ge3A = arith.constant 2 : i32
        %ge3A_157 = arith.cmpi sge, %while3A_61, %ge3A : i32
        %convert_element_type3A_158 = arith.extui %ge3A_157 : i1 to i32
        %cond3A_159 = arith.constant 0 : i32
        %cond3A_160 = arith.cmpi ne, %convert_element_type3A_158, %cond3A_159 : i32
        scf.if %cond3A_160 {
          %dma_wait3A_168 = tpu.memref_slice %arg5[%mul3A_66] : memref<160000xf32, #tpu.memory_space<hbm>> -> memref<128xf32, #tpu.memory_space<hbm>>
          %dma_wait3A_169 = tpu.memref_slice %arg5[%mul3A_66] : memref<160000xf32, #tpu.memory_space<hbm>> -> memref<128xf32, #tpu.memory_space<hbm>>
          tpu.wait_dma2 semaphore(%arg19 : memref<!tpu.dma_semaphore, #tpu.memory_space<semaphore_mem>>) src(%arg13 : memref<128xf32, #tpu.memory_space<vmem>>) dst(%dma_wait3A_169 : memref<128xf32, #tpu.memory_space<hbm>>)
        } else {
        }
        %iota3A = tpu.iota {dimensions = array<i32: 0>} : vector<16xi32>
        %scan3A = arith.constant 0 : i32
        %scan3A_161 = arith.constant 0 : i32
        %scan3A_162 = arith.constant 8 : i32
        %scan3A_163 = arith.addi %scan3A_161, %scan3A_162 : i32
        %scan3A_164 = arith.constant 1 : i32
        scf.for %scan3A_168 = %scan3A_161 to %scan3A_163 step %scan3A_164  : i32 {
          %mul3A_169 = arith.constant 16 : i32
          %mul3A_170 = arith.muli %scan3A_168, %mul3A_169 : i32
          %and3A_171 = arith.constant 1 : i32
          %and3A_172 = vector.broadcast %and3A_171 : i32 to vector<16xi32>
          %and3A_173 = arith.andi %iota3A, %and3A_172 : vector<16xi32>
          %ne3A_174 = arith.constant 0 : i32
          %ne3A_175 = vector.broadcast %ne3A_174 : i32 to vector<16xi32>
          %ne3A_176 = arith.cmpi ne, %and3A_173, %ne3A_175 : vector<16xi32>
          %shift_right_arithmetic3A = arith.constant 1 : i32
          %shift_right_arithmetic3A_177 = vector.broadcast %shift_right_arithmetic3A : i32 to vector<16xi32>
          %shift_right_arithmetic3A_178 = arith.shrsi %iota3A, %shift_right_arithmetic3A_177 : vector<16xi32>
          %broadcast_in_dim3A = arith.constant 0.000000e+00 : f32
          %broadcast_in_dim3A_179 = vector.broadcast %broadcast_in_dim3A : f32 to vector<16xf32>
          %scan3A_180 = arith.constant 0 : i32
          %scan3A_181 = arith.constant 8 : i32
          %scan3A_182 = arith.addi %scan3A_180, %scan3A_181 : i32
          %scan3A_183 = arith.constant 1 : i32
          %scan3A_184 = scf.for %scan3A_189 = %scan3A_180 to %scan3A_182 step %scan3A_183 iter_args(%scan3A_190 = %broadcast_in_dim3A_179) -> (vector<16xf32>)  : i32 {
            %mul3A_191 = arith.constant 2 : i32
            %mul3A_192 = arith.muli %mul3A_191, %scan3A_189 : i32
            %add3A_193 = arith.addi %mul3A_170, %mul3A_192 : i32
            %add3A_194 = arith.constant 0 : i32
            %add3A_195 = arith.addi %add3A_193, %add3A_194 : i32
            %get3A = arith.index_cast %add3A_195 : i32 to index
            %get3A_196 = arith.constant 0 : index
            %get3A_197 = tpu.vector_load %arg10[%get3A, %get3A_196] {strides = array<i32>} : memref<128x128xi32, #tpu.memory_space<vmem>>, vector<1x16xi32>,
            %get3A_198 = vector.shape_cast %get3A_197 : vector<1x16xi32> to vector<16xi32>
            %get3A_199 = arith.index_cast %add3A_195 : i32 to index
            %get3A_200 = arith.constant 0 : index
            %get3A_201 = tpu.vector_load %arg11[%get3A_199, %get3A_200] {strides = array<i32>} : memref<128x128xi32, #tpu.memory_space<vmem>>, vector<1x16xi32>,
            %get3A_202 = vector.shape_cast %get3A_201 : vector<1x16xi32> to vector<16xi32>
            %shift_left3A = arith.constant 16 : i32
            %shift_left3A_203 = vector.broadcast %shift_left3A : i32 to vector<16xi32>
            %shift_left3A_204 = arith.shli %get3A_198, %shift_left3A_203 : vector<16xi32>
            %bitcast_convert_type3A = tpu.bitcast %shift_left3A_204 : vector<16xi32> -> vector<16xf32>
            %shift_left3A_205 = arith.constant 16 : i32
            %shift_left3A_206 = vector.broadcast %shift_left3A_205 : i32 to vector<16xi32>
            %shift_left3A_207 = arith.shli %get3A_202, %shift_left3A_206 : vector<16xi32>
            %bitcast_convert_type3A_208 = tpu.bitcast %shift_left3A_207 : vector<16xi32> -> vector<16xf32>
            %mul3A_209 = arith.mulf %bitcast_convert_type3A, %bitcast_convert_type3A_208 : vector<16xf32>
            %bitcast_convert_type3A_210 = tpu.bitcast %get3A_198 : vector<16xi32> -> vector<16xf32>
            %bitcast_convert_type3A_211 = tpu.bitcast %get3A_202 : vector<16xi32> -> vector<16xf32>
            %mul3A_212 = arith.mulf %bitcast_convert_type3A_210, %bitcast_convert_type3A_211 : vector<16xf32>
            %get3A_213 = arith.index_cast %add3A_195 : i32 to index
            %get3A_214 = arith.constant 16 : index
            %get3A_215 = tpu.vector_load %arg10[%get3A_213, %get3A_214] {strides = array<i32>} : memref<128x128xi32, #tpu.memory_space<vmem>>, vector<1x16xi32>,
            %get3A_216 = vector.shape_cast %get3A_215 : vector<1x16xi32> to vector<16xi32>
            %get3A_217 = arith.index_cast %add3A_195 : i32 to index
            %get3A_218 = arith.constant 16 : index
            %get3A_219 = tpu.vector_load %arg11[%get3A_217, %get3A_218] {strides = array<i32>} : memref<128x128xi32, #tpu.memory_space<vmem>>, vector<1x16xi32>,
            %get3A_220 = vector.shape_cast %get3A_219 : vector<1x16xi32> to vector<16xi32>
            %shift_left3A_221 = arith.constant 16 : i32
            %shift_left3A_222 = vector.broadcast %shift_left3A_221 : i32 to vector<16xi32>
            %shift_left3A_223 = arith.shli %get3A_216, %shift_left3A_222 : vector<16xi32>
            %bitcast_convert_type3A_224 = tpu.bitcast %shift_left3A_223 : vector<16xi32> -> vector<16xf32>
            %shift_left3A_225 = arith.constant 16 : i32
            %shift_left3A_226 = vector.broadcast %shift_left3A_225 : i32 to vector<16xi32>
            %shift_left3A_227 = arith.shli %get3A_220, %shift_left3A_226 : vector<16xi32>
            %bitcast_convert_type3A_228 = tpu.bitcast %shift_left3A_227 : vector<16xi32> -> vector<16xf32>
            %mul3A_229 = arith.mulf %bitcast_convert_type3A_224, %bitcast_convert_type3A_228 : vector<16xf32>
            %add3A_230 = arith.addf %mul3A_209, %mul3A_229 : vector<16xf32>
            %bitcast_convert_type3A_231 = tpu.bitcast %get3A_216 : vector<16xi32> -> vector<16xf32>
            %bitcast_convert_type3A_232 = tpu.bitcast %get3A_220 : vector<16xi32> -> vector<16xf32>
            %mul3A_233 = arith.mulf %bitcast_convert_type3A_231, %bitcast_convert_type3A_232 : vector<16xf32>
            %add3A_234 = arith.addf %mul3A_212, %mul3A_233 : vector<16xf32>
            %get3A_235 = arith.index_cast %add3A_195 : i32 to index
            %get3A_236 = arith.constant 32 : index
            %get3A_237 = tpu.vector_load %arg10[%get3A_235, %get3A_236] {strides = array<i32>} : memref<128x128xi32, #tpu.memory_space<vmem>>, vector<1x16xi32>,
            %get3A_238 = vector.shape_cast %get3A_237 : vector<1x16xi32> to vector<16xi32>
            %get3A_239 = arith.index_cast %add3A_195 : i32 to index
            %get3A_240 = arith.constant 32 : index
            %get3A_241 = tpu.vector_load %arg11[%get3A_239, %get3A_240] {strides = array<i32>} : memref<128x128xi32, #tpu.memory_space<vmem>>, vector<1x16xi32>,
            %get3A_242 = vector.shape_cast %get3A_241 : vector<1x16xi32> to vector<16xi32>
            %shift_left3A_243 = arith.constant 16 : i32
            %shift_left3A_244 = vector.broadcast %shift_left3A_243 : i32 to vector<16xi32>
            %shift_left3A_245 = arith.shli %get3A_238, %shift_left3A_244 : vector<16xi32>
            %bitcast_convert_type3A_246 = tpu.bitcast %shift_left3A_245 : vector<16xi32> -> vector<16xf32>
            %shift_left3A_247 = arith.constant 16 : i32
            %shift_left3A_248 = vector.broadcast %shift_left3A_247 : i32 to vector<16xi32>
            %shift_left3A_249 = arith.shli %get3A_242, %shift_left3A_248 : vector<16xi32>
            %bitcast_convert_type3A_250 = tpu.bitcast %shift_left3A_249 : vector<16xi32> -> vector<16xf32>
            %mul3A_251 = arith.mulf %bitcast_convert_type3A_246, %bitcast_convert_type3A_250 : vector<16xf32>
            %add3A_252 = arith.addf %add3A_230, %mul3A_251 : vector<16xf32>
            %bitcast_convert_type3A_253 = tpu.bitcast %get3A_238 : vector<16xi32> -> vector<16xf32>
            %bitcast_convert_type3A_254 = tpu.bitcast %get3A_242 : vector<16xi32> -> vector<16xf32>
            %mul3A_255 = arith.mulf %bitcast_convert_type3A_253, %bitcast_convert_type3A_254 : vector<16xf32>
            %add3A_256 = arith.addf %add3A_234, %mul3A_255 : vector<16xf32>
            %get3A_257 = arith.index_cast %add3A_195 : i32 to index
            %get3A_258 = arith.constant 48 : index
            %get3A_259 = tpu.vector_load %arg10[%get3A_257, %get3A_258] {strides = array<i32>} : memref<128x128xi32, #tpu.memory_space<vmem>>, vector<1x16xi32>,
            %get3A_260 = vector.shape_cast %get3A_259 : vector<1x16xi32> to vector<16xi32>
            %get3A_261 = arith.index_cast %add3A_195 : i32 to index
            %get3A_262 = arith.constant 48 : index
            %get3A_263 = tpu.vector_load %arg11[%get3A_261, %get3A_262] {strides = array<i32>} : memref<128x128xi32, #tpu.memory_space<vmem>>, vector<1x16xi32>,
            %get3A_264 = vector.shape_cast %get3A_263 : vector<1x16xi32> to vector<16xi32>
            %shift_left3A_265 = arith.constant 16 : i32
            %shift_left3A_266 = vector.broadcast %shift_left3A_265 : i32 to vector<16xi32>
            %shift_left3A_267 = arith.shli %get3A_260, %shift_left3A_266 : vector<16xi32>
            %bitcast_convert_type3A_268 = tpu.bitcast %shift_left3A_267 : vector<16xi32> -> vector<16xf32>
            %shift_left3A_269 = arith.constant 16 : i32
            %shift_left3A_270 = vector.broadcast %shift_left3A_269 : i32 to vector<16xi32>
            %shift_left3A_271 = arith.shli %get3A_264, %shift_left3A_270 : vector<16xi32>
            %bitcast_convert_type3A_272 = tpu.bitcast %shift_left3A_271 : vector<16xi32> -> vector<16xf32>
            %mul3A_273 = arith.mulf %bitcast_convert_type3A_268, %bitcast_convert_type3A_272 : vector<16xf32>
            %add3A_274 = arith.addf %add3A_252, %mul3A_273 : vector<16xf32>
            %bitcast_convert_type3A_275 = tpu.bitcast %get3A_260 : vector<16xi32> -> vector<16xf32>
            %bitcast_convert_type3A_276 = tpu.bitcast %get3A_264 : vector<16xi32> -> vector<16xf32>
            %mul3A_277 = arith.mulf %bitcast_convert_type3A_275, %bitcast_convert_type3A_276 : vector<16xf32>
            %add3A_278 = arith.addf %add3A_256, %mul3A_277 : vector<16xf32>
            %get3A_279 = arith.index_cast %add3A_195 : i32 to index
            %get3A_280 = arith.constant 64 : index
            %get3A_281 = tpu.vector_load %arg10[%get3A_279, %get3A_280] {strides = array<i32>} : memref<128x128xi32, #tpu.memory_space<vmem>>, vector<1x16xi32>,
            %get3A_282 = vector.shape_cast %get3A_281 : vector<1x16xi32> to vector<16xi32>
            %get3A_283 = arith.index_cast %add3A_195 : i32 to index
            %get3A_284 = arith.constant 64 : index
            %get3A_285 = tpu.vector_load %arg11[%get3A_283, %get3A_284] {strides = array<i32>} : memref<128x128xi32, #tpu.memory_space<vmem>>, vector<1x16xi32>,
            %get3A_286 = vector.shape_cast %get3A_285 : vector<1x16xi32> to vector<16xi32>
            %shift_left3A_287 = arith.constant 16 : i32
            %shift_left3A_288 = vector.broadcast %shift_left3A_287 : i32 to vector<16xi32>
            %shift_left3A_289 = arith.shli %get3A_282, %shift_left3A_288 : vector<16xi32>
            %bitcast_convert_type3A_290 = tpu.bitcast %shift_left3A_289 : vector<16xi32> -> vector<16xf32>
            %shift_left3A_291 = arith.constant 16 : i32
            %shift_left3A_292 = vector.broadcast %shift_left3A_291 : i32 to vector<16xi32>
            %shift_left3A_293 = arith.shli %get3A_286, %shift_left3A_292 : vector<16xi32>
            %bitcast_convert_type3A_294 = tpu.bitcast %shift_left3A_293 : vector<16xi32> -> vector<16xf32>
            %mul3A_295 = arith.mulf %bitcast_convert_type3A_290, %bitcast_convert_type3A_294 : vector<16xf32>
            %add3A_296 = arith.addf %add3A_274, %mul3A_295 : vector<16xf32>
            %bitcast_convert_type3A_297 = tpu.bitcast %get3A_282 : vector<16xi32> -> vector<16xf32>
            %bitcast_convert_type3A_298 = tpu.bitcast %get3A_286 : vector<16xi32> -> vector<16xf32>
            %mul3A_299 = arith.mulf %bitcast_convert_type3A_297, %bitcast_convert_type3A_298 : vector<16xf32>
            %add3A_300 = arith.addf %add3A_278, %mul3A_299 : vector<16xf32>
            %get3A_301 = arith.index_cast %add3A_195 : i32 to index
            %get3A_302 = arith.constant 80 : index
            %get3A_303 = tpu.vector_load %arg10[%get3A_301, %get3A_302] {strides = array<i32>} : memref<128x128xi32, #tpu.memory_space<vmem>>, vector<1x16xi32>,
            %get3A_304 = vector.shape_cast %get3A_303 : vector<1x16xi32> to vector<16xi32>
            %get3A_305 = arith.index_cast %add3A_195 : i32 to index
            %get3A_306 = arith.constant 80 : index
            %get3A_307 = tpu.vector_load %arg11[%get3A_305, %get3A_306] {strides = array<i32>} : memref<128x128xi32, #tpu.memory_space<vmem>>, vector<1x16xi32>,
            %get3A_308 = vector.shape_cast %get3A_307 : vector<1x16xi32> to vector<16xi32>
            %shift_left3A_309 = arith.constant 16 : i32
            %shift_left3A_310 = vector.broadcast %shift_left3A_309 : i32 to vector<16xi32>
            %shift_left3A_311 = arith.shli %get3A_304, %shift_left3A_310 : vector<16xi32>
            %bitcast_convert_type3A_312 = tpu.bitcast %shift_left3A_311 : vector<16xi32> -> vector<16xf32>
            %shift_left3A_313 = arith.constant 16 : i32
            %shift_left3A_314 = vector.broadcast %shift_left3A_313 : i32 to vector<16xi32>
            %shift_left3A_315 = arith.shli %get3A_308, %shift_left3A_314 : vector<16xi32>
            %bitcast_convert_type3A_316 = tpu.bitcast %shift_left3A_315 : vector<16xi32> -> vector<16xf32>
            %mul3A_317 = arith.mulf %bitcast_convert_type3A_312, %bitcast_convert_type3A_316 : vector<16xf32>
            %add3A_318 = arith.addf %add3A_296, %mul3A_317 : vector<16xf32>
            %bitcast_convert_type3A_319 = tpu.bitcast %get3A_304 : vector<16xi32> -> vector<16xf32>
            %bitcast_convert_type3A_320 = tpu.bitcast %get3A_308 : vector<16xi32> -> vector<16xf32>
            %mul3A_321 = arith.mulf %bitcast_convert_type3A_319, %bitcast_convert_type3A_320 : vector<16xf32>
            %add3A_322 = arith.addf %add3A_300, %mul3A_321 : vector<16xf32>
            %get3A_323 = arith.index_cast %add3A_195 : i32 to index
            %get3A_324 = arith.constant 96 : index
            %get3A_325 = tpu.vector_load %arg10[%get3A_323, %get3A_324] {strides = array<i32>} : memref<128x128xi32, #tpu.memory_space<vmem>>, vector<1x16xi32>,
            %get3A_326 = vector.shape_cast %get3A_325 : vector<1x16xi32> to vector<16xi32>
            %get3A_327 = arith.index_cast %add3A_195 : i32 to index
            %get3A_328 = arith.constant 96 : index
            %get3A_329 = tpu.vector_load %arg11[%get3A_327, %get3A_328] {strides = array<i32>} : memref<128x128xi32, #tpu.memory_space<vmem>>, vector<1x16xi32>,
            %get3A_330 = vector.shape_cast %get3A_329 : vector<1x16xi32> to vector<16xi32>
            %shift_left3A_331 = arith.constant 16 : i32
            %shift_left3A_332 = vector.broadcast %shift_left3A_331 : i32 to vector<16xi32>
            %shift_left3A_333 = arith.shli %get3A_326, %shift_left3A_332 : vector<16xi32>
            %bitcast_convert_type3A_334 = tpu.bitcast %shift_left3A_333 : vector<16xi32> -> vector<16xf32>
            %shift_left3A_335 = arith.constant 16 : i32
            %shift_left3A_336 = vector.broadcast %shift_left3A_335 : i32 to vector<16xi32>
            %shift_left3A_337 = arith.shli %get3A_330, %shift_left3A_336 : vector<16xi32>
            %bitcast_convert_type3A_338 = tpu.bitcast %shift_left3A_337 : vector<16xi32> -> vector<16xf32>
            %mul3A_339 = arith.mulf %bitcast_convert_type3A_334, %bitcast_convert_type3A_338 : vector<16xf32>
            %add3A_340 = arith.addf %add3A_318, %mul3A_339 : vector<16xf32>
            %bitcast_convert_type3A_341 = tpu.bitcast %get3A_326 : vector<16xi32> -> vector<16xf32>
            %bitcast_convert_type3A_342 = tpu.bitcast %get3A_330 : vector<16xi32> -> vector<16xf32>
            %mul3A_343 = arith.mulf %bitcast_convert_type3A_341, %bitcast_convert_type3A_342 : vector<16xf32>
            %add3A_344 = arith.addf %add3A_322, %mul3A_343 : vector<16xf32>
            %get3A_345 = arith.index_cast %add3A_195 : i32 to index
            %get3A_346 = arith.constant 112 : index
            %get3A_347 = tpu.vector_load %arg10[%get3A_345, %get3A_346] {strides = array<i32>} : memref<128x128xi32, #tpu.memory_space<vmem>>, vector<1x16xi32>,
            %get3A_348 = vector.shape_cast %get3A_347 : vector<1x16xi32> to vector<16xi32>
            %get3A_349 = arith.index_cast %add3A_195 : i32 to index
            %get3A_350 = arith.constant 112 : index
            %get3A_351 = tpu.vector_load %arg11[%get3A_349, %get3A_350] {strides = array<i32>} : memref<128x128xi32, #tpu.memory_space<vmem>>, vector<1x16xi32>,
            %get3A_352 = vector.shape_cast %get3A_351 : vector<1x16xi32> to vector<16xi32>
            %shift_left3A_353 = arith.constant 16 : i32
            %shift_left3A_354 = vector.broadcast %shift_left3A_353 : i32 to vector<16xi32>
            %shift_left3A_355 = arith.shli %get3A_348, %shift_left3A_354 : vector<16xi32>
            %bitcast_convert_type3A_356 = tpu.bitcast %shift_left3A_355 : vector<16xi32> -> vector<16xf32>
            %shift_left3A_357 = arith.constant 16 : i32
            %shift_left3A_358 = vector.broadcast %shift_left3A_357 : i32 to vector<16xi32>
            %shift_left3A_359 = arith.shli %get3A_352, %shift_left3A_358 : vector<16xi32>
            %bitcast_convert_type3A_360 = tpu.bitcast %shift_left3A_359 : vector<16xi32> -> vector<16xf32>
            %mul3A_361 = arith.mulf %bitcast_convert_type3A_356, %bitcast_convert_type3A_360 : vector<16xf32>
            %add3A_362 = arith.addf %add3A_340, %mul3A_361 : vector<16xf32>
            %bitcast_convert_type3A_363 = tpu.bitcast %get3A_348 : vector<16xi32> -> vector<16xf32>
            %bitcast_convert_type3A_364 = tpu.bitcast %get3A_352 : vector<16xi32> -> vector<16xf32>
            %mul3A_365 = arith.mulf %bitcast_convert_type3A_363, %bitcast_convert_type3A_364 : vector<16xf32>
            %add3A_366 = arith.addf %add3A_344, %mul3A_365 : vector<16xf32>
            %add3A_367 = arith.addf %add3A_362, %add3A_366 : vector<16xf32>
            %add3A_368 = arith.constant 1 : i32
            %add3A_369 = arith.addi %add3A_193, %add3A_368 : i32
            %get3A_370 = arith.index_cast %add3A_369 : i32 to index
            %get3A_371 = arith.constant 0 : index
            %get3A_372 = tpu.vector_load %arg10[%get3A_370, %get3A_371] {strides = array<i32>} : memref<128x128xi32, #tpu.memory_space<vmem>>, vector<1x16xi32>,
            %get3A_373 = vector.shape_cast %get3A_372 : vector<1x16xi32> to vector<16xi32>
            %get3A_374 = arith.index_cast %add3A_369 : i32 to index
            %get3A_375 = arith.constant 0 : index
            %get3A_376 = tpu.vector_load %arg11[%get3A_374, %get3A_375] {strides = array<i32>} : memref<128x128xi32, #tpu.memory_space<vmem>>, vector<1x16xi32>,
            %get3A_377 = vector.shape_cast %get3A_376 : vector<1x16xi32> to vector<16xi32>
            %shift_left3A_378 = arith.constant 16 : i32
            %shift_left3A_379 = vector.broadcast %shift_left3A_378 : i32 to vector<16xi32>
            %shift_left3A_380 = arith.shli %get3A_373, %shift_left3A_379 : vector<16xi32>
            %bitcast_convert_type3A_381 = tpu.bitcast %shift_left3A_380 : vector<16xi32> -> vector<16xf32>
            %shift_left3A_382 = arith.constant 16 : i32
            %shift_left3A_383 = vector.broadcast %shift_left3A_382 : i32 to vector<16xi32>
            %shift_left3A_384 = arith.shli %get3A_377, %shift_left3A_383 : vector<16xi32>
            %bitcast_convert_type3A_385 = tpu.bitcast %shift_left3A_384 : vector<16xi32> -> vector<16xf32>
            %mul3A_386 = arith.mulf %bitcast_convert_type3A_381, %bitcast_convert_type3A_385 : vector<16xf32>
            %bitcast_convert_type3A_387 = tpu.bitcast %get3A_373 : vector<16xi32> -> vector<16xf32>
            %bitcast_convert_type3A_388 = tpu.bitcast %get3A_377 : vector<16xi32> -> vector<16xf32>
            %mul3A_389 = arith.mulf %bitcast_convert_type3A_387, %bitcast_convert_type3A_388 : vector<16xf32>
            %get3A_390 = arith.index_cast %add3A_369 : i32 to index
            %get3A_391 = arith.constant 16 : index
            %get3A_392 = tpu.vector_load %arg10[%get3A_390, %get3A_391] {strides = array<i32>} : memref<128x128xi32, #tpu.memory_space<vmem>>, vector<1x16xi32>,
            %get3A_393 = vector.shape_cast %get3A_392 : vector<1x16xi32> to vector<16xi32>
            %get3A_394 = arith.index_cast %add3A_369 : i32 to index
            %get3A_395 = arith.constant 16 : index
            %get3A_396 = tpu.vector_load %arg11[%get3A_394, %get3A_395] {strides = array<i32>} : memref<128x128xi32, #tpu.memory_space<vmem>>, vector<1x16xi32>,
            %get3A_397 = vector.shape_cast %get3A_396 : vector<1x16xi32> to vector<16xi32>
            %shift_left3A_398 = arith.constant 16 : i32
            %shift_left3A_399 = vector.broadcast %shift_left3A_398 : i32 to vector<16xi32>
            %shift_left3A_400 = arith.shli %get3A_393, %shift_left3A_399 : vector<16xi32>
            %bitcast_convert_type3A_401 = tpu.bitcast %shift_left3A_400 : vector<16xi32> -> vector<16xf32>
            %shift_left3A_402 = arith.constant 16 : i32
            %shift_left3A_403 = vector.broadcast %shift_left3A_402 : i32 to vector<16xi32>
            %shift_left3A_404 = arith.shli %get3A_397, %shift_left3A_403 : vector<16xi32>
            %bitcast_convert_type3A_405 = tpu.bitcast %shift_left3A_404 : vector<16xi32> -> vector<16xf32>
            %mul3A_406 = arith.mulf %bitcast_convert_type3A_401, %bitcast_convert_type3A_405 : vector<16xf32>
            %add3A_407 = arith.addf %mul3A_386, %mul3A_406 : vector<16xf32>
            %bitcast_convert_type3A_408 = tpu.bitcast %get3A_393 : vector<16xi32> -> vector<16xf32>
            %bitcast_convert_type3A_409 = tpu.bitcast %get3A_397 : vector<16xi32> -> vector<16xf32>
            %mul3A_410 = arith.mulf %bitcast_convert_type3A_408, %bitcast_convert_type3A_409 : vector<16xf32>
            %add3A_411 = arith.addf %mul3A_389, %mul3A_410 : vector<16xf32>
            %get3A_412 = arith.index_cast %add3A_369 : i32 to index
            %get3A_413 = arith.constant 32 : index
            %get3A_414 = tpu.vector_load %arg10[%get3A_412, %get3A_413] {strides = array<i32>} : memref<128x128xi32, #tpu.memory_space<vmem>>, vector<1x16xi32>,
            %get3A_415 = vector.shape_cast %get3A_414 : vector<1x16xi32> to vector<16xi32>
            %get3A_416 = arith.index_cast %add3A_369 : i32 to index
            %get3A_417 = arith.constant 32 : index
            %get3A_418 = tpu.vector_load %arg11[%get3A_416, %get3A_417] {strides = array<i32>} : memref<128x128xi32, #tpu.memory_space<vmem>>, vector<1x16xi32>,
            %get3A_419 = vector.shape_cast %get3A_418 : vector<1x16xi32> to vector<16xi32>
            %shift_left3A_420 = arith.constant 16 : i32
            %shift_left3A_421 = vector.broadcast %shift_left3A_420 : i32 to vector<16xi32>
            %shift_left3A_422 = arith.shli %get3A_415, %shift_left3A_421 : vector<16xi32>
            %bitcast_convert_type3A_423 = tpu.bitcast %shift_left3A_422 : vector<16xi32> -> vector<16xf32>
            %shift_left3A_424 = arith.constant 16 : i32
            %shift_left3A_425 = vector.broadcast %shift_left3A_424 : i32 to vector<16xi32>
            %shift_left3A_426 = arith.shli %get3A_419, %shift_left3A_425 : vector<16xi32>
            %bitcast_convert_type3A_427 = tpu.bitcast %shift_left3A_426 : vector<16xi32> -> vector<16xf32>
            %mul3A_428 = arith.mulf %bitcast_convert_type3A_423, %bitcast_convert_type3A_427 : vector<16xf32>
            %add3A_429 = arith.addf %add3A_407, %mul3A_428 : vector<16xf32>
            %bitcast_convert_type3A_430 = tpu.bitcast %get3A_415 : vector<16xi32> -> vector<16xf32>
            %bitcast_convert_type3A_431 = tpu.bitcast %get3A_419 : vector<16xi32> -> vector<16xf32>
            %mul3A_432 = arith.mulf %bitcast_convert_type3A_430, %bitcast_convert_type3A_431 : vector<16xf32>
            %add3A_433 = arith.addf %add3A_411, %mul3A_432 : vector<16xf32>
            %get3A_434 = arith.index_cast %add3A_369 : i32 to index
            %get3A_435 = arith.constant 48 : index
            %get3A_436 = tpu.vector_load %arg10[%get3A_434, %get3A_435] {strides = array<i32>} : memref<128x128xi32, #tpu.memory_space<vmem>>, vector<1x16xi32>,
            %get3A_437 = vector.shape_cast %get3A_436 : vector<1x16xi32> to vector<16xi32>
            %get3A_438 = arith.index_cast %add3A_369 : i32 to index
            %get3A_439 = arith.constant 48 : index
            %get3A_440 = tpu.vector_load %arg11[%get3A_438, %get3A_439] {strides = array<i32>} : memref<128x128xi32, #tpu.memory_space<vmem>>, vector<1x16xi32>,
            %get3A_441 = vector.shape_cast %get3A_440 : vector<1x16xi32> to vector<16xi32>
            %shift_left3A_442 = arith.constant 16 : i32
            %shift_left3A_443 = vector.broadcast %shift_left3A_442 : i32 to vector<16xi32>
            %shift_left3A_444 = arith.shli %get3A_437, %shift_left3A_443 : vector<16xi32>
            %bitcast_convert_type3A_445 = tpu.bitcast %shift_left3A_444 : vector<16xi32> -> vector<16xf32>
            %shift_left3A_446 = arith.constant 16 : i32
            %shift_left3A_447 = vector.broadcast %shift_left3A_446 : i32 to vector<16xi32>
            %shift_left3A_448 = arith.shli %get3A_441, %shift_left3A_447 : vector<16xi32>
            %bitcast_convert_type3A_449 = tpu.bitcast %shift_left3A_448 : vector<16xi32> -> vector<16xf32>
            %mul3A_450 = arith.mulf %bitcast_convert_type3A_445, %bitcast_convert_type3A_449 : vector<16xf32>
            %add3A_451 = arith.addf %add3A_429, %mul3A_450 : vector<16xf32>
            %bitcast_convert_type3A_452 = tpu.bitcast %get3A_437 : vector<16xi32> -> vector<16xf32>
            %bitcast_convert_type3A_453 = tpu.bitcast %get3A_441 : vector<16xi32> -> vector<16xf32>
            %mul3A_454 = arith.mulf %bitcast_convert_type3A_452, %bitcast_convert_type3A_453 : vector<16xf32>
            %add3A_455 = arith.addf %add3A_433, %mul3A_454 : vector<16xf32>
            %get3A_456 = arith.index_cast %add3A_369 : i32 to index
            %get3A_457 = arith.constant 64 : index
            %get3A_458 = tpu.vector_load %arg10[%get3A_456, %get3A_457] {strides = array<i32>} : memref<128x128xi32, #tpu.memory_space<vmem>>, vector<1x16xi32>,
            %get3A_459 = vector.shape_cast %get3A_458 : vector<1x16xi32> to vector<16xi32>
            %get3A_460 = arith.index_cast %add3A_369 : i32 to index
            %get3A_461 = arith.constant 64 : index
            %get3A_462 = tpu.vector_load %arg11[%get3A_460, %get3A_461] {strides = array<i32>} : memref<128x128xi32, #tpu.memory_space<vmem>>, vector<1x16xi32>,
            %get3A_463 = vector.shape_cast %get3A_462 : vector<1x16xi32> to vector<16xi32>
            %shift_left3A_464 = arith.constant 16 : i32
            %shift_left3A_465 = vector.broadcast %shift_left3A_464 : i32 to vector<16xi32>
            %shift_left3A_466 = arith.shli %get3A_459, %shift_left3A_465 : vector<16xi32>
            %bitcast_convert_type3A_467 = tpu.bitcast %shift_left3A_466 : vector<16xi32> -> vector<16xf32>
            %shift_left3A_468 = arith.constant 16 : i32
            %shift_left3A_469 = vector.broadcast %shift_left3A_468 : i32 to vector<16xi32>
            %shift_left3A_470 = arith.shli %get3A_463, %shift_left3A_469 : vector<16xi32>
            %bitcast_convert_type3A_471 = tpu.bitcast %shift_left3A_470 : vector<16xi32> -> vector<16xf32>
            %mul3A_472 = arith.mulf %bitcast_convert_type3A_467, %bitcast_convert_type3A_471 : vector<16xf32>
            %add3A_473 = arith.addf %add3A_451, %mul3A_472 : vector<16xf32>
            %bitcast_convert_type3A_474 = tpu.bitcast %get3A_459 : vector<16xi32> -> vector<16xf32>
            %bitcast_convert_type3A_475 = tpu.bitcast %get3A_463 : vector<16xi32> -> vector<16xf32>
            %mul3A_476 = arith.mulf %bitcast_convert_type3A_474, %bitcast_convert_type3A_475 : vector<16xf32>
            %add3A_477 = arith.addf %add3A_455, %mul3A_476 : vector<16xf32>
            %get3A_478 = arith.index_cast %add3A_369 : i32 to index
            %get3A_479 = arith.constant 80 : index
            %get3A_480 = tpu.vector_load %arg10[%get3A_478, %get3A_479] {strides = array<i32>} : memref<128x128xi32, #tpu.memory_space<vmem>>, vector<1x16xi32>,
            %get3A_481 = vector.shape_cast %get3A_480 : vector<1x16xi32> to vector<16xi32>
            %get3A_482 = arith.index_cast %add3A_369 : i32 to index
            %get3A_483 = arith.constant 80 : index
            %get3A_484 = tpu.vector_load %arg11[%get3A_482, %get3A_483] {strides = array<i32>} : memref<128x128xi32, #tpu.memory_space<vmem>>, vector<1x16xi32>,
            %get3A_485 = vector.shape_cast %get3A_484 : vector<1x16xi32> to vector<16xi32>
            %shift_left3A_486 = arith.constant 16 : i32
            %shift_left3A_487 = vector.broadcast %shift_left3A_486 : i32 to vector<16xi32>
            %shift_left3A_488 = arith.shli %get3A_481, %shift_left3A_487 : vector<16xi32>
            %bitcast_convert_type3A_489 = tpu.bitcast %shift_left3A_488 : vector<16xi32> -> vector<16xf32>
            %shift_left3A_490 = arith.constant 16 : i32
            %shift_left3A_491 = vector.broadcast %shift_left3A_490 : i32 to vector<16xi32>
            %shift_left3A_492 = arith.shli %get3A_485, %shift_left3A_491 : vector<16xi32>
            %bitcast_convert_type3A_493 = tpu.bitcast %shift_left3A_492 : vector<16xi32> -> vector<16xf32>
            %mul3A_494 = arith.mulf %bitcast_convert_type3A_489, %bitcast_convert_type3A_493 : vector<16xf32>
            %add3A_495 = arith.addf %add3A_473, %mul3A_494 : vector<16xf32>
            %bitcast_convert_type3A_496 = tpu.bitcast %get3A_481 : vector<16xi32> -> vector<16xf32>
            %bitcast_convert_type3A_497 = tpu.bitcast %get3A_485 : vector<16xi32> -> vector<16xf32>
            %mul3A_498 = arith.mulf %bitcast_convert_type3A_496, %bitcast_convert_type3A_497 : vector<16xf32>
            %add3A_499 = arith.addf %add3A_477, %mul3A_498 : vector<16xf32>
            %get3A_500 = arith.index_cast %add3A_369 : i32 to index
            %get3A_501 = arith.constant 96 : index
            %get3A_502 = tpu.vector_load %arg10[%get3A_500, %get3A_501] {strides = array<i32>} : memref<128x128xi32, #tpu.memory_space<vmem>>, vector<1x16xi32>,
            %get3A_503 = vector.shape_cast %get3A_502 : vector<1x16xi32> to vector<16xi32>
            %get3A_504 = arith.index_cast %add3A_369 : i32 to index
            %get3A_505 = arith.constant 96 : index
            %get3A_506 = tpu.vector_load %arg11[%get3A_504, %get3A_505] {strides = array<i32>} : memref<128x128xi32, #tpu.memory_space<vmem>>, vector<1x16xi32>,
            %get3A_507 = vector.shape_cast %get3A_506 : vector<1x16xi32> to vector<16xi32>
            %shift_left3A_508 = arith.constant 16 : i32
            %shift_left3A_509 = vector.broadcast %shift_left3A_508 : i32 to vector<16xi32>
            %shift_left3A_510 = arith.shli %get3A_503, %shift_left3A_509 : vector<16xi32>
            %bitcast_convert_type3A_511 = tpu.bitcast %shift_left3A_510 : vector<16xi32> -> vector<16xf32>
            %shift_left3A_512 = arith.constant 16 : i32
            %shift_left3A_513 = vector.broadcast %shift_left3A_512 : i32 to vector<16xi32>
            %shift_left3A_514 = arith.shli %get3A_507, %shift_left3A_513 : vector<16xi32>
            %bitcast_convert_type3A_515 = tpu.bitcast %shift_left3A_514 : vector<16xi32> -> vector<16xf32>
            %mul3A_516 = arith.mulf %bitcast_convert_type3A_511, %bitcast_convert_type3A_515 : vector<16xf32>
            %add3A_517 = arith.addf %add3A_495, %mul3A_516 : vector<16xf32>
            %bitcast_convert_type3A_518 = tpu.bitcast %get3A_503 : vector<16xi32> -> vector<16xf32>
            %bitcast_convert_type3A_519 = tpu.bitcast %get3A_507 : vector<16xi32> -> vector<16xf32>
            %mul3A_520 = arith.mulf %bitcast_convert_type3A_518, %bitcast_convert_type3A_519 : vector<16xf32>
            %add3A_521 = arith.addf %add3A_499, %mul3A_520 : vector<16xf32>
            %get3A_522 = arith.index_cast %add3A_369 : i32 to index
            %get3A_523 = arith.constant 112 : index
            %get3A_524 = tpu.vector_load %arg10[%get3A_522, %get3A_523] {strides = array<i32>} : memref<128x128xi32, #tpu.memory_space<vmem>>, vector<1x16xi32>,
            %get3A_525 = vector.shape_cast %get3A_524 : vector<1x16xi32> to vector<16xi32>
            %get3A_526 = arith.index_cast %add3A_369 : i32 to index
            %get3A_527 = arith.constant 112 : index
            %get3A_528 = tpu.vector_load %arg11[%get3A_526, %get3A_527] {strides = array<i32>} : memref<128x128xi32, #tpu.memory_space<vmem>>, vector<1x16xi32>,
            %get3A_529 = vector.shape_cast %get3A_528 : vector<1x16xi32> to vector<16xi32>
            %shift_left3A_530 = arith.constant 16 : i32
            %shift_left3A_531 = vector.broadcast %shift_left3A_530 : i32 to vector<16xi32>
            %shift_left3A_532 = arith.shli %get3A_525, %shift_left3A_531 : vector<16xi32>
            %bitcast_convert_type3A_533 = tpu.bitcast %shift_left3A_532 : vector<16xi32> -> vector<16xf32>
            %shift_left3A_534 = arith.constant 16 : i32
            %shift_left3A_535 = vector.broadcast %shift_left3A_534 : i32 to vector<16xi32>
            %shift_left3A_536 = arith.shli %get3A_529, %shift_left3A_535 : vector<16xi32>
            %bitcast_convert_type3A_537 = tpu.bitcast %shift_left3A_536 : vector<16xi32> -> vector<16xf32>
            %mul3A_538 = arith.mulf %bitcast_convert_type3A_533, %bitcast_convert_type3A_537 : vector<16xf32>
            %add3A_539 = arith.addf %add3A_517, %mul3A_538 : vector<16xf32>
            %bitcast_convert_type3A_540 = tpu.bitcast %get3A_525 : vector<16xi32> -> vector<16xf32>
            %bitcast_convert_type3A_541 = tpu.bitcast %get3A_529 : vector<16xi32> -> vector<16xf32>
            %mul3A_542 = arith.mulf %bitcast_convert_type3A_540, %bitcast_convert_type3A_541 : vector<16xf32>
            %add3A_543 = arith.addf %add3A_521, %mul3A_542 : vector<16xf32>
            %add3A_544 = arith.addf %add3A_539, %add3A_543 : vector<16xf32>
            %select_n3A_545 = arith.select %ne3A_176, %add3A_544, %add3A_367 : vector<16xi1>, vector<16xf32>
            %select_n3A_546 = arith.select %ne3A_176, %add3A_367, %add3A_544 : vector<16xi1>, vector<16xf32>
            %xor3A = arith.constant 1 : i32
            %xor3A_547 = vector.broadcast %xor3A : i32 to vector<16xi32>
            %xor3A_548 = arith.xori %iota3A, %xor3A_547 : vector<16xi32>
            %broadcast_in_dim3A_549 = vector.shape_cast %xor3A_548 : vector<16xi32> to vector<16x1xi32>
            %gather3A = vector.shape_cast %broadcast_in_dim3A_549 : vector<16x1xi32> to vector<16xi32>
            %gather3A_550 = tpu.dynamic_gather %select_n3A_546[%gather3A] in [0] : vector<16xf32>, vector<16xi32> -> vector<16xf32>
            %add3A_551 = arith.addf %select_n3A_545, %gather3A_550 : vector<16xf32>
            %xor3A_552 = arith.constant 2 : i32
            %xor3A_553 = vector.broadcast %xor3A_552 : i32 to vector<16xi32>
            %xor3A_554 = arith.xori %iota3A, %xor3A_553 : vector<16xi32>
            %broadcast_in_dim3A_555 = vector.shape_cast %xor3A_554 : vector<16xi32> to vector<16x1xi32>
            %gather3A_556 = vector.shape_cast %broadcast_in_dim3A_555 : vector<16x1xi32> to vector<16xi32>
            %gather3A_557 = tpu.dynamic_gather %add3A_551[%gather3A_556] in [0] : vector<16xf32>, vector<16xi32> -> vector<16xf32>
            %add3A_558 = arith.addf %add3A_551, %gather3A_557 : vector<16xf32>
            %xor3A_559 = arith.constant 4 : i32
            %xor3A_560 = vector.broadcast %xor3A_559 : i32 to vector<16xi32>
            %xor3A_561 = arith.xori %iota3A, %xor3A_560 : vector<16xi32>
            %broadcast_in_dim3A_562 = vector.shape_cast %xor3A_561 : vector<16xi32> to vector<16x1xi32>
            %gather3A_563 = vector.shape_cast %broadcast_in_dim3A_562 : vector<16x1xi32> to vector<16xi32>
            %gather3A_564 = tpu.dynamic_gather %add3A_558[%gather3A_563] in [0] : vector<16xf32>, vector<16xi32> -> vector<16xf32>
            %add3A_565 = arith.addf %add3A_558, %gather3A_564 : vector<16xf32>
            %xor3A_566 = arith.constant 8 : i32
            %xor3A_567 = vector.broadcast %xor3A_566 : i32 to vector<16xi32>
            %xor3A_568 = arith.xori %iota3A, %xor3A_567 : vector<16xi32>
            %broadcast_in_dim3A_569 = vector.shape_cast %xor3A_568 : vector<16xi32> to vector<16x1xi32>
            %gather3A_570 = vector.shape_cast %broadcast_in_dim3A_569 : vector<16x1xi32> to vector<16xi32>
            %gather3A_571 = tpu.dynamic_gather %add3A_565[%gather3A_570] in [0] : vector<16xf32>, vector<16xi32> -> vector<16xf32>
            %add3A_572 = arith.addf %add3A_565, %gather3A_571 : vector<16xf32>
            %eq3A_573 = vector.broadcast %scan3A_189 : i32 to vector<16xi32>
            %eq3A_574 = arith.cmpi eq, %shift_right_arithmetic3A_178, %eq3A_573 : vector<16xi32>
            %select_n3A_575 = arith.select %eq3A_574, %add3A_572, %scan3A_190 : vector<16xi1>, vector<16xf32>
            scf.yield %select_n3A_575 : vector<16xf32>
          }
          %scan3A_185 = arith.constant 8 : i32
          %swap3A = arith.index_cast %mul3A_170 : i32 to index
          %swap3A_186 = tpu.vector_load %arg13[%swap3A] {strides = array<i32>} : memref<128xf32, #tpu.memory_space<vmem>>, vector<16xf32>,
          %swap3A_187 = vector.shape_cast %swap3A_186 : vector<16xf32> to vector<16xf32>
          %swap3A_188 = vector.shape_cast %scan3A_184 : vector<16xf32> to vector<16xf32>
          tpu.vector_store %arg13[%swap3A], %swap3A_188 {strides = array<i32>} : memref<128xf32, #tpu.memory_space<vmem>>, vector<16xf32>,
        }
        %scan3A_165 = arith.constant 8 : i32
        %dma_start3A_166 = tpu.memref_slice %arg5[%mul3A_66] : memref<160000xf32, #tpu.memory_space<hbm>> -> memref<128xf32, #tpu.memory_space<hbm>>
        %dma_start3A_167 = tpu.memref_slice %arg5[%mul3A_66] : memref<160000xf32, #tpu.memory_space<hbm>> -> memref<128xf32, #tpu.memory_space<hbm>>
        tpu.enqueue_dma source(%arg13 : memref<128xf32, #tpu.memory_space<vmem>>) target(%dma_start3A_167 : memref<128xf32, #tpu.memory_space<hbm>>) target_semaphore(%arg19 : memref<!tpu.dma_semaphore, #tpu.memory_space<semaphore_mem>>)
      } else {
      }
    }
    %dma_wait3A_53 = arith.constant 0 : i32
    %dma_wait3A_54 = tpu.memref_slice %arg5[%dma_wait3A_53] : memref<160000xf32, #tpu.memory_space<hbm>> -> memref<128xf32, #tpu.memory_space<hbm>>
    %dma_wait3A_55 = arith.constant 0 : i32
    %dma_wait3A_56 = tpu.memref_slice %arg5[%dma_wait3A_55] : memref<160000xf32, #tpu.memory_space<hbm>> -> memref<128xf32, #tpu.memory_space<hbm>>
    tpu.wait_dma2 semaphore(%arg18 : memref<!tpu.dma_semaphore, #tpu.memory_space<semaphore_mem>>) src(%arg12 : memref<128xf32, #tpu.memory_space<vmem>>) dst(%dma_wait3A_56 : memref<128xf32, #tpu.memory_space<hbm>>)
    %dma_wait3A_57 = arith.constant 0 : i32
    %dma_wait3A_58 = tpu.memref_slice %arg5[%dma_wait3A_57] : memref<160000xf32, #tpu.memory_space<hbm>> -> memref<128xf32, #tpu.memory_space<hbm>>
    %dma_wait3A_59 = arith.constant 0 : i32
    %dma_wait3A_60 = tpu.memref_slice %arg5[%dma_wait3A_59] : memref<160000xf32, #tpu.memory_space<hbm>> -> memref<128xf32, #tpu.memory_space<hbm>>
    tpu.wait_dma2 semaphore(%arg19 : memref<!tpu.dma_semaphore, #tpu.memory_space<semaphore_mem>>) src(%arg13 : memref<128xf32, #tpu.memory_space<vmem>>) dst(%dma_wait3A_60 : memref<128xf32, #tpu.memory_space<hbm>>)
    return
  }
}

</mosaic_0001>

<sc_bundles>
// kernel: kernel.3.cloned.1.call-start
scs
__scs_entry_jumppad:
0x0: {  	(pc) =	sbr.rel $0x88, $3  }
0x1: {  	(tag) =	ssettag $0x0;
	lr =	simm.s32 $0x1  }
0x2: {  	[smem:$0x3F9E] =	sst lr;
	_ =	strace $0xD0000000  }
0x3: {  	_ = 	snop  }
0x4: {  	_ = 	snop  }
0x5: {  	_ = 	snop  }
0x6: {  	_ = 	snop  }
0x7: {  	_ = 	snop  }
__scs_overlays_trampoline_lowered:
0x8: {  	[smem:$0x3FAD] =	sst s0  }
0x9: {  	[smem:$0x3FAE] =	sst s1  }
0xa: {  	[smem:$0x3FAF] =	sst s2  }
0xb: {  	[smem:$0x3FB0] =	sst s3  }
0xc: {  	[smem:$0x3FB1] =	sst s4  }
0xd: {  	[smem:$0x3FB2] =	sst s5  }
0xe: {  	[smem:$0x3FB3] =	sst s6  }
0xf: {  	[smem:$0x3FB4] =	sst s7  }
0x10: {  	[smem:$0x3FB5] =	sst s8  }
0x11: {  	[smem:$0x3FB6] =	sst s9;
	s0 =	simm.s32 @!p0 $0x0  }
0x12: {  	s1 =	sld [smem:$0x3F9C];
	s0 =	simm.s32 @p0 $0x1  }
0x13: {  	[smem:$0x3FB7] =	sst s0;
	s0 =	simm.s32 @!p1 $0x0  }
0x14: {  	s2 =	sld [smem:$0x3F9B];
	s0 =	simm.s32 @p1 $0x1  }
0x15: {  	[smem:$0x3FB8] =	sst s0;
	s0 =	simm.s32 @!p2 $0x0  }
0x16: {  	s3 =	sld [smem:$0x3FDB];
	s0 =	simm.s32 @p2 $0x1  }
0x17: {  	s4 =	simm.s32 $0x1BF5;
	[smem:$0x3FBA] =	sst s0  }
0x18: {  	s0 =	sld [smem:$0x3F9D];
	_ =	swait.ge [sflag:s4], $0x0  }
0x19: {  	s7 =	sld [smem:$0x3F9E]  }
0x1a: {  	s8 =	sadd.s32 $0xFFFFE003, lr  }
0x1b: {  	s9 =	sadd.s32 $0xFFFFFEF7, lr;
	s5 =	simm.s32 $0xFFFFFFFF;
	p2 =	slt.u32 s8, $0xFFFFF086  }
0x1c: {  	p1 =	slt.u32 s9, $0xF7A;
	s5 =	simm.s32 @!p2 $0x0  }
0x1d: {  	s5 =	simm.s32 @p1 $0x1;
	p0 =	seq.s32 s7, s2  }
0x1e: {  	s7 =	smul.u32 @!p0 $0xF7A, s2;
	p2 =	seq.s32 @!p0 s5, $0x0  }
0x1f: {  	s9 =	smul.u32 $0xF7A, s1;
	s8 =	simm.s32 @!p0 $0x1BF5;
	p2 =	por !p2, p0  }
0x20: {  	[sflag:s8] =	ssyncset.s32 @!p0 $0xFFFFF086;
	s6 =	sadd.s32 @!p0 s3, s7;
	s7 =	simm.s32 @!p0 $0x108  }
0x21: {  	s3 =	sadd.s32 s3, s9;
	s6 =	sadd.s32 @!p0 $0x88, s6;
	s7 =	simm.s32 @p2 $0x1082  }
0x22: {  	[simem:s7], [sflag:s8] =	dma.local @!p0 [hbm:s6], $0xF7A  }
0x23: {  	s9 =	sor.u32 $0xD0000000, s2;
	s6 =	simm.s32 $0x108;
	_ =	swait.ge @!p0 [sflag:s8], $0x0  }
0x24: {  	s3 =	sadd.s32 $0x88, s3;
	s6 =	simm.s32 @!p1 $0x1082;
	[sflag:s4] =	ssyncset.s32 $0xFFFFF086  }
0x25: {  	[simem:s6], [sflag:s4] =	dma.local [hbm:s3], $0xF7A  }
0x26: {  	[smem:$0x3F9E] =	sst s1;
	(tag) =	ssettag s2;
	_ =	strace s9  }
0x27: {  	s1 =	sld [smem:$0x3FAE]  }
0x28: {  	s2 =	sld [smem:$0x3FAF]  }
0x29: {  	s4 =	sld [smem:$0x3FB1]  }
0x2a: {  	p0 =	seq.s32 s5, $0x0;
	s5 =	sld [smem:$0x3FB2]  }
0x2b: {  	s6 =	sld [smem:$0x3FB3]  }
0x2c: {  	s7 =	sld [smem:$0x3FB4]  }
0x2d: {  	s3 =	simm.s32 $0x108;
	s8 =	sld [smem:$0x3FB5]  }
0x2e: {  	s3 =	simm.s32 @!p0 $0x1082;
	s9 =	sld [smem:$0x3FB6]  }
0x2f: {  	lr =	sadd.s32 s0, s3;
	s0 =	sld [smem:$0x3FAD]  }
0x30: {  	s3 =	sld [smem:$0x3FB0]  }
0x31: {  	[smem:$0x3FB9] =	sst s10  }
0x32: {  	s10 =	sld [smem:$0x3FB7];
	_ =	sdelay $0x3  }
0x33: {  	p0 =	seq.s32 s10, $0x1;
	s10 =	sld [smem:$0x3FB9];
	_ =	sdelay $0x3  }
0x34: {  	[smem:$0x3FB9] =	sst s10  }
0x35: {  	s10 =	sld [smem:$0x3FB8];
	_ =	sdelay $0x3  }
0x36: {  	p1 =	seq.s32 s10, $0x1;
	s10 =	sld [smem:$0x3FB9];
	_ =	sdelay $0x3  }
0x37: {  	[smem:$0x3FB9] =	sst s10  }
0x38: {  	s10 =	sld [smem:$0x3FBA]  }
0x39: {  	_ = 	snop;
	(pc) =	sbr.ind lr, $3  }
0x3a: {  	_ = 	snop  }
0x3b: {  	_ = 	snop  }
0x3c: {  	p2 =	seq.s32 s10, $0x1;
	s10 =	sld [smem:$0x3FB9]  }
0x3d: {  	_ =	shalt  }
0x3e: {  	_ =	shalt  }
0x3f: {  	_ =	shalt  }
0x40: {  	_ =	shalt  }
0x41: {  	_ =	shalt  }
0x42: {  	_ =	shalt  }
0x43: {  	_ =	shalt  }
0x44: {  	_ =	shalt  }
0x45: {  	_ =	shalt  }
0x46: {  	_ =	shalt  }
0x47: {  	_ =	shalt  }
0x48: {  	_ =	shalt  }
0x49: {  	_ =	shalt  }
0x4a: {  	_ =	shalt  }
0x4b: {  	_ =	shalt  }
0x4c: {  	_ =	shalt  }
0x4d: {  	_ =	shalt  }
0x4e: {  	_ =	shalt  }
0x4f: {  	_ =	shalt  }
0x50: {  	_ =	shalt  }
0x51: {  	_ =	shalt  }
0x52: {  	_ =	shalt  }
0x53: {  	_ =	shalt  }
0x54: {  	_ =	shalt  }
0x55: {  	_ =	shalt  }
0x56: {  	_ =	shalt  }
0x57: {  	_ =	shalt  }
0x58: {  	_ =	shalt  }
0x59: {  	_ =	shalt  }
0x5a: {  	_ =	shalt  }
0x5b: {  	_ =	shalt  }
0x5c: {  	_ =	shalt  }
0x5d: {  	_ =	shalt  }
0x5e: {  	_ =	shalt  }
0x5f: {  	_ =	shalt  }
0x60: {  	_ =	shalt  }
0x61: {  	_ =	shalt  }
0x62: {  	_ =	shalt  }
0x63: {  	_ =	shalt  }
0x64: {  	_ =	shalt  }
0x65: {  	_ =	shalt  }
0x66: {  	_ =	shalt  }
0x67: {  	_ =	shalt  }
0x68: {  	_ =	shalt  }
0x69: {  	_ =	shalt  }
0x6a: {  	_ =	shalt  }
0x6b: {  	_ =	shalt  }
0x6c: {  	_ =	shalt  }
0x6d: {  	_ =	shalt  }
0x6e: {  	_ =	shalt  }
0x6f: {  	_ =	shalt  }
0x70: {  	_ =	shalt  }
0x71: {  	_ =	shalt  }
0x72: {  	_ =	shalt  }
0x73: {  	_ =	shalt  }
0x74: {  	_ =	shalt  }
0x75: {  	_ =	shalt  }
0x76: {  	_ =	shalt  }
0x77: {  	_ =	shalt  }
0x78: {  	_ =	shalt  }
0x79: {  	_ =	shalt  }
0x7a: {  	_ =	shalt  }
0x7b: {  	_ =	shalt  }
0x7c: {  	_ =	shalt  }
0x7d: {  	_ =	shalt  }
0x7e: {  	_ =	shalt  }
0x7f: {  	_ =	shalt  }
0x80: {  	_ =	shalt  }
0x81: {  	_ =	shalt  }
0x82: {  	_ =	shalt  }
0x83: {  	_ =	shalt  }
0x84: {  	_ =	shalt  }
0x85: {  	_ =	shalt  }
0x86: {  	_ =	shalt  }
0x87: {  	_ =	shalt  }
.Lfunc_end0:
.L_simem_size_0:
called_computation_lowered:
.L_overlay_start_0:
0x88: {  	s2 =	sld [smem:$0x3FD9]  }
0x89: {  	s3 =	sld [smem:$0x3FFE];
	_ =	sdelay $0x1  }
0x8a: {  	s1 =	srdreg.scid  }
0x8b: {  	s0 =	sand.u32 $0x1, s1  }
0x8c: {  	s17 =	sshll.u32 s0, $0xA;
	s2 =	sadd.s32 s3, s2  }
0x8d: {  	s2 =	sadd.s32 s2, s17  }
0x8e: {  	[smem:$0x3FC5] =	sst s2  }
0x8f: {  	_ = 	snop  }
0x90: {  	s2 =	sld [smem:$0x3FC7];
	(tm) =	ssettm $0x1  }
0x91: {  	s18 =	sld [smem:$0x3FFB];
	_ =	sdelay $0x3  }
0x92: {  	_ =	strace s18  }
0x93: {  	s3 =	sld [smem:$0x3FFC];
	_ =	sdelay $0x3  }
0x94: {  	_ =	strace s3  }
0x95: {  	s3 =	sld [smem:$0x3FFD];
	_ =	sdelay $0x3  }
0x96: {  	_ =	strace s3  }
0x97: {  	_ =	strace $0x8FFFFFFF  }
0x98: {  	s19 =	sld [smem:$0x3FDB];
	_ =	sdelay $0x1  }
0x99: {  	s4 =	simm.s32 $_scs_section_size  }
0x9a: {  	s5 =	simm.s32 $_size__tile_overlayer_lowered;
	s6 =	simm.s32 $_tile_overlayer_lowered  }
0x9b: {  	s22 =	simm.s32 $0x1BFF;
	s21 =	sshll.u32 s6, $0x1;
	s3 =	sadd.s32 s4, s19  }
0x9c: {  	s7 =	simm.s32 $0x0;
	s20 =	sshll.u32 s5, $0x1;
	s5 =	sadd.s32 s21, s3  }
0x9d: {  	[timem:s7], [sflag:s22] =	dma.local [hbm:s5], s20  }
0x9e: {  	_ =	swait.ge [sflag:s22], s20  }
0x9f: {  	s4 =	ssub.s32 $0x0, s20;
	[sflag:s22] =	ssyncset.done $0x0  }
0xa0: {  	[sflag:s22] =	ssyncadd.s32 s4;
	_ =	sdelay $0x1  }
0xa1: {  	s23 =	simm.s32 $0x1B8B  }
0xa2: {  	_ =	swait.ge [sflag:s23], $0x1  }
0xa3: {  	[sflag:s23] =	ssyncset.done $0x0  }
0xa4: {  	s25 =	simm.s32 $0x1B8E;
	s24 =	sld [smem:$0x3FFE];
	[sflag:s23] =	ssyncadd.s32 $0xFFFFFFFF  }
0xa5: {  	s26 =	simm.s32 $execute0_lowered;
	[smem:$0x3FD2] =	sst s25  }
0xa6: {  	s5 =	sshll.u32 s26, $0x1;
	_ =	strace $0x80000046;
	[dreg:$0x1] =	wrdreg $0xFFFFFFFF  }
0xa7: {  	s28 =	simm.s32 $_size_execute0_lowered;
	s3 =	sadd.s32 s3, s5;
	[dreg:$0x0] =	wrdreg $0x0  }
0xa8: {  	s5 =	sshll.u32 s28, $0x1;
	[dreg:$0x2] =	wrdreg s3  }
0xa9: {  	[dreg:$0x3] =	wrdreg s5  }
0xaa: {  	[dreg:$0x4] =	wrdreg $0xC0  }
0xab: {  	_ =	task [dreg:s7], $0x5FFFF  }
0xac: {  	[dreg:$0x1] =	wrdreg $0xFFFFFFFF  }
0xad: {  	[dreg:$0x0] =	wrdreg $0x60  }
0xae: {  	[dreg:$0x2] =	wrdreg s24  }
0xaf: {  	[dreg:$0x3] =	wrdreg s2  }
0xb0: {  	[dreg:$0x4] =	wrdreg $0x9  }
0xb1: {  	_ =	task.clear_ibuf [dreg:s7], $0x5FFFF;
	_ =	strace $0x90000046  }
0xb2: {  	s29 =	simm.s32 $0x9;
	_ =	strace $0x80000048  }
0xb3: {  	_ =	swait.ge [sflag:s29], $0x1  }
0xb4: {  	[sflag:s29] =	ssyncadd.s32 $0xFFFFFFFF  }
0xb5: {  	_ =	strace $0x90000048  }
0xb6: {  	_ =	sfence  }
0xb7: {  	s30 =	sld [smem:$0x0];
	_ =	sdelay $0x2  }
0xb8: {  	s31 =	sshll.u32 s1, $0xD;
	s1 =	sshrl.u32 s1, $0x2  }
0xb9: {  	s3 =	sand.u32 $0x4000, s31;
	s1 =	sadd.s32 s1, s30  }
0xba: {  	s0 =	sor.u32 s3, s0;
	s1 =	sshll.u32 s1, $0x11  }
0xbb: {  	s0 =	sor.u32 s1, s0  }
0xbc: {  	s0 =	sadd.s32 $0x8F2B, s0  }
0xbd: {  	[sflag:s0] =	ssyncadd.remote.s32 $0x1  }
0xbe: {  	_ =	sfence.sel $0xFFFF  }
0xbf: {  	[dreg:$0x0] =	wrdreg $0xFFFFFFFF;
	(pc) =	sbr.abs _section_cstart, $3  }
0xc0: {  	[dreg:$0x1] =	wrdreg $0xFFFFFFFF  }
0xc1: {  	_ =	task.clear_ibuf [dreg:s7], $0x2FFFF;
	_ =	strace $0x9FFFFFFF  }
0xc2: {  	(tm) =	ssettm $0x7FFFFFFF  }
0xc3: {  	_ =	shalt  }
tec
execute0_lowered:
.L_overlay_start_1:
0x0: {  	(tag) =	ssettag $0x1  }
0x1: {  	vm0 =	vcmask $0xB08;
	vm1 =	vcmask $0x300  }
0x2: {  	v0 =	vimm.s32 $0xEFCDAB89;
	v1 =	vimm.s32 $0x67452301;
	v2 =	vimm.s32 $0xDCFE98BA  }
0x3: {  	v3 =	vimm.s32 $0x54761032;
	v4 =	vimm.s32 $0xFEDCBA98;
	v5 =	vimm.s32 $0x76543210  }
0x4: {  	vm0 =	vmor vm1, vm0;
	v0 =	vunpack.c.l.s4.s8 v0;
	v1 =	vunpack.c.l.s4.s8 v1  }
0x5: {  	s0 =	rddreg [dreg:$0x0];
	vm1 =	vcmask $0x1310;
	v2 =	vunpack.c.l.s4.s8 v2;
	v3 =	vunpack.c.l.s4.s8 v3  }
0x6: {  	s1 =	rddreg [dreg:$0x1];
	s2 =	simm.s32 $0x0;
	s3 =	srdreg.scid;
	vm0 =	vmor vm0, vm1;
	v0 =	vunpack.c.0.s8.s32 v0;
	v1 =	vunpack.c.0.s8.s32 v1  }
0x7: {  	s8 =	stileid.u32;
	s13 =	simm.s32 $0x100;
	s14 =	simm.s32 $0x7;
	vm1 =	vcmask $0x1B18;
	v2 =	vunpack.c.0.s8.s32 v2;
	v3 =	vunpack.c.0.s8.s32 v3  }
0x8: {  	s15 =	simm.s32 $0x80;
	s17 =	simm.s32 $0x4200;
	s18 =	simm.s32 $0x10200;
	v4 =	vunpack.c.l.s4.s8 v4;
	vm0 =	vmor vm0, vm1;
	v0 =	vcombine.low v1, v0  }
0x9: {  	s19 =	simm.s32 $0x5;
	s20 =	simm.s32 $0x6;
	s21 =	simm.s32 $0x10280;
	v1 =	vcombine.low v3, v2;
	v2 =	vimm.s32 $0xBA98FEDC;
	v3 =	vimm.s32 $0x32107654  }
0xa: {  	s22 =	simm.s32 $0x0;
	[smem:$0x7FF] =	sst s2;
	s4 =	sadd.s32 $0x27A00, s0;
	vm1 =	vcmask $0x2320;
	v2 =	vunpack.c.l.s4.s8 v2;
	v3 =	vunpack.c.l.s4.s8 v3  }
0xb: {  	s3 =	sand.u32 $0x1, s3;
	s6 =	sshll.u32 s8, $0x1;
	s5 =	sadd.s32 $0x800, s0;
	v5 =	vunpack.c.l.s4.s8 v5;
	v4 =	vunpack.c.0.s8.s32 v4;
	vm0 =	vmor vm0, vm1  }
.Ltmp0:
0xc: {  	p0 =	seq.s32 s8, $0x0;
	s8 =	simm.s32 $0x28;
	vm1 =	vcmask $0x2B28;
	v2 =	vunpack.c.0.s8.s32 v2;
	v3 =	vunpack.c.0.s8.s32 v3;
	(pc) =	sbr.rel .LBB2_1-.Ltmp0, $4  }
0xd: {  	_ =	strace $0x80000047;
	s10 =	ssub.s32 $0x2, s3;
	s3 =	sor.u32 s3, s6;
	v5 =	vunpack.c.0.s8.s32 v5;
	vm0 =	vmor vm0, vm1;
	vm1 =	vcmask $0x3330  }
0xe: {  	s6 =	sadd.s32 $0x4EC00, s0;
	s31 =	sshrl.u32 s10, $0x1;
	s7 =	sshll.u32 s3, $0x5;
	vm0 =	vmor vm0, vm1;
	v2 =	vcombine.low v3, v2;
	v3 =	vand.u32 $0xF, v4  }
0xf: {  	s8 =	simm.s32 @!p0 $0x27;
	s9 =	sadd.s32 s1, s7;
	s0 =	ssub.s32 s10, s31;
	vm1 =	vcmask $0x3B38;
	v4 =	vlaneseq.u32;
	v3 =	vcombine.low v3, v5  }
0x10: {  	s11 =	sshll.u32 s3, $0x7;
	s10 =	sadd.s32 $0x400, s9;
	s12 =	smax.u32 s0, $0x1;
	vm0 =	vmor vm0, vm1;
	v4 =	vshrl.u32 v4, $0x1  }
.LBB2_17:
0x11: {  	s22 =	sadd.s32 $0x1, s22  }
0x12: {  	_ =	swait.ge [sflag:s19], $0x80;
	p0 =	sne.s32 s22, s12  }
.Ltmp1:
0x13: {  	[sflag:s19] =	ssyncset.done $0x0;
	(pc) =	sbr.rel @!p0 .LBB2_18-.Ltmp1, $4  }
0x14: {  	[sflag:s19] =	ssyncadd.s32 $0xFFFFFF80  }
0x15: {  	_ =	swait.ge [sflag:s20], $0x80  }
0x16: {  	[sflag:s20] =	ssyncset.done $0x0  }
0x17: {  	[sflag:s20] =	ssyncadd.s32 $0xFFFFFF80  }
.LBB2_1:
0x18: {  	[tilespmem:s2], [sflag:$0x7] =	stream.linear.gather [hbm4b:s9+s2], $0x100, $0x38;
	[tilespmem:$0x10300] =	vst v63  }
0x19: {  	_ = 	snop  }
0x1a: {  	[tilespmem:s13], [sflag:$0x8] =	stream.linear.gather [hbm4b:s10+s2], $0x100, $0x38;
	[tilespmem:$0x10300] =	vst v63  }
0x1b: {  	_ =	swait.ge [sflag:s14], $0x100  }
.Ltmp2:
0x1c: {  	[sflag:s14] =	ssyncset.done $0x0;
	(pc) =	sbr.rel .LBB2_2-.Ltmp2, $4  }
0x1d: {  	s0 =	simm.s32 $0x200;
	[sflag:s14] =	ssyncadd.s32 $0xFFFFFF00  }
0x1e: {  	[tilespmem:s0], [sflag:$0x1] =	stream.indirect.gather [hbm4b:s4+s15], $0x80, s2, s15, $0xb8;
	[tilespmem:$0x10300] =	vst v63  }
0x1f: {  	s25 =	simm.s32 $0x0  }
0x20: {  	[tilespmem:s17], [sflag:$0x2] =	stream.indirect.gather [hbm4b:s5+s15], $0x80, s15, s15, $0xb8;
	[tilespmem:$0x10300] =	vst v63  }
.LBB2_16:
0x21: {  	p0 =	sne.s32 s23, s8  }
.Ltmp3:
0x22: {  	_ = 	snop;
	(pc) =	sbr.rel @!p0 .LBB2_17-.Ltmp3, $2  }
0x23: {  	_ =	sdelay $0x2  }
0x24: {  	s25 =	smov.u32 s23  }
.LBB2_2:
0x25: {  	s0 =	sand.u32 $0x1, s25  }
0x26: {  	s3 =	simm.s32 $0x1;
	p0 =	seq.s32 s0, $0x0  }
0x27: {  	s3 =	simm.s32 @!p0 $0x3  }
0x28: {  	s23 =	sadd.s32 $0x1, s25;
	_ =	swait.ge [sflag:s3], $0x4000  }
0x29: {  	s16 =	simm.s32 $0x2;
	p1 =	sge.u32 s23, s8;
	[sflag:s3] =	ssyncset.done $0x0  }
0x2a: {  	s16 =	simm.s32 @!p0 $0x4;
	[sflag:s3] =	ssyncadd.s32 $0xFFFFC000;
	s3 =	sand.u32 @!p1 $0x1, s23  }
0x2b: {  	_ =	swait.ge [sflag:s16], $0x4000;
	p2 =	seq.s32 @!p1 s3, $0x1  }
0x2c: {  	[sflag:s16] =	ssyncset.done $0x0;
	p3 =	por !p2, p1  }
0x2d: {  	[sflag:s16] =	ssyncadd.s32 $0xFFFFC000;
	s3 =	simm.s32 @!p3 $0x8  }
0x2e: {  	_ =	swait.ge @!p3 [sflag:s3], $0x100  }
0x2f: {  	s16 =	simm.s32 @!p3 $0x100;
	[sflag:s3] =	ssyncset.done @!p3 $0x0  }
0x30: {  	s24 =	simm.s32 @!p3 $0x8200;
	[sflag:s3] =	ssyncadd.s32 @!p3 $0xFFFFFF00;
	s3 =	simm.s32 @!p3 $0x80  }
0x31: {  	[tilespmem:s24], [sflag:$0x3] =	stream.indirect.gather @!p3 [hbm4b:s4+s3], $0x80, s16, s3, $0xb8;
	[tilespmem:$0x10300] =	vst v63  }
0x32: {  	p1 =	por p2, p1;
	s16 =	simm.s32 @!p3 $0x180;
	s24 =	simm.s32 @!p3 $0xC200  }
0x33: {  	[tilespmem:s24], [sflag:$0x4] =	stream.indirect.gather @!p3 [hbm4b:s5+s3], $0x80, s16, s3, $0xb8;
	[tilespmem:$0x10300] =	vst v63  }
0x34: {  	s3 =	simm.s32 @!p1 $0x7  }
0x35: {  	_ =	swait.ge @!p1 [sflag:s3], $0x100  }
0x36: {  	s16 =	simm.s32 @!p1 $0x0;
	[sflag:s3] =	ssyncset.done @!p1 $0x0  }
0x37: {  	s24 =	simm.s32 @!p1 $0x200;
	[sflag:s3] =	ssyncadd.s32 @!p1 $0xFFFFFF00;
	s3 =	simm.s32 @!p1 $0x80  }
0x38: {  	[tilespmem:s24], [sflag:$0x1] =	stream.indirect.gather @!p1 [hbm4b:s4+s3], $0x80, s16, s3, $0xb8;
	[tilespmem:$0x10300] =	vst v63  }
0x39: {  	s16 =	simm.s32 @!p1 $0x4200  }
0x3a: {  	[tilespmem:s16], [sflag:$0x2] =	stream.indirect.gather @!p1 [hbm4b:s5+s3], $0x80, s3, s3, $0xb8;
	[tilespmem:$0x10300] =	vst v63  }
0x3b: {  	s3 =	sadd.s32 $0x2, s25  }
0x3c: {  	p1 =	sge.u32 s3, s8  }
.Ltmp4:
0x3d: {  	_ = 	snop;
	(pc) =	sbr.rel @p1 .LBB2_5-.Ltmp4, $3  }
0x3e: {  	_ =	sdelay $0x1  }
0x3f: {  	s31 =	sshll.u32 s25, $0xC  }
0x40: {  	s24 =	sor.u32 s11, s31  }
0x41: {  	s3 =	sshll.u32 s3, $0xA  }
0x42: {  	p1 =	seq.s32 s0, $0x1;
	s3 =	sor.u32 s7, s3  }
0x43: {  	s16 =	sand.u32 @!p1 $0x1FFFFBE0, s3  }
0x44: {  	p2 =	seq.s32 @!p1 s0, $0x0;
	s26 =	simm.s32 @!p1 $0x0;
	s16 =	sadd.s32 @!p1 s1, s16  }
0x45: {  	[tilespmem:s26], [sflag:$0x7] =	stream.linear.gather @!p1 [hbm4b:s16+s26], $0x100, $0x38;
	[tilespmem:$0x10300] =	vst v63  }
0x46: {  	p1 =	por p1, !p2  }
.Ltmp5:
0x47: {  	_ = 	snop;
	(pc) =	sbr.rel @!p1 .LBB2_6-.Ltmp5, $1  }
0x48: {  	_ =	sdelay $0x3  }
0x49: {  	s3 =	sand.u32 $0x1FFFFFE0, s3  }
0x4a: {  	s3 =	sadd.s32 s1, s3  }
0x4b: {  	[tilespmem:s13], [sflag:$0x8] =	stream.linear.gather [hbm4b:s3+s2], $0x100, $0x38;
	[tilespmem:$0x10300] =	vst v63  }
.LBB2_5:
0x4c: {  	p1 =	sne.s32 s0, $0x0  }
.Ltmp6:
0x4d: {  	_ = 	snop;
	(pc) =	sbr.rel @p1 .LBB2_11-.Ltmp6, $1  }
0x4e: {  	_ =	sdelay $0x3  }
.LBB2_6:
0x4f: {  	p1 =	slt.u32 s25, $0x2  }
0x50: {  	s0 =	simm.s32 @!p1 $0x5  }
0x51: {  	_ =	swait.ge @!p1 [sflag:s0], $0x80  }
0x52: {  	s26 =	simm.s32 $0x0;
	s28 =	simm.s32 $0x4280;
	[sflag:s0] =	ssyncset.done @!p1 $0x0  }
0x53: {  	s29 =	simm.s32 $0x280;
	s30 =	simm.s32 $0x0;
	[sflag:s0] =	ssyncadd.s32 @!p1 $0xFFFFFF80  }
.LBB2_7:
0x54: {  	v5 =	vld [tilespmem:s29+$0xFFFFFFF0]  }
0x55: {  	v6 =	vld [tilespmem:s28+$0xFFFFFFF0]  }
0x56: {  	v7 =	vld [tilespmem:s29+$0x70]  }
0x57: {  	v8 =	vld [tilespmem:s28+$0x70]  }
0x58: {  	v9 =	vld [tilespmem:s29+$0xFFFFFFE0]  }
0x59: {  	v10 =	vld [tilespmem:s28+$0xFFFFFFE0]  }
0x5a: {  	v11 =	vld [tilespmem:s29+$0x60]  }
0x5b: {  	v12 =	vld [tilespmem:s28+$0x60]  }
0x5c: {  	v13 =	vld [tilespmem:s29+$0xFFFFFFD0]  }
0x5d: {  	v14 =	vld [tilespmem:s28+$0xFFFFFFD0]  }
0x5e: {  	v15 =	vld [tilespmem:s29+$0x50]  }
0x5f: {  	v16 =	vld [tilespmem:s28+$0x50]  }
0x60: {  	v17 =	vld [tilespmem:s29+$0xFFFFFFC0]  }
0x61: {  	v18 =	vld [tilespmem:s28+$0xFFFFFFC0]  }
0x62: {  	v19 =	vld [tilespmem:s29+$0x40]  }
0x63: {  	v20 =	vld [tilespmem:s28+$0x40]  }
0x64: {  	v21 =	vld [tilespmem:s29+$0xFFFFFFB0]  }
0x65: {  	v22 =	vld [tilespmem:s28+$0xFFFFFFB0]  }
0x66: {  	v23 =	vld [tilespmem:s29+$0x30]  }
0x67: {  	v24 =	vld [tilespmem:s28+$0x30]  }
0x68: {  	v25 =	vld [tilespmem:s29+$0xFFFFFFA0]  }
0x69: {  	v26 =	vld [tilespmem:s28+$0xFFFFFFA0]  }
0x6a: {  	v27 =	vld [tilespmem:s29+$0x20]  }
0x6b: {  	v29 =	vld [tilespmem:s28+$0x20];
	v28 =	vmul.f32 v6, v5  }
0x6c: {  	v31 =	vld [tilespmem:s29+$0xFFFFFF80];
	v30 =	vmul.f32 v8, v7;
	v5 =	vshll.u32 v5, $0x10;
	v6 =	vshll.u32 v6, $0x10  }
0x6d: {  	v33 =	vld [tilespmem:s28+$0xFFFFFF80];
	v7 =	vshll.u32 v7, $0x10;
	v8 =	vshll.u32 v8, $0x10;
	v32 =	vmul.f32 v10, v9  }
0x6e: {  	v35 =	vld [tilespmem:s29+$0xFFFFFF90];
	v34 =	vmul.f32 v12, v11;
	v9 =	vshll.u32 v9, $0x10;
	v10 =	vshll.u32 v10, $0x10  }
0x6f: {  	v37 =	vld [tilespmem:s28+$0xFFFFFF90];
	v11 =	vshll.u32 v11, $0x10;
	v12 =	vshll.u32 v12, $0x10;
	v36 =	vmul.f32 v14, v13  }
0x70: {  	v39 =	vld [tilespmem:s29+$0x0];
	v38 =	vmul.f32 v16, v15;
	v13 =	vshll.u32 v13, $0x10;
	v14 =	vshll.u32 v14, $0x10  }
0x71: {  	v41 =	vld [tilespmem:s28+$0x0];
	v15 =	vshll.u32 v15, $0x10;
	v40 =	vmul.f32 v18, v17;
	v16 =	vshll.u32 v16, $0x10  }
0x72: {  	v43 =	vld [tilespmem:s29+$0x10];
	v17 =	vshll.u32 v17, $0x10;
	v18 =	vshll.u32 v18, $0x10;
	v42 =	vmul.f32 v20, v19  }
0x73: {  	v45 =	vld [tilespmem:s28+$0x10];
	v19 =	vshll.u32 v19, $0x10;
	v20 =	vshll.u32 v20, $0x10;
	v44 =	vshll.u32 v21, $0x10  }
0x74: {  	v21 =	vmul.f32 v22, v21;
	v46 =	vmul.f32 v24, v23;
	v22 =	vshll.u32 v22, $0x10  }
0x75: {  	v23 =	vshll.u32 v23, $0x10;
	v47 =	vmul.f32 v26, v25;
	v48 =	vmul.f32 v29, v27  }
0x76: {  	s3 =	sadd.s32 $0x100, s29;
	v24 =	vshll.u32 v24, $0x10;
	v49 =	vmul.f32 v33, v31;
	v25 =	vshll.u32 v25, $0x10  }
0x77: {  	s31 =	sadd.s32 $0x100, s28;
	v52 =	vld [tilespmem:s3+$0xFFFFFFF0];
	v50 =	vmul.f32 v37, v35;
	v26 =	vshll.u32 v26, $0x10;
	v51 =	vmul.f32 v41, v39  }
0x78: {  	v54 =	vld [tilespmem:s31+$0xFFFFFFF0];
	v53 =	vmul.f32 v45, v43;
	v27 =	vshll.u32 v27, $0x10;
	v31 =	vshll.u32 v31, $0x10  }
0x79: {  	v55 =	vld [tilespmem:s3+$0x70];
	v33 =	vshll.u32 v33, $0x10;
	v35 =	vshll.u32 v35, $0x10;
	v37 =	vshll.u32 v37, $0x10  }
0x7a: {  	v56 =	vld [tilespmem:s31+$0x70];
	v39 =	vshll.u32 v39, $0x10;
	v41 =	vshll.u32 v41, $0x10;
	v43 =	vshll.u32 v43, $0x10  }
0x7b: {  	v61 =	vld [tilespmem:s3+$0x50];
	v45 =	vshll.u32 v45, $0x10;
	v31 =	vmul.f32 v33, v31;
	v62 =	vmul.f32 v37, v35  }
0x7c: {  	v29 =	vshll.u32 v29, $0x10;
	v35 =	vld [tilespmem:s3+$0xFFFFFFE0];
	v63 =	vmul.f32 v41, v39;
	v57 =	vmul.f32 v45, v43  }
0x7d: {  	v41 =	vld [tilespmem:s31+$0xFFFFFFE0];
	v25 =	vmul.f32 v26, v25;
	v58 =	vadd.f32 v50, v49;
	v26 =	vadd.f32 v53, v51  }
0x7e: {  	v45 =	vld [tilespmem:s3+$0x60];
	v27 =	vmul.f32 v29, v27;
	v31 =	vadd.f32 v62, v31;
	v59 =	vadd.f32 v57, v63  }
0x7f: {  	v29 =	vld [tilespmem:s31+$0x60];
	v22 =	vmul.f32 v22, v44;
	v60 =	vadd.f32 v47, v58;
	v26 =	vadd.f32 v48, v26  }
0x80: {  	v39 =	vld [tilespmem:s3+$0xFFFFFFD0];
	v23 =	vmul.f32 v24, v23;
	v25 =	vadd.f32 v25, v31;
	v27 =	vadd.f32 v27, v59  }
0x81: {  	v24 =	vld [tilespmem:s31+$0xFFFFFFD0];
	v17 =	vmul.f32 v18, v17;
	v21 =	vadd.f32 v21, v60;
	v18 =	vadd.f32 v46, v26  }
0x82: {  	v19 =	vmul.f32 v20, v19;
	v37 =	vld [tilespmem:s31+$0xFFFFFF80];
	v22 =	vadd.f32 v22, v25;
	v23 =	vadd.f32 v23, v27  }
0x83: {  	v13 =	vmul.f32 v14, v13;
	v43 =	vld [tilespmem:s31+$0xFFFFFF90];
	v20 =	vadd.f32 v40, v21;
	v14 =	vadd.f32 v42, v18  }
0x84: {  	v15 =	vmul.f32 v16, v15;
	v49 =	vld [tilespmem:s3+$0x10];
	v17 =	vadd.f32 v17, v22;
	v18 =	vadd.f32 v19, v23  }
0x85: {  	v9 =	vmul.f32 v10, v9;
	v62 =	vld [tilespmem:s31+$0x40];
	v16 =	vadd.f32 v36, v20;
	v10 =	vadd.f32 v38, v14  }
0x86: {  	v11 =	vmul.f32 v12, v11;
	v63 =	vld [tilespmem:s3+$0x30];
	v13 =	vadd.f32 v13, v17;
	v14 =	vadd.f32 v15, v18  }
0x87: {  	v6 =	vmul.f32 v6, v5;
	v58 =	vld [tilespmem:s3+$0xFFFFFFA0];
	v12 =	vadd.f32 v32, v16;
	v10 =	vadd.f32 v34, v10  }
0x88: {  	v7 =	vmul.f32 v8, v7;
	v59 =	vld [tilespmem:s31+$0xFFFFFFA0];
	v9 =	vadd.f32 v9, v13;
	v11 =	vadd.f32 v11, v14  }
0x89: {  	v5 =	vimm.f32 $0.0e+00;
	v57 =	vld [tilespmem:s31+$0x30];
	v12 =	vadd.f32 v28, v12;
	v10 =	vadd.f32 v30, v10  }
0x8a: {  	v8 =	vmov s26;
	v25 =	vld [tilespmem:s31+$0x50];
	v9 =	vadd.f32 v6, v9;
	v11 =	vadd.f32 v7, v11  }
0x8b: {  	vm1 =	veq.s32 v8, v4;
	v8 =	vshll.u32 v52, $0x10;
	v42 =	vld [tilespmem:s31+$0xFFFFFFB0];
	v23 =	vshll.u32 v24, $0x10  }
0x8c: {  	v31 =	vld [tilespmem:s3+$0x20];
	v48 =	vshll.u32 v58, $0x10;
	v18 =	vadd.f32 v9, v12;
	v19 =	vadd.f32 v11, v10  }
0x8d: {  	v36 =	vld [tilespmem:s3+$0x40];
	v44 =	vmul.f32 v59, v58;
	v51 =	vshll.u32 v59, $0x10;
	v15 =	vshll.u32 v35, $0x10  }
0x8e: {  	v26 =	vld [tilespmem:s31+$0x20];
	v17 =	vshll.u32 v41, $0x10;
	v16 =	vshll.u32 v29, $0x10;
	v14 =	vsel vm0, v19, v18  }
0x8f: {  	v32 =	vld [tilespmem:s3+$0xFFFFFFB0];
	v22 =	vshll.u32 v25, $0x10;
	v13 =	vmul.f32 v41, v35;
	v20 =	vperm.xlane v14, v0  }
0x90: {  	v46 =	vld [tilespmem:s31+$0x0];
	v38 =	vshll.u32 v42, $0x10;
	v30 =	vshll.u32 v62, $0x10;
	v21 =	vsel vm0, v18, v19  }
0x91: {  	v40 =	vld [tilespmem:s31+$0xFFFFFFC0];
	v6 =	vmul.f32 v54, v52;
	v7 =	vmul.f32 v56, v55;
	v60 =	vadd.f32 v21, v20  }
0x92: {  	v34 =	vld [tilespmem:s3+$0xFFFFFF80];
	v28 =	vshll.u32 v36, $0x10;
	v11 =	vshll.u32 v54, $0x10;
	v9 =	vshll.u32 v55, $0x10  }
0x93: {  	v41 =	vld [tilespmem:s3+$0xFFFFFF90];
	v18 =	vmul.f32 v25, v61;
	v20 =	vshll.u32 v61, $0x10;
	v61 =	vperm.xlane v60, v1  }
0x94: {  	v27 =	vld [tilespmem:s3+$0xFFFFFFC0];
	v10 =	vshll.u32 v56, $0x10;
	v12 =	vmul.f32 v29, v45;
	v33 =	vmul.f32 v42, v32  }
0x95: {  	v25 =	vmul.f32 v62, v36;
	v14 =	vshll.u32 v45, $0x10;
	v45 =	vld [tilespmem:s3+$0x0];
	v62 =	vadd.f32 v60, v61  }
0x96: {  	v53 =	vld [tilespmem:s31+$0x10];
	v35 =	vshll.u32 v32, $0x10;
	v32 =	vmul.f32 v57, v63;
	v42 =	vmul.f32 v26, v31  }
0x97: {  	v47 =	vmul.f32 v37, v34;
	v36 =	vshll.u32 v63, $0x10;
	v63 =	vperm.xlane v62, v2  }
0x98: {  	v29 =	vshll.u32 v40, $0x10;
	v50 =	vmul.f32 v43, v41;
	v19 =	vmul.f32 v24, v39  }
0x99: {  	v24 =	vmul.f32 v40, v27;
	v27 =	vshll.u32 v27, $0x10;
	v40 =	vadd.f32 v62, v63  }
0x9a: {  	s0 =	simm.s32 $0x1;
	s16 =	simm.s32 $0x2;
	s3 =	sadd.s32 $0x100, s3;
	v21 =	vshll.u32 v39, $0x10;
	v39 =	vshll.u32 v57, $0x10;
	v52 =	vmul.f32 v46, v45  }
.LBB2_8:
0x9b: {  	v54 =	vld [tilespmem:s3+$0xFFFFFFF0];
	p1 =	sne.s32 s16, $0x7;
	v55 =	vmul.f32 v53, v49;
	v31 =	vshll.u32 v31, $0x10;
	s31 =	sadd.s32 $0x100, s31;
	v56 =	vperm.xlane v40, v3  }
0x9c: {  	v34 =	vshll.u32 v34, $0x10;
	v37 =	vshll.u32 v37, $0x10;
	v41 =	vshll.u32 v41, $0x10;
	v57 =	vld [tilespmem:s31+$0xFFFFFFF0]  }
0x9d: {  	v43 =	vshll.u32 v43, $0x10;
	v45 =	vshll.u32 v45, $0x10;
	v58 =	vld [tilespmem:s3+$0x70];
	v40 =	vadd.f32 v40, v56  }
0x9e: {  	v46 =	vshll.u32 v46, $0x10;
	v49 =	vshll.u32 v49, $0x10;
	v53 =	vshll.u32 v53, $0x10;
	v56 =	vld [tilespmem:s31+$0x70]  }
0x9f: {  	v34 =	vmul.f32 v37, v34;
	v37 =	vmul.f32 v43, v41;
	v59 =	vld [tilespmem:s3+$0xFFFFFFE0];
	v5 =	vsel vm1, v40, v5  }
0xa0: {  	v26 =	vshll.u32 v26, $0x10;
	v41 =	vmul.f32 v46, v45;
	v43 =	vmul.f32 v53, v49;
	v40 =	vld [tilespmem:s31+$0xFFFFFFE0]  }
0xa1: {  	v46 =	vadd.f32 v50, v47;
	v47 =	vmul.f32 v51, v48;
	v48 =	vadd.f32 v55, v52;
	v45 =	vld [tilespmem:s3+$0x60]  }
0xa2: {  	v26 =	vmul.f32 v26, v31;
	v34 =	vadd.f32 v37, v34;
	v37 =	vadd.f32 v43, v41;
	v49 =	vld [tilespmem:s31+$0x60]  }
0xa3: {  	v35 =	vmul.f32 v38, v35;
	v31 =	vadd.f32 v44, v46;
	v38 =	vadd.f32 v42, v48;
	v50 =	vld [tilespmem:s3+$0xFFFFFFD0]  }
0xa4: {  	v36 =	vmul.f32 v39, v36;
	v34 =	vadd.f32 v47, v34;
	v26 =	vadd.f32 v26, v37;
	v42 =	vld [tilespmem:s31+$0xFFFFFFD0]  }
0xa5: {  	v27 =	vmul.f32 v29, v27;
	v31 =	vadd.f32 v33, v31;
	v29 =	vadd.f32 v32, v38;
	v39 =	vld [tilespmem:s3+$0x50]  }
0xa6: {  	v28 =	vmul.f32 v30, v28;
	v33 =	vadd.f32 v35, v34;
	v26 =	vadd.f32 v36, v26;
	v32 =	vld [tilespmem:s31+$0x50]  }
0xa7: {  	v21 =	vmul.f32 v23, v21;
	v24 =	vadd.f32 v24, v31;
	v23 =	vadd.f32 v25, v29;
	v30 =	vld [tilespmem:s3+$0xFFFFFFC0]  }
0xa8: {  	v20 =	vmul.f32 v22, v20;
	v27 =	vadd.f32 v27, v33;
	v26 =	vadd.f32 v28, v26;
	v25 =	vld [tilespmem:s31+$0xFFFFFFC0]  }
0xa9: {  	v15 =	vmul.f32 v17, v15;
	v19 =	vadd.f32 v19, v24;
	v17 =	vadd.f32 v18, v23;
	v28 =	vld [tilespmem:s3+$0x40]  }
0xaa: {  	v14 =	vmul.f32 v16, v14;
	v18 =	vadd.f32 v21, v27;
	v20 =	vadd.f32 v20, v26;
	v33 =	vld [tilespmem:s31+$0x40]  }
0xab: {  	v8 =	vmul.f32 v11, v8;
	v13 =	vadd.f32 v13, v19;
	v11 =	vadd.f32 v12, v17;
	v36 =	vld [tilespmem:s3+$0xFFFFFFB0]  }
0xac: {  	v9 =	vmul.f32 v10, v9;
	v12 =	vadd.f32 v15, v18;
	v14 =	vadd.f32 v14, v20;
	v38 =	vld [tilespmem:s31+$0xFFFFFFB0]  }
0xad: {  	v10 =	vadd.f32 v6, v13;
	v11 =	vadd.f32 v7, v11;
	v44 =	vld [tilespmem:s3+$0x30]  }
0xae: {  	v12 =	vadd.f32 v8, v12;
	v9 =	vadd.f32 v9, v14;
	v8 =	vmov s0;
	s0 =	smov.u32 s16;
	v47 =	vld [tilespmem:s31+$0x30]  }
0xaf: {  	v6 =	vmul.f32 v57, v54;
	v7 =	vmul.f32 v56, v58;
	vm1 =	veq.s32 v8, v4;
	v48 =	vld [tilespmem:s3+$0xFFFFFFA0]  }
0xb0: {  	v8 =	vshll.u32 v54, $0x10;
	v18 =	vadd.f32 v12, v10;
	v19 =	vadd.f32 v9, v11;
	v51 =	vld [tilespmem:s31+$0xFFFFFFA0]  }
0xb1: {  	v11 =	vshll.u32 v57, $0x10;
	v9 =	vshll.u32 v58, $0x10;
	v10 =	vshll.u32 v56, $0x10;
	v31 =	vld [tilespmem:s3+$0x20]  }
0xb2: {  	v13 =	vmul.f32 v40, v59;
	v12 =	vmul.f32 v49, v45;
	v14 =	vsel vm0, v19, v18;
	v26 =	vld [tilespmem:s31+$0x20]  }
0xb3: {  	v17 =	vshll.u32 v40, $0x10;
	v15 =	vshll.u32 v59, $0x10;
	v20 =	vperm.xlane v14, v0;
	v34 =	vld [tilespmem:s3+$0xFFFFFF80]  }
0xb4: {  	v16 =	vshll.u32 v49, $0x10;
	v21 =	vsel vm0, v18, v19;
	v14 =	vshll.u32 v45, $0x10;
	v37 =	vld [tilespmem:s31+$0xFFFFFF80]  }
0xb5: {  	v19 =	vmul.f32 v42, v50;
	v18 =	vmul.f32 v32, v39;
	v35 =	vadd.f32 v21, v20;
	v41 =	vld [tilespmem:s3+$0xFFFFFF90]  }
0xb6: {  	v23 =	vshll.u32 v42, $0x10;
	v21 =	vshll.u32 v50, $0x10;
	v20 =	vshll.u32 v39, $0x10;
	v43 =	vld [tilespmem:s31+$0xFFFFFF90]  }
0xb7: {  	v22 =	vshll.u32 v32, $0x10;
	v24 =	vmul.f32 v25, v30;
	v32 =	vperm.xlane v35, v1;
	v45 =	vld [tilespmem:s3+$0x0]  }
0xb8: {  	v27 =	vshll.u32 v30, $0x10;
	v29 =	vshll.u32 v25, $0x10;
	v25 =	vmul.f32 v33, v28;
	v46 =	vld [tilespmem:s31+$0x0]  }
0xb9: {  	v28 =	vshll.u32 v28, $0x10;
	v30 =	vshll.u32 v33, $0x10;
	v40 =	vadd.f32 v35, v32;
	v49 =	vld [tilespmem:s3+$0x10]  }
.Ltmp7:
0xba: {  	v33 =	vmul.f32 v38, v36;
	v35 =	vshll.u32 v36, $0x10;
	v32 =	vmul.f32 v47, v44;
	v53 =	vld [tilespmem:s31+$0x10];
	(pc) =	sbr.rel @p1 .LBB2_8-.Ltmp7, $4  }
0xbb: {  	v38 =	vshll.u32 v38, $0x10;
	v36 =	vshll.u32 v44, $0x10;
	v50 =	vperm.xlane v40, v2  }
0xbc: {  	v39 =	vshll.u32 v47, $0x10;
	v44 =	vmul.f32 v51, v48;
	v42 =	vmul.f32 v26, v31  }
0xbd: {  	v48 =	vshll.u32 v48, $0x10;
	v47 =	vmul.f32 v37, v34;
	v40 =	vadd.f32 v40, v50  }
0xbe: {  	s16 =	sadd.s32 $0x1, s16;
	v51 =	vshll.u32 v51, $0x10;
	s3 =	sadd.s32 $0x100, s3;
	v50 =	vmul.f32 v43, v41;
	v52 =	vmul.f32 v46, v45  }
0xbf: {  	v54 =	vmul.f32 v53, v49;
	v31 =	vshll.u32 v31, $0x10;
	v34 =	vshll.u32 v34, $0x10  }
0xc0: {  	v37 =	vshll.u32 v37, $0x10;
	v41 =	vshll.u32 v41, $0x10;
	v43 =	vshll.u32 v43, $0x10  }
0xc1: {  	v45 =	vshll.u32 v45, $0x10;
	v46 =	vshll.u32 v46, $0x10;
	v58 =	vshll.u32 v49, $0x10  }
0xc2: {  	v59 =	vshll.u32 v53, $0x10;
	v34 =	vmul.f32 v37, v34;
	v60 =	vmul.f32 v43, v41  }
0xc3: {  	v26 =	vshll.u32 v26, $0x10;
	v61 =	vmul.f32 v46, v45;
	v62 =	vmul.f32 v59, v58  }
0xc4: {  	v49 =	vmul.f32 v51, v48;
	v63 =	vadd.f32 v50, v47;
	v50 =	vadd.f32 v54, v52  }
0xc5: {  	v26 =	vmul.f32 v26, v31;
	v34 =	vadd.f32 v60, v34;
	v51 =	vadd.f32 v62, v61  }
0xc6: {  	v35 =	vmul.f32 v38, v35;
	v52 =	vadd.f32 v44, v63;
	v53 =	vadd.f32 v42, v50  }
0xc7: {  	v36 =	vmul.f32 v39, v36;
	v34 =	vadd.f32 v49, v34;
	v26 =	vadd.f32 v26, v51  }
0xc8: {  	v27 =	vmul.f32 v29, v27;
	v31 =	vadd.f32 v33, v52;
	v54 =	vadd.f32 v32, v53  }
0xc9: {  	v28 =	vmul.f32 v30, v28;
	v55 =	vadd.f32 v35, v34;
	v26 =	vadd.f32 v36, v26  }
0xca: {  	v21 =	vmul.f32 v23, v21;
	v24 =	vadd.f32 v24, v31;
	v56 =	vadd.f32 v25, v54  }
0xcb: {  	v20 =	vmul.f32 v22, v20;
	v57 =	vadd.f32 v27, v55;
	v26 =	vadd.f32 v28, v26  }
0xcc: {  	v15 =	vmul.f32 v17, v15;
	v19 =	vadd.f32 v19, v24;
	v58 =	vadd.f32 v18, v56  }
0xcd: {  	v14 =	vmul.f32 v16, v14;
	v59 =	vadd.f32 v21, v57;
	v20 =	vadd.f32 v20, v26  }
0xce: {  	v8 =	vmul.f32 v11, v8;
	v13 =	vadd.f32 v13, v19;
	v60 =	vadd.f32 v12, v58  }
0xcf: {  	v9 =	vmul.f32 v10, v9;
	v61 =	vadd.f32 v15, v59;
	v14 =	vadd.f32 v14, v20  }
0xd0: {  	v6 =	vadd.f32 v6, v13;
	v7 =	vadd.f32 v7, v60  }
0xd1: {  	v8 =	vadd.f32 v8, v61;
	v9 =	vadd.f32 v9, v14;
	_ =	sdelay $0x1  }
0xd2: {  	v6 =	vadd.f32 v8, v6;
	v7 =	vadd.f32 v9, v7;
	_ =	sdelay $0x1  }
0xd3: {  	v8 =	vsel vm0, v7, v6  }
0xd4: {  	v8 =	vperm.xlane v8, v0  }
0xd5: {  	v6 =	vsel vm0, v6, v7  }
0xd6: {  	v6 =	vadd.f32 v6, v8;
	_ =	sdelay $0x1  }
0xd7: {  	v7 =	vperm.xlane v6, v1;
	_ =	sdelay $0x1  }
0xd8: {  	v6 =	vadd.f32 v6, v7;
	_ =	sdelay $0x1  }
0xd9: {  	v7 =	vperm.xlane v6, v2;
	_ =	sdelay $0x1  }
0xda: {  	v6 =	vadd.f32 v6, v7  }
0xdb: {  	s31 =	sshll.u32 s30, $0x4;
	s30 =	sadd.s32 $0x1, s30;
	v7 =	vperm.xlane v40, v3  }
0xdc: {  	p1 =	sne.s32 s30, $0x8;
	v62 =	vperm.xlane v6, v3  }
.Ltmp8:
0xdd: {  	v7 =	vadd.f32 v40, v7;
	(pc) =	sbr.rel @p1 .LBB2_7-.Ltmp8, $4  }
0xde: {  	v63 =	vmov s0;
	v6 =	vadd.f32 v6, v62  }
0xdf: {  	v5 =	vsel vm1, v7, v5;
	vm1 =	veq.s32 v63, v4  }
0xe0: {  	s0 =	sand.u32 $0x3FFFFFF0, s31;
	v5 =	vsel vm1, v6, v5  }
0xe1: {  	s28 =	sadd.s32 $0x800, s28;
	s29 =	sadd.s32 $0x800, s29;
	[tilespmem:s0+$0x10200] =	vst v5  }
.Ltmp9:
0xe2: {  	(pc) =	sbr.rel @p0 .LBB2_16-.Ltmp9, $4  }
0xe3: {  	_ = 	snop  }
0xe4: {  	s0 =	sshrl.u32 s24, $0x3  }
0xe5: {  	s0 =	sadd.s32 s6, s0  }
0xe6: {  	[hbm4b:s0+s2] =	stream.linear.scatter [tilespmem:s18], [sflag:$0x5], $0x80, $0x38;
	[tilespmem:$0x10300] =	vst v63  }
.LBB2_11:
0xe7: {  	p0 =	slt.u32 s25, $0x2  }
0xe8: {  	s0 =	simm.s32 @!p0 $0x6  }
0xe9: {  	_ =	swait.ge @!p0 [sflag:s0], $0x80  }
0xea: {  	s25 =	simm.s32 $0x0;
	s26 =	simm.s32 $0xC280;
	[sflag:s0] =	ssyncset.done @!p0 $0x0  }
0xeb: {  	s28 =	simm.s32 $0x8280;
	s29 =	simm.s32 $0x0;
	[sflag:s0] =	ssyncadd.s32 @!p0 $0xFFFFFF80  }
.LBB2_12:
0xec: {  	v5 =	vld [tilespmem:s28+$0xFFFFFFF0]  }
0xed: {  	v6 =	vld [tilespmem:s26+$0xFFFFFFF0]  }
0xee: {  	v7 =	vld [tilespmem:s28+$0x70]  }
0xef: {  	v8 =	vld [tilespmem:s26+$0x70]  }
0xf0: {  	v9 =	vld [tilespmem:s28+$0xFFFFFFE0]  }
0xf1: {  	v10 =	vld [tilespmem:s26+$0xFFFFFFE0]  }
0xf2: {  	v11 =	vld [tilespmem:s28+$0x60]  }
0xf3: {  	v12 =	vld [tilespmem:s26+$0x60]  }
0xf4: {  	v13 =	vld [tilespmem:s28+$0xFFFFFFD0]  }
0xf5: {  	v14 =	vld [tilespmem:s26+$0xFFFFFFD0]  }
0xf6: {  	v15 =	vld [tilespmem:s28+$0x50]  }
0xf7: {  	v16 =	vld [tilespmem:s26+$0x50]  }
0xf8: {  	v17 =	vld [tilespmem:s28+$0xFFFFFFC0]  }
0xf9: {  	v18 =	vld [tilespmem:s26+$0xFFFFFFC0]  }
0xfa: {  	v19 =	vld [tilespmem:s28+$0x40]  }
0xfb: {  	v20 =	vld [tilespmem:s26+$0x40]  }
0xfc: {  	v21 =	vld [tilespmem:s28+$0xFFFFFFB0]  }
0xfd: {  	v22 =	vld [tilespmem:s26+$0xFFFFFFB0]  }
0xfe: {  	v23 =	vld [tilespmem:s28+$0x30]  }
0xff: {  	v24 =	vld [tilespmem:s26+$0x30]  }
0x100: {  	v25 =	vld [tilespmem:s28+$0xFFFFFFA0]  }
0x101: {  	v26 =	vld [tilespmem:s26+$0xFFFFFFA0]  }
0x102: {  	v27 =	vld [tilespmem:s28+$0x20]  }
0x103: {  	v29 =	vld [tilespmem:s26+$0x20];
	v28 =	vmul.f32 v6, v5  }
0x104: {  	v31 =	vld [tilespmem:s28+$0xFFFFFF80];
	v30 =	vmul.f32 v8, v7;
	v5 =	vshll.u32 v5, $0x10;
	v6 =	vshll.u32 v6, $0x10  }
0x105: {  	v33 =	vld [tilespmem:s26+$0xFFFFFF80];
	v7 =	vshll.u32 v7, $0x10;
	v8 =	vshll.u32 v8, $0x10;
	v32 =	vmul.f32 v10, v9  }
0x106: {  	v35 =	vld [tilespmem:s28+$0xFFFFFF90];
	v34 =	vmul.f32 v12, v11;
	v9 =	vshll.u32 v9, $0x10;
	v10 =	vshll.u32 v10, $0x10  }
0x107: {  	v37 =	vld [tilespmem:s26+$0xFFFFFF90];
	v11 =	vshll.u32 v11, $0x10;
	v12 =	vshll.u32 v12, $0x10;
	v36 =	vmul.f32 v14, v13  }
0x108: {  	v39 =	vld [tilespmem:s28+$0x0];
	v38 =	vmul.f32 v16, v15;
	v13 =	vshll.u32 v13, $0x10;
	v14 =	vshll.u32 v14, $0x10  }
0x109: {  	v41 =	vld [tilespmem:s26+$0x0];
	v15 =	vshll.u32 v15, $0x10;
	v40 =	vmul.f32 v18, v17;
	v16 =	vshll.u32 v16, $0x10  }
0x10a: {  	v43 =	vld [tilespmem:s28+$0x10];
	v17 =	vshll.u32 v17, $0x10;
	v18 =	vshll.u32 v18, $0x10;
	v42 =	vmul.f32 v20, v19  }
0x10b: {  	v45 =	vld [tilespmem:s26+$0x10];
	v19 =	vshll.u32 v19, $0x10;
	v20 =	vshll.u32 v20, $0x10;
	v44 =	vshll.u32 v21, $0x10  }
0x10c: {  	v21 =	vmul.f32 v22, v21;
	v46 =	vmul.f32 v24, v23;
	v22 =	vshll.u32 v22, $0x10  }
0x10d: {  	v23 =	vshll.u32 v23, $0x10;
	v47 =	vmul.f32 v26, v25;
	v48 =	vmul.f32 v29, v27  }
0x10e: {  	s3 =	sadd.s32 $0x100, s28;
	v24 =	vshll.u32 v24, $0x10;
	v49 =	vmul.f32 v33, v31;
	v25 =	vshll.u32 v25, $0x10  }
0x10f: {  	s30 =	sadd.s32 $0x100, s26;
	v52 =	vld [tilespmem:s3+$0xFFFFFFF0];
	v50 =	vmul.f32 v37, v35;
	v26 =	vshll.u32 v26, $0x10;
	v51 =	vmul.f32 v41, v39  }
0x110: {  	v54 =	vld [tilespmem:s30+$0xFFFFFFF0];
	v53 =	vmul.f32 v45, v43;
	v27 =	vshll.u32 v27, $0x10;
	v31 =	vshll.u32 v31, $0x10  }
0x111: {  	v55 =	vld [tilespmem:s3+$0x70];
	v33 =	vshll.u32 v33, $0x10;
	v35 =	vshll.u32 v35, $0x10;
	v37 =	vshll.u32 v37, $0x10  }
0x112: {  	v56 =	vld [tilespmem:s30+$0x70];
	v39 =	vshll.u32 v39, $0x10;
	v41 =	vshll.u32 v41, $0x10;
	v43 =	vshll.u32 v43, $0x10  }
0x113: {  	v61 =	vld [tilespmem:s3+$0x50];
	v45 =	vshll.u32 v45, $0x10;
	v31 =	vmul.f32 v33, v31;
	v62 =	vmul.f32 v37, v35  }
0x114: {  	v29 =	vshll.u32 v29, $0x10;
	v35 =	vld [tilespmem:s3+$0xFFFFFFE0];
	v63 =	vmul.f32 v41, v39;
	v57 =	vmul.f32 v45, v43  }
0x115: {  	v41 =	vld [tilespmem:s30+$0xFFFFFFE0];
	v25 =	vmul.f32 v26, v25;
	v58 =	vadd.f32 v50, v49;
	v26 =	vadd.f32 v53, v51  }
0x116: {  	v45 =	vld [tilespmem:s3+$0x60];
	v27 =	vmul.f32 v29, v27;
	v31 =	vadd.f32 v62, v31;
	v59 =	vadd.f32 v57, v63  }
0x117: {  	v29 =	vld [tilespmem:s30+$0x60];
	v22 =	vmul.f32 v22, v44;
	v60 =	vadd.f32 v47, v58;
	v26 =	vadd.f32 v48, v26  }
0x118: {  	v39 =	vld [tilespmem:s3+$0xFFFFFFD0];
	v23 =	vmul.f32 v24, v23;
	v25 =	vadd.f32 v25, v31;
	v27 =	vadd.f32 v27, v59  }
0x119: {  	v24 =	vld [tilespmem:s30+$0xFFFFFFD0];
	v17 =	vmul.f32 v18, v17;
	v21 =	vadd.f32 v21, v60;
	v18 =	vadd.f32 v46, v26  }
0x11a: {  	v19 =	vmul.f32 v20, v19;
	v37 =	vld [tilespmem:s30+$0xFFFFFF80];
	v22 =	vadd.f32 v22, v25;
	v23 =	vadd.f32 v23, v27  }
0x11b: {  	v13 =	vmul.f32 v14, v13;
	v43 =	vld [tilespmem:s30+$0xFFFFFF90];
	v20 =	vadd.f32 v40, v21;
	v14 =	vadd.f32 v42, v18  }
0x11c: {  	v15 =	vmul.f32 v16, v15;
	v49 =	vld [tilespmem:s3+$0x10];
	v17 =	vadd.f32 v17, v22;
	v18 =	vadd.f32 v19, v23  }
0x11d: {  	v9 =	vmul.f32 v10, v9;
	v62 =	vld [tilespmem:s30+$0x40];
	v16 =	vadd.f32 v36, v20;
	v10 =	vadd.f32 v38, v14  }
0x11e: {  	v11 =	vmul.f32 v12, v11;
	v63 =	vld [tilespmem:s3+$0x30];
	v13 =	vadd.f32 v13, v17;
	v14 =	vadd.f32 v15, v18  }
0x11f: {  	v6 =	vmul.f32 v6, v5;
	v58 =	vld [tilespmem:s3+$0xFFFFFFA0];
	v12 =	vadd.f32 v32, v16;
	v10 =	vadd.f32 v34, v10  }
0x120: {  	v7 =	vmul.f32 v8, v7;
	v59 =	vld [tilespmem:s30+$0xFFFFFFA0];
	v9 =	vadd.f32 v9, v13;
	v11 =	vadd.f32 v11, v14  }
0x121: {  	v5 =	vimm.f32 $0.0e+00;
	v57 =	vld [tilespmem:s30+$0x30];
	v12 =	vadd.f32 v28, v12;
	v10 =	vadd.f32 v30, v10  }
0x122: {  	v8 =	vmov s25;
	v25 =	vld [tilespmem:s30+$0x50];
	v9 =	vadd.f32 v6, v9;
	v11 =	vadd.f32 v7, v11  }
0x123: {  	vm1 =	veq.s32 v8, v4;
	v8 =	vshll.u32 v52, $0x10;
	v42 =	vld [tilespmem:s30+$0xFFFFFFB0];
	v23 =	vshll.u32 v24, $0x10  }
0x124: {  	v31 =	vld [tilespmem:s3+$0x20];
	v48 =	vshll.u32 v58, $0x10;
	v18 =	vadd.f32 v9, v12;
	v19 =	vadd.f32 v11, v10  }
0x125: {  	v36 =	vld [tilespmem:s3+$0x40];
	v44 =	vmul.f32 v59, v58;
	v51 =	vshll.u32 v59, $0x10;
	v15 =	vshll.u32 v35, $0x10  }
0x126: {  	v26 =	vld [tilespmem:s30+$0x20];
	v17 =	vshll.u32 v41, $0x10;
	v16 =	vshll.u32 v29, $0x10;
	v14 =	vsel vm0, v19, v18  }
0x127: {  	v32 =	vld [tilespmem:s3+$0xFFFFFFB0];
	v22 =	vshll.u32 v25, $0x10;
	v13 =	vmul.f32 v41, v35;
	v20 =	vperm.xlane v14, v0  }
0x128: {  	v46 =	vld [tilespmem:s30+$0x0];
	v38 =	vshll.u32 v42, $0x10;
	v30 =	vshll.u32 v62, $0x10;
	v21 =	vsel vm0, v18, v19  }
0x129: {  	v40 =	vld [tilespmem:s30+$0xFFFFFFC0];
	v6 =	vmul.f32 v54, v52;
	v7 =	vmul.f32 v56, v55;
	v60 =	vadd.f32 v21, v20  }
0x12a: {  	v34 =	vld [tilespmem:s3+$0xFFFFFF80];
	v28 =	vshll.u32 v36, $0x10;
	v11 =	vshll.u32 v54, $0x10;
	v9 =	vshll.u32 v55, $0x10  }
0x12b: {  	v41 =	vld [tilespmem:s3+$0xFFFFFF90];
	v18 =	vmul.f32 v25, v61;
	v20 =	vshll.u32 v61, $0x10;
	v61 =	vperm.xlane v60, v1  }
0x12c: {  	v27 =	vld [tilespmem:s3+$0xFFFFFFC0];
	v10 =	vshll.u32 v56, $0x10;
	v12 =	vmul.f32 v29, v45;
	v33 =	vmul.f32 v42, v32  }
0x12d: {  	v25 =	vmul.f32 v62, v36;
	v14 =	vshll.u32 v45, $0x10;
	v45 =	vld [tilespmem:s3+$0x0];
	v62 =	vadd.f32 v60, v61  }
0x12e: {  	v53 =	vld [tilespmem:s30+$0x10];
	v35 =	vshll.u32 v32, $0x10;
	v32 =	vmul.f32 v57, v63;
	v42 =	vmul.f32 v26, v31  }
0x12f: {  	v47 =	vmul.f32 v37, v34;
	v36 =	vshll.u32 v63, $0x10;
	v63 =	vperm.xlane v62, v2  }
0x130: {  	v29 =	vshll.u32 v40, $0x10;
	v50 =	vmul.f32 v43, v41;
	v19 =	vmul.f32 v24, v39  }
0x131: {  	v24 =	vmul.f32 v40, v27;
	v27 =	vshll.u32 v27, $0x10;
	v40 =	vadd.f32 v62, v63  }
0x132: {  	s0 =	simm.s32 $0x1;
	s16 =	simm.s32 $0x2;
	s3 =	sadd.s32 $0x100, s3;
	v21 =	vshll.u32 v39, $0x10;
	v39 =	vshll.u32 v57, $0x10;
	v52 =	vmul.f32 v46, v45  }
.LBB2_13:
0x133: {  	v54 =	vld [tilespmem:s3+$0xFFFFFFF0];
	p0 =	sne.s32 s16, $0x7;
	v55 =	vmul.f32 v53, v49;
	v31 =	vshll.u32 v31, $0x10;
	s30 =	sadd.s32 $0x100, s30;
	v56 =	vperm.xlane v40, v3  }
0x134: {  	v34 =	vshll.u32 v34, $0x10;
	v37 =	vshll.u32 v37, $0x10;
	v41 =	vshll.u32 v41, $0x10;
	v57 =	vld [tilespmem:s30+$0xFFFFFFF0]  }
0x135: {  	v43 =	vshll.u32 v43, $0x10;
	v45 =	vshll.u32 v45, $0x10;
	v58 =	vld [tilespmem:s3+$0x70];
	v40 =	vadd.f32 v40, v56  }
0x136: {  	v46 =	vshll.u32 v46, $0x10;
	v49 =	vshll.u32 v49, $0x10;
	v53 =	vshll.u32 v53, $0x10;
	v56 =	vld [tilespmem:s30+$0x70]  }
0x137: {  	v34 =	vmul.f32 v37, v34;
	v37 =	vmul.f32 v43, v41;
	v59 =	vld [tilespmem:s3+$0xFFFFFFE0];
	v5 =	vsel vm1, v40, v5  }
0x138: {  	v26 =	vshll.u32 v26, $0x10;
	v41 =	vmul.f32 v46, v45;
	v43 =	vmul.f32 v53, v49;
	v40 =	vld [tilespmem:s30+$0xFFFFFFE0]  }
0x139: {  	v46 =	vadd.f32 v50, v47;
	v47 =	vmul.f32 v51, v48;
	v48 =	vadd.f32 v55, v52;
	v45 =	vld [tilespmem:s3+$0x60]  }
0x13a: {  	v26 =	vmul.f32 v26, v31;
	v34 =	vadd.f32 v37, v34;
	v37 =	vadd.f32 v43, v41;
	v49 =	vld [tilespmem:s30+$0x60]  }
0x13b: {  	v35 =	vmul.f32 v38, v35;
	v31 =	vadd.f32 v44, v46;
	v38 =	vadd.f32 v42, v48;
	v50 =	vld [tilespmem:s3+$0xFFFFFFD0]  }
0x13c: {  	v36 =	vmul.f32 v39, v36;
	v34 =	vadd.f32 v47, v34;
	v26 =	vadd.f32 v26, v37;
	v42 =	vld [tilespmem:s30+$0xFFFFFFD0]  }
0x13d: {  	v27 =	vmul.f32 v29, v27;
	v31 =	vadd.f32 v33, v31;
	v29 =	vadd.f32 v32, v38;
	v39 =	vld [tilespmem:s3+$0x50]  }
0x13e: {  	v28 =	vmul.f32 v30, v28;
	v33 =	vadd.f32 v35, v34;
	v26 =	vadd.f32 v36, v26;
	v32 =	vld [tilespmem:s30+$0x50]  }
0x13f: {  	v21 =	vmul.f32 v23, v21;
	v24 =	vadd.f32 v24, v31;
	v23 =	vadd.f32 v25, v29;
	v30 =	vld [tilespmem:s3+$0xFFFFFFC0]  }
0x140: {  	v20 =	vmul.f32 v22, v20;
	v27 =	vadd.f32 v27, v33;
	v26 =	vadd.f32 v28, v26;
	v25 =	vld [tilespmem:s30+$0xFFFFFFC0]  }
0x141: {  	v15 =	vmul.f32 v17, v15;
	v19 =	vadd.f32 v19, v24;
	v17 =	vadd.f32 v18, v23;
	v28 =	vld [tilespmem:s3+$0x40]  }
0x142: {  	v14 =	vmul.f32 v16, v14;
	v18 =	vadd.f32 v21, v27;
	v20 =	vadd.f32 v20, v26;
	v33 =	vld [tilespmem:s30+$0x40]  }
0x143: {  	v8 =	vmul.f32 v11, v8;
	v13 =	vadd.f32 v13, v19;
	v11 =	vadd.f32 v12, v17;
	v36 =	vld [tilespmem:s3+$0xFFFFFFB0]  }
0x144: {  	v9 =	vmul.f32 v10, v9;
	v12 =	vadd.f32 v15, v18;
	v14 =	vadd.f32 v14, v20;
	v38 =	vld [tilespmem:s30+$0xFFFFFFB0]  }
0x145: {  	v10 =	vadd.f32 v6, v13;
	v11 =	vadd.f32 v7, v11;
	v44 =	vld [tilespmem:s3+$0x30]  }
0x146: {  	v12 =	vadd.f32 v8, v12;
	v9 =	vadd.f32 v9, v14;
	v8 =	vmov s0;
	s0 =	smov.u32 s16;
	v47 =	vld [tilespmem:s30+$0x30]  }
0x147: {  	v6 =	vmul.f32 v57, v54;
	v7 =	vmul.f32 v56, v58;
	vm1 =	veq.s32 v8, v4;
	v48 =	vld [tilespmem:s3+$0xFFFFFFA0]  }
0x148: {  	v8 =	vshll.u32 v54, $0x10;
	v18 =	vadd.f32 v12, v10;
	v19 =	vadd.f32 v9, v11;
	v51 =	vld [tilespmem:s30+$0xFFFFFFA0]  }
0x149: {  	v11 =	vshll.u32 v57, $0x10;
	v9 =	vshll.u32 v58, $0x10;
	v10 =	vshll.u32 v56, $0x10;
	v31 =	vld [tilespmem:s3+$0x20]  }
0x14a: {  	v13 =	vmul.f32 v40, v59;
	v12 =	vmul.f32 v49, v45;
	v14 =	vsel vm0, v19, v18;
	v26 =	vld [tilespmem:s30+$0x20]  }
0x14b: {  	v17 =	vshll.u32 v40, $0x10;
	v15 =	vshll.u32 v59, $0x10;
	v20 =	vperm.xlane v14, v0;
	v34 =	vld [tilespmem:s3+$0xFFFFFF80]  }
0x14c: {  	v16 =	vshll.u32 v49, $0x10;
	v21 =	vsel vm0, v18, v19;
	v14 =	vshll.u32 v45, $0x10;
	v37 =	vld [tilespmem:s30+$0xFFFFFF80]  }
0x14d: {  	v19 =	vmul.f32 v42, v50;
	v18 =	vmul.f32 v32, v39;
	v35 =	vadd.f32 v21, v20;
	v41 =	vld [tilespmem:s3+$0xFFFFFF90]  }
0x14e: {  	v23 =	vshll.u32 v42, $0x10;
	v21 =	vshll.u32 v50, $0x10;
	v20 =	vshll.u32 v39, $0x10;
	v43 =	vld [tilespmem:s30+$0xFFFFFF90]  }
0x14f: {  	v22 =	vshll.u32 v32, $0x10;
	v24 =	vmul.f32 v25, v30;
	v32 =	vperm.xlane v35, v1;
	v45 =	vld [tilespmem:s3+$0x0]  }
0x150: {  	v27 =	vshll.u32 v30, $0x10;
	v29 =	vshll.u32 v25, $0x10;
	v25 =	vmul.f32 v33, v28;
	v46 =	vld [tilespmem:s30+$0x0]  }
0x151: {  	v28 =	vshll.u32 v28, $0x10;
	v30 =	vshll.u32 v33, $0x10;
	v40 =	vadd.f32 v35, v32;
	v49 =	vld [tilespmem:s3+$0x10]  }
.Ltmp10:
0x152: {  	v33 =	vmul.f32 v38, v36;
	v35 =	vshll.u32 v36, $0x10;
	v32 =	vmul.f32 v47, v44;
	v53 =	vld [tilespmem:s30+$0x10];
	(pc) =	sbr.rel @p0 .LBB2_13-.Ltmp10, $4  }
0x153: {  	v38 =	vshll.u32 v38, $0x10;
	v36 =	vshll.u32 v44, $0x10;
	v50 =	vperm.xlane v40, v2  }
0x154: {  	v39 =	vshll.u32 v47, $0x10;
	v44 =	vmul.f32 v51, v48;
	v42 =	vmul.f32 v26, v31  }
0x155: {  	v48 =	vshll.u32 v48, $0x10;
	v47 =	vmul.f32 v37, v34;
	v40 =	vadd.f32 v40, v50  }
0x156: {  	s16 =	sadd.s32 $0x1, s16;
	v51 =	vshll.u32 v51, $0x10;
	s3 =	sadd.s32 $0x100, s3;
	v50 =	vmul.f32 v43, v41;
	v52 =	vmul.f32 v46, v45  }
0x157: {  	v54 =	vmul.f32 v53, v49;
	v31 =	vshll.u32 v31, $0x10;
	v34 =	vshll.u32 v34, $0x10  }
0x158: {  	v37 =	vshll.u32 v37, $0x10;
	v41 =	vshll.u32 v41, $0x10;
	v43 =	vshll.u32 v43, $0x10  }
0x159: {  	v45 =	vshll.u32 v45, $0x10;
	v46 =	vshll.u32 v46, $0x10;
	v58 =	vshll.u32 v49, $0x10  }
0x15a: {  	v59 =	vshll.u32 v53, $0x10;
	v34 =	vmul.f32 v37, v34;
	v60 =	vmul.f32 v43, v41  }
0x15b: {  	v26 =	vshll.u32 v26, $0x10;
	v61 =	vmul.f32 v46, v45;
	v62 =	vmul.f32 v59, v58  }
0x15c: {  	v49 =	vmul.f32 v51, v48;
	v63 =	vadd.f32 v50, v47;
	v50 =	vadd.f32 v54, v52  }
0x15d: {  	v26 =	vmul.f32 v26, v31;
	v34 =	vadd.f32 v60, v34;
	v51 =	vadd.f32 v62, v61  }
0x15e: {  	v35 =	vmul.f32 v38, v35;
	v52 =	vadd.f32 v44, v63;
	v53 =	vadd.f32 v42, v50  }
0x15f: {  	v36 =	vmul.f32 v39, v36;
	v34 =	vadd.f32 v49, v34;
	v26 =	vadd.f32 v26, v51  }
0x160: {  	v27 =	vmul.f32 v29, v27;
	v31 =	vadd.f32 v33, v52;
	v54 =	vadd.f32 v32, v53  }
0x161: {  	v28 =	vmul.f32 v30, v28;
	v55 =	vadd.f32 v35, v34;
	v26 =	vadd.f32 v36, v26  }
0x162: {  	v21 =	vmul.f32 v23, v21;
	v24 =	vadd.f32 v24, v31;
	v56 =	vadd.f32 v25, v54  }
0x163: {  	v20 =	vmul.f32 v22, v20;
	v57 =	vadd.f32 v27, v55;
	v26 =	vadd.f32 v28, v26  }
0x164: {  	v15 =	vmul.f32 v17, v15;
	v19 =	vadd.f32 v19, v24;
	v58 =	vadd.f32 v18, v56  }
0x165: {  	v14 =	vmul.f32 v16, v14;
	v59 =	vadd.f32 v21, v57;
	v20 =	vadd.f32 v20, v26  }
0x166: {  	v8 =	vmul.f32 v11, v8;
	v13 =	vadd.f32 v13, v19;
	v60 =	vadd.f32 v12, v58  }
0x167: {  	v9 =	vmul.f32 v10, v9;
	v61 =	vadd.f32 v15, v59;
	v14 =	vadd.f32 v14, v20  }
0x168: {  	v6 =	vadd.f32 v6, v13;
	v7 =	vadd.f32 v7, v60  }
0x169: {  	v8 =	vadd.f32 v8, v61;
	v9 =	vadd.f32 v9, v14;
	_ =	sdelay $0x1  }
0x16a: {  	v6 =	vadd.f32 v8, v6;
	v7 =	vadd.f32 v9, v7;
	_ =	sdelay $0x1  }
0x16b: {  	v8 =	vsel vm0, v7, v6  }
0x16c: {  	v8 =	vperm.xlane v8, v0  }
0x16d: {  	v6 =	vsel vm0, v6, v7  }
0x16e: {  	v6 =	vadd.f32 v6, v8;
	_ =	sdelay $0x1  }
0x16f: {  	v7 =	vperm.xlane v6, v1;
	_ =	sdelay $0x1  }
0x170: {  	v6 =	vadd.f32 v6, v7;
	_ =	sdelay $0x1  }
0x171: {  	v7 =	vperm.xlane v6, v2;
	_ =	sdelay $0x1  }
0x172: {  	v6 =	vadd.f32 v6, v7  }
0x173: {  	s31 =	sshll.u32 s29, $0x4;
	s29 =	sadd.s32 $0x1, s29;
	v7 =	vperm.xlane v40, v3  }
0x174: {  	p0 =	sne.s32 s29, $0x8;
	v62 =	vperm.xlane v6, v3  }
.Ltmp11:
0x175: {  	v7 =	vadd.f32 v40, v7;
	(pc) =	sbr.rel @p0 .LBB2_12-.Ltmp11, $4  }
0x176: {  	v63 =	vmov s0;
	v6 =	vadd.f32 v6, v62  }
0x177: {  	v5 =	vsel vm1, v7, v5;
	vm1 =	veq.s32 v63, v4  }
0x178: {  	s0 =	sand.u32 $0x3FFFFFF0, s31;
	v5 =	vsel vm1, v6, v5  }
0x179: {  	s26 =	sadd.s32 $0x800, s26;
	s28 =	sadd.s32 $0x800, s28;
	[tilespmem:s0+$0x10280] =	vst v5  }
.Ltmp12:
0x17a: {  	(pc) =	sbr.rel .LBB2_16-.Ltmp12, $4  }
0x17b: {  	_ = 	snop  }
0x17c: {  	s0 =	sshrl.u32 s24, $0x3  }
0x17d: {  	s0 =	sadd.s32 s6, s0  }
0x17e: {  	[hbm4b:s0+s2] =	stream.linear.scatter [tilespmem:s21], [sflag:$0x6], $0x80, $0x38;
	[tilespmem:$0x10300] =	vst v63  }
.LBB2_18:
0x17f: {  	_ =	sfence.sel $0x180000  }
0x180: {  	[bflag:$0x0] =	sbarrier.arrive $0xFFFF  }
0x181: {  	_ =	strace $0x90000047  }
0x182: {  	s0 =	stileid.u32;
	[bflag:$0x2] =	sbarrier.arrive $0xFFFF  }
0x183: {  	p0 =	sne.s32 s0, $0x0;
	s0 =	rddreg [dreg:$0x2]  }
0x184: {  	s0 =	sadd.s32 @!p0 $0x100000, s0  }
0x185: {  	[sflag:s0] =	ssyncadd.tile.s32 @!p0 $0x1;
	_ =	shalt  }
.Lfunc_end2:
_tile_overlayer_lowered:
.L_overlay_start_2:
0x186: {  	(tag) =	ssettag $0x2  }
0x187: {  	s0 =	rddreg [dreg:$0x0];
	s2 =	stileid.u32  }
0x188: {  	s1 =	rddreg [dreg:$0x1];
	p0 =	sne.s32 s2, $0x0  }
0x189: {  	s3 =	rddreg [dreg:$0x2];
	[bflag:$0x3] =	sbarrier.arrive $0xFFFF;
	s2 =	simm.s32 @!p0 $0x1C09  }
0x18a: {  	[timem:s3], [sflag:s2] =	dma.local @!p0 [hbm:s0], s1  }
0x18b: {  	s0 =	simm.s32 @!p0 $0x9  }
0x18c: {  	_ =	swait.ge @!p0 [sflag:s0], s1  }
0x18d: {  	s1 =	ssub.s32 @!p0 $0x0, s1;
	[sflag:s0] =	ssyncset.done @!p0 $0x0  }
0x18e: {  	[sflag:s0] =	ssyncadd.s32 @!p0 s1  }
0x18f: {  	[bflag:$0x3] =	sbarrier.arrive $0xFFFF  }
0x190: {  	_ =	shalt  }

</sc_bundles>
